<compile_context>
chip_gen: v7x
topology: tpu7x:2x2x1
jax: 0.10.2.dev20260603
libtpu: 0.0.44.dev20260713+nightly
codegen_flags: <defaults>
</compile_context>

<pallas_src>
import functools

import jax
import jax.numpy as jnp
from jax import lax
from jax.experimental import pallas as pl
from jax.experimental.pallas import tpu as pltpu
from jax.experimental.pallas import tpu_sc as plsc

_BF = jnp.bfloat16
_F32 = jnp.float32


def _dot(a, b):
    return lax.dot(a, b, preferred_element_type=_F32)


def _mm(a, b):
    return _dot(a.astype(_BF), b.astype(_BF))


_bf1 = _mm


def _rbf(a):
    return a.astype(_BF).astype(_F32)


_NC = 2
_NS = 16
_NW = _NC * _NS


def _pick_chunk(n):
    for c in range(128, 7, -8):
        if n % c == 0:
            return c
    raise ValueError(f"no valid chunk for {n}")


def _sc_multi_gather(pairs):
    specs = []
    for t, ix in pairs:
        btot = ix.shape[0]
        assert btot % (_NW * 8) == 0, btot
        n_per_w = btot // _NW
        specs.append((t.dtype, t.shape[1], btot, n_per_w, _pick_chunk(n_per_w)))
    n = len(pairs)
    scratch = []
    for dt, dd, btot, npw, ch in specs:
        scratch += [pltpu.VMEM((npw,), jnp.int32),
                    pltpu.VMEM((2, ch, dd), dt),
                    pltpu.SemaphoreType.DMA,
                    pltpu.SemaphoreType.DMA]
    out_type = tuple(jax.ShapeDtypeStruct((s[2], s[1]), s[0]) for s in specs)
    mesh = plsc.VectorSubcoreMesh(core_axis_name="c", subcore_axis_name="s")

    @functools.partial(
        pl.kernel,
        out_type=out_type,
        mesh=mesh,
        scratch_types=scratch,
        compiler_params=pltpu.CompilerParams(use_tc_tiling_on_sc=False),
    )
    def gk(*refs):
        wid = lax.axis_index("s") * _NC + lax.axis_index("c")
        for g, (dt, dd, btot, n_per_w, ch) in enumerate(specs):
            table_hbm = refs[2 * g]
            idx_hbm = refs[2 * g + 1]
            out_hbm = refs[2 * n + g]
            idx_v, rows_v, sem0, sem1 = refs[3 * n + 4 * g: 3 * n + 4 * g + 4]
            n_chunks = n_per_w // ch
            base = wid * n_per_w
            pltpu.sync_copy(idx_hbm.at[pl.ds(base, n_per_w)], idx_v)
            sems = (sem0, sem1)

            def start(k, slot):
                pltpu.async_copy(
                    table_hbm.at[idx_v.at[pl.ds(k * ch, ch)]],
                    rows_v.at[slot], sems[slot])

            def finish(k, slot):
                pltpu.make_async_copy(
                    table_hbm.at[idx_v.at[pl.ds(k * ch, ch)]],
                    rows_v.at[slot], sems[slot]).wait()
                pltpu.sync_copy(rows_v.at[slot],
                                out_hbm.at[pl.ds(base + k * ch, ch)])

            start(0, 0)

            @pl.loop(0, (n_chunks + 1) // 2)
            def _pair(j, n_chunks=n_chunks, start=start, finish=finish):
                k0 = 2 * j
                k1 = k0 + 1

                @pl.when(k1 < n_chunks)
                def _():
                    start(k1, 1)

                finish(k0, 0)

                @pl.when(k1 + 1 < n_chunks)
                def _():
                    start(k1 + 1, 0)

                @pl.when(k1 < n_chunks)
                def _():
                    finish(k1, 1)

    return gk(*[a for pair in pairs for a in pair])


def _full(w):
    return pl.BlockSpec(w.shape, lambda i: (0,) * w.ndim)


def _precompute_body(nu_total, q_ref, p_ref, c_ref, b_ref, r_ref, e_ref,
                     wgv_t_ref, wgu_t_ref, wia1_b_ref, wsa1_b_ref,
                     wua1_b_ref, wgv_b_ref, wgu_b_ref,
                     bia1_ref, bsa1_ref, bua1_ref, bgv_ref, bgu_ref,
                     x2all_ref, f2all_ref, pwb_ref, psb_ref, qub_ref,
                     cr_ref, cb_ref):
    q = q_ref[...]
    p = p_ref[...]
    ewgv = _mm(e_ref[...], wgv_b_ref[...])
    ewgu = _mm(e_ref[...], wgu_b_ref[...])
    qw = _mm(q, wgv_t_ref[...]) + bgv_ref[...]
    pw = _mm(p, wgu_t_ref[...]) + bgu_ref[...]
    for r in range(5):
        x2all_ref[r] = jnp.maximum(qw + ewgv[r:r + 1, :], 0.0)
        f2all_ref[r] = jnp.maximum(pw + ewgu[r:r + 1, :], 0.0)
    pwb_ref[...] = _mm(p, wia1_b_ref[...]) + bia1_ref[...]
    psb_ref[...] = _mm(p, wsa1_b_ref[...]) + bsa1_ref[...]
    qub_ref[...] = _mm(q, wua1_b_ref[...]) + bua1_ref[...]
    cr_ref[...] = r_ref[...] * nu_total + c_ref[...]
    cb_ref[...] = r_ref[...] * nu_total + b_ref[...]


def _attn(x128, pre128, pw, w2vec, bu):
    x3 = x128.reshape(bu, 16, 128)
    pre3 = pre128.reshape(bu, 16, 128)
    pwx = jnp.concatenate([pw, pw], axis=-1)
    t3 = jnp.maximum(pre3 + pwx[:, None, :], 0.0)
    tw = _rbf(t3)
    w2x = _rbf(w2vec).reshape(1, 1, 64)
    sl = jnp.sum(tw[:, :, 0:64] * w2x, axis=-1)
    sr = jnp.sum(tw[:, :, 64:128] * w2x, axis=-1)
    el = jnp.exp(sl)
    er = jnp.exp(sr)
    num = jnp.sum(el[:, :, None] * x3[:, :, 0:64]
                  + er[:, :, None] * x3[:, :, 64:128], axis=1)
    den = jnp.sum(el + er, axis=-1, keepdims=True)
    return num / den


def _blockdiag2(w):
    z = jnp.zeros_like(w)
    return jnp.concatenate([jnp.concatenate([w, z], axis=1),
                            jnp.concatenate([z, w], axis=1)], axis=0)


def _item_agg_body(gx2_ref, pwb_ref, wia1_t_ref, wia2_ref,
                   wih_ref, bih_ref, out_ref):
    bu = gx2_ref.shape[0] // 16
    x128 = gx2_ref[...]
    pre128 = _bf1(x128, _blockdiag2(wia1_t_ref[...]))
    agg = _attn(x128, pre128, pwb_ref[...], wia2_ref[...], bu)
    out_ref[...] = jnp.maximum(_mm(agg, wih_ref[...]) + bih_ref[...], 0.0)


def _batch_body(hib_ref, xo_ref, psbu_ref, gf2_ref, qubi_ref,
                wsa1_t_ref, wsa2_ref, wsh_ref, bsh_ref,
                wf1a_ref, wf1b_ref, bf1_ref, wf2_ref, bf2_ref,
                wf3_ref, bf3_ref,
                wua1_t_ref, wua2_ref, wuh_ref, buh_ref,
                wr1a_ref, wr1b_ref, br1_ref, wr2_ref, br2_ref,
                wr3_ref, br3_ref, wro_ref, bro_ref, out_ref):
    bb = xo_ref.shape[0] // 16
    xo2 = xo_ref[...]
    pre2 = _bf1(xo2, _blockdiag2(wsa1_t_ref[...]))
    hs0 = _attn(xo2, pre2, psbu_ref[...], wsa2_ref[...], bb)
    h_s = jnp.maximum(_mm(hs0, wsh_ref[...]) + bsh_ref[...], 0.0)
    h = jnp.maximum(
        _mm(hib_ref[...], wf1a_ref[...]) + _mm(h_s, wf1b_ref[...])
        + bf1_ref[...], 0.0)
    h = jnp.maximum(_mm(h, wf2_ref[...]) + bf2_ref[...], 0.0)
    h = jnp.maximum(_mm(h, wf3_ref[...]) + bf3_ref[...], 0.0)
    f2 = gf2_ref[...]
    pre2 = _bf1(f2, _blockdiag2(wua1_t_ref[...]))
    z0 = _attn(f2, pre2, qubi_ref[...], wua2_ref[...], bb)
    z = jnp.maximum(_mm(z0, wuh_ref[...]) + buh_ref[...], 0.0)
    g = jnp.maximum(
        _mm(h, wr1a_ref[...]) + _mm(z, wr1b_ref[...]) + br1_ref[...], 0.0)
    g = jnp.maximum(_mm(g, wr2_ref[...]) + br2_ref[...], 0.0)
    g = jnp.maximum(_mm(g, wr3_ref[...]) + br3_ref[...], 0.0)
    out_ref[...] = (jnp.sum(_rbf(g) * _rbf(wro_ref[...]), axis=-1,
                            keepdims=True) + bro_ref[...])


def kernel(user_idx, item_idx, C, N, B, R, params):
    p = params
    nu, l = C.shape
    batch = user_idx.shape[0]
    d = p["P"].shape[1]

    def row(v):
        return v.reshape(1, -1).astype(_F32)

    e_pad = jnp.zeros((8, d), _F32).at[0:5, :].set(p["E"])

    br = 1000
    pre_in = [p["Q"], p["P"], C, B, R, e_pad,
              p["Wgv"][0:64], p["Wgu"][0:64], p["Wia1"][64:128],
              p["Wsa1"][64:128], p["Wua1"][64:128],
              p["Wgv"][64:128], p["Wgu"][64:128],
              row(p["bia1"]), row(p["bsa1"]), row(p["bua1"]),
              row(p["bgv"]), row(p["bgu"])]
    blk = lambda w, h: pl.BlockSpec((w, h), lambda i: (i, 0))
    pre_specs = ([blk(br, d), blk(br, d), blk(br, l), blk(br, l), blk(br, l)]
                 + [_full(a) for a in pre_in[5:]])
    tbl = jax.ShapeDtypeStruct((nu, d), _F32)
    tbl5 = jax.ShapeDtypeStruct((5, nu, d), _F32)
    itbl = jax.ShapeDtypeStruct((nu, l), jnp.int32)
    blk3 = pl.BlockSpec((5, br, d), lambda i: (0, i, 0))
    x2all, f2all, pwb, psb, qub, cr, cb = pl.pallas_call(
        functools.partial(_precompute_body, nu),
        grid=(nu // br,),
        in_specs=pre_specs,
        out_specs=[blk3, blk3, blk(br, d), blk(br, d),
                   blk(br, d), blk(br, l), blk(br, l)],
        out_shape=(tbl5, tbl5, tbl, tbl, tbl, itbl, itbl),
    )(*pre_in)
    x2all = x2all.reshape(5 * nu, d)
    f2all = f2all.reshape(5 * nu, d)

    gx2, nb, cbi, psb_u, qub_i = _sc_multi_gather([
        (x2all, cr.reshape(-1)),
        (N, user_idx),
        (cb, item_idx),
        (psb, user_idx),
        (qub, item_idx),
    ])

    gx2 = gx2.reshape(nu * l // 2, 2 * d)

    bu = 200
    h_i = pl.pallas_call(
        _item_agg_body,
        grid=(nu // bu,),
        in_specs=[
            pl.BlockSpec((bu * l // 2, 2 * d), lambda i: (i, 0)),
            pl.BlockSpec((bu, d), lambda i: (i, 0)),
            _full(p["Wia1"][0:64]), _full(row(p["wia2"][:, 0])),
            _full(p["Wih"]), _full(row(p["bih"])),
        ],
        out_specs=pl.BlockSpec((bu, d), lambda i: (i, 0)),
        out_shape=jax.ShapeDtypeStruct((nu, d), _F32),
    )(gx2, pwb, p["Wia1"][0:64], row(p["wia2"][:, 0]),
      p["Wih"], row(p["bih"]))

    gf2, xo, hib = _sc_multi_gather([
        (f2all, cbi.reshape(-1)),
        (h_i, nb.reshape(-1)),
        (h_i, user_idx),
    ])
    gf2 = gf2.reshape(batch * l // 2, 2 * d)
    xo = xo.reshape(batch * l // 2, 2 * d)

    bb = 256
    wide = [
        pl.BlockSpec((bb, d), lambda i: (i, 0)),
        pl.BlockSpec((bb * l // 2, 2 * d), lambda i: (i, 0)),
        pl.BlockSpec((bb, d), lambda i: (i, 0)),
        pl.BlockSpec((bb * l // 2, 2 * d), lambda i: (i, 0)),
        pl.BlockSpec((bb, d), lambda i: (i, 0)),
    ]
    w_args = [p["Wsa1"][0:64], row(p["wsa2"][:, 0]), p["Wsh"], row(p["bsh"]),
              p["Wf1"][0:64], p["Wf1"][64:128], row(p["bf1"]),
              p["Wf2"], row(p["bf2"]), p["Wf3"], row(p["bf3"]),
              p["Wua1"][0:64], row(p["wua2"][:, 0]), p["Wuh"], row(p["buh"]),
              p["Wr1"][0:64], p["Wr1"][64:128], row(p["br1"]),
              p["Wr2"], row(p["br2"]), p["Wr3"], row(p["br3"]),
              row(p["Wro"][:, 0]), row(p["bro"])]
    out = pl.pallas_call(
        _batch_body,
        grid=(batch // bb,),
        in_specs=wide + [_full(w) for w in w_args],
        out_specs=pl.BlockSpec((bb, 1), lambda i: (i, 0)),
        out_shape=jax.ShapeDtypeStruct((batch, 1), _F32),
    )(hib, xo, psb_u, gf2, qub_i, *w_args)
    return out.reshape(batch)

# --- scband reference (transcript-rebuilt; emitter-appended) ---
"""Pipeline reference for scband-graph-rec-46076409152415 (READ-ONLY COPY).

The authoritative reference and input builder live on the scoring server;
editing this copy changes nothing except your own understanding.
"""

import jax, jax.numpy as jnp
import numpy as np

NU = 10000
NI = 10000
NR = 5
D = 64
H = 64
BATCH = 1024
L = 32
LS = 32


def _init_params(key):
    ks = jax.random.split(key, 48)
    def rn(i, shape, s=0.05):
        return jax.random.normal(ks[i], shape, dtype=jnp.float32) * s
    z = lambda shape: jnp.zeros(shape, dtype=jnp.float32)
    p = {}
    p["P"] = rn(0, (NU, D))
    p["Q"] = rn(1, (NI, D))
    p["E"] = rn(2, (NR, D))
    p["Wgv"] = rn(3, (2 * D, H), 0.1); p["bgv"] = z((H,))
    p["Wia1"] = rn(4, (H + D, H), 0.1); p["bia1"] = z((H,))
    p["wia2"] = rn(5, (H, 1), 0.1); p["bia2"] = z((1,))
    p["Wih"] = rn(6, (H, H), 0.1); p["bih"] = z((H,))
    p["Wsa1"] = rn(7, (H + D, H), 0.1); p["bsa1"] = z((H,))
    p["wsa2"] = rn(8, (H, 1), 0.1); p["bsa2"] = z((1,))
    p["Wsh"] = rn(9, (H, H), 0.1); p["bsh"] = z((H,))
    p["Wf1"] = rn(10, (2 * H, H), 0.1); p["bf1"] = z((H,))
    p["Wf2"] = rn(11, (H, H), 0.1); p["bf2"] = z((H,))
    p["Wf3"] = rn(12, (H, H), 0.1); p["bf3"] = z((H,))
    p["Wgu"] = rn(13, (2 * D, H), 0.1); p["bgu"] = z((H,))
    p["Wua1"] = rn(14, (H + D, H), 0.1); p["bua1"] = z((H,))
    p["wua2"] = rn(15, (H, 1), 0.1); p["bua2"] = z((1,))
    p["Wuh"] = rn(16, (H, H), 0.1); p["buh"] = z((H,))
    p["Wr1"] = rn(17, (2 * H, H), 0.1); p["br1"] = z((H,))
    p["Wr2"] = rn(18, (H, H), 0.1); p["br2"] = z((H,))
    p["Wr3"] = rn(19, (H, H), 0.1); p["br3"] = z((H,))
    p["Wro"] = rn(20, (H, 1), 0.1); p["bro"] = z((1,))
    return p


def setup_inputs(seed: int = 0):
    key = jax.random.key(seed)
    kp, k1, k2, k3, k4, k5, k6 = jax.random.split(key, 7)
    params = _init_params(kp)
    user_idx = jax.random.randint(k1, (BATCH,), 0, NU)
    item_idx = jax.random.randint(k2, (BATCH,), 0, NI)
    C = jax.random.randint(k3, (NU, L), 0, NI)
    N = jax.random.randint(k4, (NU, LS), 0, NU)
    B = jax.random.randint(k5, (NI, L), 0, NU)
    R = jax.random.randint(k6, (NU, L), 0, NR)
    return {"user_idx": user_idx, "item_idx": item_idx, "C": C, "N": N, "B": B, "R": R, "params": params}


def _forward(params, user_idx, item_idx, C, N, B, R):
    p = params
    relu = jax.nn.relu

    def item_agg(u_idx):
        Cu = C[u_idx]
        Ru = R[u_idx]
        qj = p["Q"][Cu]
        er = p["E"][Ru]
        x = relu(jnp.concatenate([qj, er], axis=-1) @ p["Wgv"] + p["bgv"])
        pi = jnp.broadcast_to(p["P"][u_idx][:, None, :], x.shape[:2] + (D,))
        a = relu(jnp.concatenate([x, pi], axis=-1) @ p["Wia1"] + p["bia1"]) @ p["wia2"] + p["bia2"]
        alpha = jax.nn.softmax(a, axis=1)
        agg = jnp.sum(alpha * x, axis=1)
        return relu(agg @ p["Wih"] + p["bih"])

    h_I_batch = item_agg(user_idx)
    h_I_all = item_agg(jnp.arange(NU))
    nb = N[user_idx]
    xo = h_I_all[nb]
    pi = jnp.broadcast_to(p["P"][user_idx][:, None, :], xo.shape[:2] + (D,))
    b = relu(jnp.concatenate([xo, pi], axis=-1) @ p["Wsa1"] + p["bsa1"]) @ p["wsa2"] + p["bsa2"]
    beta = jax.nn.softmax(b, axis=1)
    h_S = relu(jnp.sum(beta * xo, axis=1) @ p["Wsh"] + p["bsh"])
    h = jnp.concatenate([h_I_batch, h_S], axis=-1)
    h = relu(h @ p["Wf1"] + p["bf1"])
    h = relu(h @ p["Wf2"] + p["bf2"])
    h = relu(h @ p["Wf3"] + p["bf3"])
    Bv = B[item_idx]
    Rv = R[item_idx]
    pt = p["P"][Bv]
    er = p["E"][Rv]
    f = relu(jnp.concatenate([pt, er], axis=-1) @ p["Wgu"] + p["bgu"])
    qj = jnp.broadcast_to(p["Q"][item_idx][:, None, :], f.shape[:2] + (D,))
    m = relu(jnp.concatenate([f, qj], axis=-1) @ p["Wua1"] + p["bua1"]) @ p["wua2"] + p["bua2"]
    mu = jax.nn.softmax(m, axis=1)
    z = relu(jnp.sum(mu * f, axis=1) @ p["Wuh"] + p["buh"])
    g = jnp.concatenate([h, z], axis=-1)
    g = relu(g @ p["Wr1"] + p["br1"])
    g = relu(g @ p["Wr2"] + p["br2"])
    g = relu(g @ p["Wr3"] + p["br3"])
    return (g @ p["Wro"] + p["bro"]).squeeze(-1)


def reference(user_idx, item_idx, C, N, B, R, params):
    return _forward(params, user_idx, item_idx, C, N, B, R)

if __name__ == "__main__":
    import jax
    _d = setup_inputs()
    print(jax.jit(kernel)(*tuple(_d.values())))

</pallas_src>

<mosaic_0001>
#map = affine_map<(d0, d1) -> (0, 0)>
#map1 = affine_map<(d0, d1) -> (0)>
module attributes {stable_mosaic.version = 14 : i64} {
  func.func @gk(%arg0: i32, %arg1: i32, %arg2: memref<50000x64xf32, #tpu.memory_space<hbm>>, %arg3: memref<32768xi32, #tpu.memory_space<hbm>>, %arg4: memref<10000x64xf32, #tpu.memory_space<hbm>>, %arg5: memref<32768xi32, #tpu.memory_space<hbm>>, %arg6: memref<10000x64xf32, #tpu.memory_space<hbm>>, %arg7: memref<1024xi32, #tpu.memory_space<hbm>>, %arg8: memref<32768x64xf32, #tpu.memory_space<hbm>>, %arg9: memref<32768x64xf32, #tpu.memory_space<hbm>>, %arg10: memref<1024x64xf32, #tpu.memory_space<hbm>>, %arg11: memref<1024xi32, #tpu.memory_space<vmem>>, %arg12: memref<2x128x64xf32, #tpu.memory_space<vmem>>, %arg13: memref<!tpu.dma_semaphore, #tpu.memory_space<semaphore_mem>>, %arg14: memref<!tpu.dma_semaphore, #tpu.memory_space<semaphore_mem>>, %arg15: memref<1024xi32, #tpu.memory_space<vmem>>, %arg16: memref<2x128x64xf32, #tpu.memory_space<vmem>>, %arg17: memref<!tpu.dma_semaphore, #tpu.memory_space<semaphore_mem>>, %arg18: memref<!tpu.dma_semaphore, #tpu.memory_space<semaphore_mem>>, %arg19: memref<32xi32, #tpu.memory_space<vmem>>, %arg20: memref<2x32x64xf32, #tpu.memory_space<vmem>>, %arg21: memref<!tpu.dma_semaphore, #tpu.memory_space<semaphore_mem>>, %arg22: memref<!tpu.dma_semaphore, #tpu.memory_space<semaphore_mem>>) attributes {dimension_semantics = [#tpu.dimension_semantics<core_parallel>, #tpu.dimension_semantics<subcore_parallel>], iteration_bounds = array<i64: 2, 16>, scalar_prefetch = 0 : i64, scratch_operands = 12 : i64, tpu.core_type = #tpu.core_type<sc_vector_subcore>, window_params = [{transform_indices = #map}, {transform_indices = #map1}, {transform_indices = #map}, {transform_indices = #map1}, {transform_indices = #map}, {transform_indices = #map1}, {transform_indices = #map}, {transform_indices = #map}, {transform_indices = #map}]} {
    %mul3A = arith.constant 2 : i32
    %mul3A_0 = arith.muli %arg1, %mul3A : i32
    %add3A = arith.addi %mul3A_0, %arg0 : i32
    %mul3A_1 = arith.constant 1024 : i32
    %mul3A_2 = arith.muli %add3A, %mul3A_1 : i32
    "tpu.region"() ({
      %run_scoped3A_82 = tpu.sem_alloc : memref<!tpu.dma_semaphore, #tpu.memory_space<semaphore_mem>>
      %dma_start3A_83 = tpu.memref_slice %arg3[%mul3A_2] : memref<32768xi32, #tpu.memory_space<hbm>> -> memref<1024xi32, #tpu.memory_space<hbm>>
      %dma_start3A_84 = tpu.memref_slice %arg3[%mul3A_2] : memref<32768xi32, #tpu.memory_space<hbm>> -> memref<1024xi32, #tpu.memory_space<hbm>>
      tpu.enqueue_dma source(%dma_start3A_84 : memref<1024xi32, #tpu.memory_space<hbm>>) target(%arg11 : memref<1024xi32, #tpu.memory_space<vmem>>) target_semaphore(%run_scoped3A_82 : memref<!tpu.dma_semaphore, #tpu.memory_space<semaphore_mem>>)
      %dma_wait3A_85 = tpu.memref_slice %arg3[%mul3A_2] : memref<32768xi32, #tpu.memory_space<hbm>> -> memref<1024xi32, #tpu.memory_space<hbm>>
      %dma_wait3A_86 = tpu.memref_slice %arg3[%mul3A_2] : memref<32768xi32, #tpu.memory_space<hbm>> -> memref<1024xi32, #tpu.memory_space<hbm>>
      tpu.wait_dma2 semaphore(%run_scoped3A_82 : memref<!tpu.dma_semaphore, #tpu.memory_space<semaphore_mem>>) src(%dma_wait3A_86 : memref<1024xi32, #tpu.memory_space<hbm>>) dst(%arg11 : memref<1024xi32, #tpu.memory_space<vmem>>)
      tpu.yield
    }) : () -> ()
    %dma_start3A = arith.constant 0 : i32
    %dma_start3A_3 = arith.constant 0 : i32
    %dma_start3A_4 = arith.constant 0 : i32
    %dma_start3A_5 = tpu.memref_slice %arg12[%dma_start3A, %dma_start3A_3, %dma_start3A_4] : memref<2x128x64xf32, #tpu.memory_space<vmem>> -> memref<1x128x64xf32, #tpu.memory_space<vmem>>
    %dma_start3A_6 = tpu.memref_squeeze %dma_start3A_5 : memref<1x128x64xf32, #tpu.memory_space<vmem>> -> memref<128x64xf32, #tpu.memory_space<vmem>>
    %dma_start3A_7 = arith.constant 0 : i32
    %dma_start3A_8 = tpu.memref_slice %arg11[%dma_start3A_7] : memref<1024xi32, #tpu.memory_space<vmem>> -> memref<128xi32, #tpu.memory_space<vmem>>
    %dma_start3A_9 = arith.constant 0 : i32
    %dma_start3A_10 = arith.constant 0 : i32
    %dma_start3A_11 = tpu.memref_slice %arg2[%dma_start3A_9, %dma_start3A_10] : memref<50000x64xf32, #tpu.memory_space<hbm>> -> memref<50000x64xf32, #tpu.memory_space<hbm>>
    tpu.enqueue_indirect_dma source(%dma_start3A_11 : memref<50000x64xf32, #tpu.memory_space<hbm>>) target(%dma_start3A_6 : memref<128x64xf32, #tpu.memory_space<vmem>>) offsets(%dma_start3A_8 : memref<128xi32, #tpu.memory_space<vmem>>) semaphore(%arg13 : memref<!tpu.dma_semaphore, #tpu.memory_space<semaphore_mem>>)
    %scan3A = arith.constant 0 : i32
    %scan3A_12 = arith.constant 4 : i32
    %scan3A_13 = arith.addi %scan3A, %scan3A_12 : i32
    %scan3A_14 = arith.constant 1 : i32
    scf.for %scan3A_82 = %scan3A to %scan3A_13 step %scan3A_14  : i32 {
      %mul3A_83 = arith.constant 1 : i32
      %mul3A_84 = arith.muli %scan3A_82, %mul3A_83 : i32
      %add3A_85 = arith.constant 0 : i32
      %add3A_86 = arith.addi %add3A_85, %mul3A_84 : i32
      %mul3A_87 = arith.constant 2 : i32
      %mul3A_88 = arith.muli %mul3A_87, %add3A_86 : i32
      %add3A_89 = arith.constant 1 : i32
      %add3A_90 = arith.addi %mul3A_88, %add3A_89 : i32
      %lt3A_91 = arith.constant 8 : i32
      %lt3A_92 = arith.cmpi slt, %add3A_90, %lt3A_91 : i32
      %convert_element_type3A_93 = arith.extui %lt3A_92 : i1 to i32
      %cond3A_94 = arith.constant 0 : i32
      %cond3A_95 = arith.cmpi ne, %convert_element_type3A_93, %cond3A_94 : i32
      scf.if %cond3A_95 {
        %mul3A_123 = arith.constant 128 : i32
        %mul3A_124 = arith.muli %add3A_90, %mul3A_123 : i32
        %dma_start3A_125 = arith.constant 1 : i32
        %dma_start3A_126 = arith.constant 0 : i32
        %dma_start3A_127 = arith.constant 0 : i32
        %dma_start3A_128 = tpu.memref_slice %arg12[%dma_start3A_125, %dma_start3A_126, %dma_start3A_127] : memref<2x128x64xf32, #tpu.memory_space<vmem>> -> memref<1x128x64xf32, #tpu.memory_space<vmem>>
        %dma_start3A_129 = tpu.memref_squeeze %dma_start3A_128 : memref<1x128x64xf32, #tpu.memory_space<vmem>> -> memref<128x64xf32, #tpu.memory_space<vmem>>
        %dma_start3A_130 = tpu.memref_slice %arg11[%mul3A_124] : memref<1024xi32, #tpu.memory_space<vmem>> -> memref<128xi32, #tpu.memory_space<vmem>>
        %dma_start3A_131 = arith.constant 0 : i32
        %dma_start3A_132 = arith.constant 0 : i32
        %dma_start3A_133 = tpu.memref_slice %arg2[%dma_start3A_131, %dma_start3A_132] : memref<50000x64xf32, #tpu.memory_space<hbm>> -> memref<50000x64xf32, #tpu.memory_space<hbm>>
        tpu.enqueue_indirect_dma source(%dma_start3A_133 : memref<50000x64xf32, #tpu.memory_space<hbm>>) target(%dma_start3A_129 : memref<128x64xf32, #tpu.memory_space<vmem>>) offsets(%dma_start3A_130 : memref<128xi32, #tpu.memory_space<vmem>>) semaphore(%arg14 : memref<!tpu.dma_semaphore, #tpu.memory_space<semaphore_mem>>)
      } else {
      }
      %mul3A_96 = arith.constant 128 : i32
      %mul3A_97 = arith.muli %mul3A_88, %mul3A_96 : i32
      %dma_wait3A_98 = arith.constant 0 : i32
      %dma_wait3A_99 = arith.constant 0 : i32
      %dma_wait3A_100 = arith.constant 0 : i32
      %dma_wait3A_101 = tpu.memref_slice %arg12[%dma_wait3A_98, %dma_wait3A_99, %dma_wait3A_100] : memref<2x128x64xf32, #tpu.memory_space<vmem>> -> memref<1x128x64xf32, #tpu.memory_space<vmem>>
      %dma_wait3A_102 = tpu.memref_squeeze %dma_wait3A_101 : memref<1x128x64xf32, #tpu.memory_space<vmem>> -> memref<128x64xf32, #tpu.memory_space<vmem>>
      %dma_wait3A_103 = tpu.memref_slice %arg11[%mul3A_97] : memref<1024xi32, #tpu.memory_space<vmem>> -> memref<128xi32, #tpu.memory_space<vmem>>
      %dma_wait3A_104 = arith.constant 0 : i32
      %dma_wait3A_105 = arith.constant 0 : i32
      %dma_wait3A_106 = tpu.memref_slice %arg2[%dma_wait3A_104, %dma_wait3A_105] : memref<50000x64xf32, #tpu.memory_space<hbm>> -> memref<50000x64xf32, #tpu.memory_space<hbm>>
      tpu.wait_indirect_dma semaphore(%arg13 : memref<!tpu.dma_semaphore, #tpu.memory_space<semaphore_mem>>) src(%dma_wait3A_106 : memref<50000x64xf32, #tpu.memory_space<hbm>>) dst(%dma_wait3A_102 : memref<128x64xf32, #tpu.memory_space<vmem>>)
      %mul3A_107 = arith.constant 128 : i32
      %mul3A_108 = arith.muli %mul3A_88, %mul3A_107 : i32
      %add3A_109 = arith.addi %mul3A_2, %mul3A_108 : i32
      %run_scoped3A_110 = arith.constant 0 : i32
      "tpu.region"() ({
        %run_scoped3A_123 = tpu.sem_alloc : memref<!tpu.dma_semaphore, #tpu.memory_space<semaphore_mem>>
        %dma_start3A_124 = arith.constant 0 : i32
        %dma_start3A_125 = arith.constant 0 : i32
        %dma_start3A_126 = tpu.memref_slice %arg12[%run_scoped3A_110, %dma_start3A_124, %dma_start3A_125] : memref<2x128x64xf32, #tpu.memory_space<vmem>> -> memref<1x128x64xf32, #tpu.memory_space<vmem>>
        %dma_start3A_127 = tpu.memref_squeeze %dma_start3A_126 : memref<1x128x64xf32, #tpu.memory_space<vmem>> -> memref<128x64xf32, #tpu.memory_space<vmem>>
        %dma_start3A_128 = arith.constant 0 : i32
        %dma_start3A_129 = tpu.memref_slice %arg8[%add3A_109, %dma_start3A_128] : memref<32768x64xf32, #tpu.memory_space<hbm>> -> memref<128x64xf32, #tpu.memory_space<hbm>>
        %dma_start3A_130 = arith.constant 0 : i32
        %dma_start3A_131 = tpu.memref_slice %arg8[%add3A_109, %dma_start3A_130] : memref<32768x64xf32, #tpu.memory_space<hbm>> -> memref<128x64xf32, #tpu.memory_space<hbm>>
        %dma_start3A_132 = arith.constant 0 : i32
        %dma_start3A_133 = arith.constant 0 : i32
        %dma_start3A_134 = tpu.memref_slice %arg12[%run_scoped3A_110, %dma_start3A_132, %dma_start3A_133] : memref<2x128x64xf32, #tpu.memory_space<vmem>> -> memref<1x128x64xf32, #tpu.memory_space<vmem>>
        %dma_start3A_135 = tpu.memref_squeeze %dma_start3A_134 : memref<1x128x64xf32, #tpu.memory_space<vmem>> -> memref<128x64xf32, #tpu.memory_space<vmem>>
        tpu.enqueue_dma source(%dma_start3A_135 : memref<128x64xf32, #tpu.memory_space<vmem>>) target(%dma_start3A_131 : memref<128x64xf32, #tpu.memory_space<hbm>>) target_semaphore(%run_scoped3A_123 : memref<!tpu.dma_semaphore, #tpu.memory_space<semaphore_mem>>)
        %dma_wait3A_136 = arith.constant 0 : i32
        %dma_wait3A_137 = arith.constant 0 : i32
        %dma_wait3A_138 = tpu.memref_slice %arg12[%run_scoped3A_110, %dma_wait3A_136, %dma_wait3A_137] : memref<2x128x64xf32, #tpu.memory_space<vmem>> -> memref<1x128x64xf32, #tpu.memory_space<vmem>>
        %dma_wait3A_139 = tpu.memref_squeeze %dma_wait3A_138 : memref<1x128x64xf32, #tpu.memory_space<vmem>> -> memref<128x64xf32, #tpu.memory_space<vmem>>
        %dma_wait3A_140 = arith.constant 0 : i32
        %dma_wait3A_141 = tpu.memref_slice %arg8[%add3A_109, %dma_wait3A_140] : memref<32768x64xf32, #tpu.memory_space<hbm>> -> memref<128x64xf32, #tpu.memory_space<hbm>>
        %dma_wait3A_142 = arith.constant 0 : i32
        %dma_wait3A_143 = tpu.memref_slice %arg8[%add3A_109, %dma_wait3A_142] : memref<32768x64xf32, #tpu.memory_space<hbm>> -> memref<128x64xf32, #tpu.memory_space<hbm>>
        %dma_wait3A_144 = arith.constant 0 : i32
        %dma_wait3A_145 = arith.constant 0 : i32
        %dma_wait3A_146 = tpu.memref_slice %arg12[%run_scoped3A_110, %dma_wait3A_144, %dma_wait3A_145] : memref<2x128x64xf32, #tpu.memory_space<vmem>> -> memref<1x128x64xf32, #tpu.memory_space<vmem>>
        %dma_wait3A_147 = tpu.memref_squeeze %dma_wait3A_146 : memref<1x128x64xf32, #tpu.memory_space<vmem>> -> memref<128x64xf32, #tpu.memory_space<vmem>>
        tpu.wait_dma2 semaphore(%run_scoped3A_123 : memref<!tpu.dma_semaphore, #tpu.memory_space<semaphore_mem>>) src(%dma_wait3A_147 : memref<128x64xf32, #tpu.memory_space<vmem>>) dst(%dma_wait3A_143 : memref<128x64xf32, #tpu.memory_space<hbm>>)
        tpu.yield
      }) : () -> ()
      %add3A_111 = arith.constant 1 : i32
      %add3A_112 = arith.addi %add3A_90, %add3A_111 : i32
      %lt3A_113 = arith.constant 8 : i32
      %lt3A_114 = arith.cmpi slt, %add3A_112, %lt3A_113 : i32
      %convert_element_type3A_115 = arith.extui %lt3A_114 : i1 to i32
      %cond3A_116 = arith.constant 0 : i32
      %cond3A_117 = arith.cmpi ne, %convert_element_type3A_115, %cond3A_116 : i32
      scf.if %cond3A_117 {
        %add3A_123 = arith.constant 1 : i32
        %add3A_124 = arith.addi %add3A_90, %add3A_123 : i32
        %mul3A_125 = arith.constant 128 : i32
        %mul3A_126 = arith.muli %add3A_124, %mul3A_125 : i32
        %dma_start3A_127 = arith.constant 0 : i32
        %dma_start3A_128 = arith.constant 0 : i32
        %dma_start3A_129 = arith.constant 0 : i32
        %dma_start3A_130 = tpu.memref_slice %arg12[%dma_start3A_127, %dma_start3A_128, %dma_start3A_129] : memref<2x128x64xf32, #tpu.memory_space<vmem>> -> memref<1x128x64xf32, #tpu.memory_space<vmem>>
        %dma_start3A_131 = tpu.memref_squeeze %dma_start3A_130 : memref<1x128x64xf32, #tpu.memory_space<vmem>> -> memref<128x64xf32, #tpu.memory_space<vmem>>
        %dma_start3A_132 = tpu.memref_slice %arg11[%mul3A_126] : memref<1024xi32, #tpu.memory_space<vmem>> -> memref<128xi32, #tpu.memory_space<vmem>>
        %dma_start3A_133 = arith.constant 0 : i32
        %dma_start3A_134 = arith.constant 0 : i32
        %dma_start3A_135 = tpu.memref_slice %arg2[%dma_start3A_133, %dma_start3A_134] : memref<50000x64xf32, #tpu.memory_space<hbm>> -> memref<50000x64xf32, #tpu.memory_space<hbm>>
        tpu.enqueue_indirect_dma source(%dma_start3A_135 : memref<50000x64xf32, #tpu.memory_space<hbm>>) target(%dma_start3A_131 : memref<128x64xf32, #tpu.memory_space<vmem>>) offsets(%dma_start3A_132 : memref<128xi32, #tpu.memory_space<vmem>>) semaphore(%arg13 : memref<!tpu.dma_semaphore, #tpu.memory_space<semaphore_mem>>)
      } else {
      }
      %lt3A_118 = arith.constant 8 : i32
      %lt3A_119 = arith.cmpi slt, %add3A_90, %lt3A_118 : i32
      %convert_element_type3A_120 = arith.extui %lt3A_119 : i1 to i32
      %cond3A_121 = arith.constant 0 : i32
      %cond3A_122 = arith.cmpi ne, %convert_element_type3A_120, %cond3A_121 : i32
      scf.if %cond3A_122 {
        %mul3A_123 = arith.constant 128 : i32
        %mul3A_124 = arith.muli %add3A_90, %mul3A_123 : i32
        %dma_wait3A_125 = arith.constant 1 : i32
        %dma_wait3A_126 = arith.constant 0 : i32
        %dma_wait3A_127 = arith.constant 0 : i32
        %dma_wait3A_128 = tpu.memref_slice %arg12[%dma_wait3A_125, %dma_wait3A_126, %dma_wait3A_127] : memref<2x128x64xf32, #tpu.memory_space<vmem>> -> memref<1x128x64xf32, #tpu.memory_space<vmem>>
        %dma_wait3A_129 = tpu.memref_squeeze %dma_wait3A_128 : memref<1x128x64xf32, #tpu.memory_space<vmem>> -> memref<128x64xf32, #tpu.memory_space<vmem>>
        %dma_wait3A_130 = tpu.memref_slice %arg11[%mul3A_124] : memref<1024xi32, #tpu.memory_space<vmem>> -> memref<128xi32, #tpu.memory_space<vmem>>
        %dma_wait3A_131 = arith.constant 0 : i32
        %dma_wait3A_132 = arith.constant 0 : i32
        %dma_wait3A_133 = tpu.memref_slice %arg2[%dma_wait3A_131, %dma_wait3A_132] : memref<50000x64xf32, #tpu.memory_space<hbm>> -> memref<50000x64xf32, #tpu.memory_space<hbm>>
        tpu.wait_indirect_dma semaphore(%arg14 : memref<!tpu.dma_semaphore, #tpu.memory_space<semaphore_mem>>) src(%dma_wait3A_133 : memref<50000x64xf32, #tpu.memory_space<hbm>>) dst(%dma_wait3A_129 : memref<128x64xf32, #tpu.memory_space<vmem>>)
        %mul3A_134 = arith.constant 128 : i32
        %mul3A_135 = arith.muli %add3A_90, %mul3A_134 : i32
        %add3A_136 = arith.addi %mul3A_2, %mul3A_135 : i32
        %run_scoped3A_137 = arith.constant 1 : i32
        "tpu.region"() ({
          %run_scoped3A_138 = tpu.sem_alloc : memref<!tpu.dma_semaphore, #tpu.memory_space<semaphore_mem>>
          %dma_start3A_139 = arith.constant 0 : i32
          %dma_start3A_140 = arith.constant 0 : i32
          %dma_start3A_141 = tpu.memref_slice %arg12[%run_scoped3A_137, %dma_start3A_139, %dma_start3A_140] : memref<2x128x64xf32, #tpu.memory_space<vmem>> -> memref<1x128x64xf32, #tpu.memory_space<vmem>>
          %dma_start3A_142 = tpu.memref_squeeze %dma_start3A_141 : memref<1x128x64xf32, #tpu.memory_space<vmem>> -> memref<128x64xf32, #tpu.memory_space<vmem>>
          %dma_start3A_143 = arith.constant 0 : i32
          %dma_start3A_144 = tpu.memref_slice %arg8[%add3A_136, %dma_start3A_143] : memref<32768x64xf32, #tpu.memory_space<hbm>> -> memref<128x64xf32, #tpu.memory_space<hbm>>
          %dma_start3A_145 = arith.constant 0 : i32
          %dma_start3A_146 = tpu.memref_slice %arg8[%add3A_136, %dma_start3A_145] : memref<32768x64xf32, #tpu.memory_space<hbm>> -> memref<128x64xf32, #tpu.memory_space<hbm>>
          %dma_start3A_147 = arith.constant 0 : i32
          %dma_start3A_148 = arith.constant 0 : i32
          %dma_start3A_149 = tpu.memref_slice %arg12[%run_scoped3A_137, %dma_start3A_147, %dma_start3A_148] : memref<2x128x64xf32, #tpu.memory_space<vmem>> -> memref<1x128x64xf32, #tpu.memory_space<vmem>>
          %dma_start3A_150 = tpu.memref_squeeze %dma_start3A_149 : memref<1x128x64xf32, #tpu.memory_space<vmem>> -> memref<128x64xf32, #tpu.memory_space<vmem>>
          tpu.enqueue_dma source(%dma_start3A_150 : memref<128x64xf32, #tpu.memory_space<vmem>>) target(%dma_start3A_146 : memref<128x64xf32, #tpu.memory_space<hbm>>) target_semaphore(%run_scoped3A_138 : memref<!tpu.dma_semaphore, #tpu.memory_space<semaphore_mem>>)
          %dma_wait3A_151 = arith.constant 0 : i32
          %dma_wait3A_152 = arith.constant 0 : i32
          %dma_wait3A_153 = tpu.memref_slice %arg12[%run_scoped3A_137, %dma_wait3A_151, %dma_wait3A_152] : memref<2x128x64xf32, #tpu.memory_space<vmem>> -> memref<1x128x64xf32, #tpu.memory_space<vmem>>
          %dma_wait3A_154 = tpu.memref_squeeze %dma_wait3A_153 : memref<1x128x64xf32, #tpu.memory_space<vmem>> -> memref<128x64xf32, #tpu.memory_space<vmem>>
          %dma_wait3A_155 = arith.constant 0 : i32
          %dma_wait3A_156 = tpu.memref_slice %arg8[%add3A_136, %dma_wait3A_155] : memref<32768x64xf32, #tpu.memory_space<hbm>> -> memref<128x64xf32, #tpu.memory_space<hbm>>
          %dma_wait3A_157 = arith.constant 0 : i32
          %dma_wait3A_158 = tpu.memref_slice %arg8[%add3A_136, %dma_wait3A_157] : memref<32768x64xf32, #tpu.memory_space<hbm>> -> memref<128x64xf32, #tpu.memory_space<hbm>>
          %dma_wait3A_159 = arith.constant 0 : i32
          %dma_wait3A_160 = arith.constant 0 : i32
          %dma_wait3A_161 = tpu.memref_slice %arg12[%run_scoped3A_137, %dma_wait3A_159, %dma_wait3A_160] : memref<2x128x64xf32, #tpu.memory_space<vmem>> -> memref<1x128x64xf32, #tpu.memory_space<vmem>>
          %dma_wait3A_162 = tpu.memref_squeeze %dma_wait3A_161 : memref<1x128x64xf32, #tpu.memory_space<vmem>> -> memref<128x64xf32, #tpu.memory_space<vmem>>
          tpu.wait_dma2 semaphore(%run_scoped3A_138 : memref<!tpu.dma_semaphore, #tpu.memory_space<semaphore_mem>>) src(%dma_wait3A_162 : memref<128x64xf32, #tpu.memory_space<vmem>>) dst(%dma_wait3A_158 : memref<128x64xf32, #tpu.memory_space<hbm>>)
          tpu.yield
        }) : () -> ()
      } else {
      }
    }
    %scan3A_15 = arith.constant 4 : i32
    %mul3A_16 = arith.constant 1024 : i32
    %mul3A_17 = arith.muli %add3A, %mul3A_16 : i32
    "tpu.region"() ({
      %run_scoped3A_82 = tpu.sem_alloc : memref<!tpu.dma_semaphore, #tpu.memory_space<semaphore_mem>>
      %dma_start3A_83 = tpu.memref_slice %arg5[%mul3A_17] : memref<32768xi32, #tpu.memory_space<hbm>> -> memref<1024xi32, #tpu.memory_space<hbm>>
      %dma_start3A_84 = tpu.memref_slice %arg5[%mul3A_17] : memref<32768xi32, #tpu.memory_space<hbm>> -> memref<1024xi32, #tpu.memory_space<hbm>>
      tpu.enqueue_dma source(%dma_start3A_84 : memref<1024xi32, #tpu.memory_space<hbm>>) target(%arg15 : memref<1024xi32, #tpu.memory_space<vmem>>) target_semaphore(%run_scoped3A_82 : memref<!tpu.dma_semaphore, #tpu.memory_space<semaphore_mem>>)
      %dma_wait3A_85 = tpu.memref_slice %arg5[%mul3A_17] : memref<32768xi32, #tpu.memory_space<hbm>> -> memref<1024xi32, #tpu.memory_space<hbm>>
      %dma_wait3A_86 = tpu.memref_slice %arg5[%mul3A_17] : memref<32768xi32, #tpu.memory_space<hbm>> -> memref<1024xi32, #tpu.memory_space<hbm>>
      tpu.wait_dma2 semaphore(%run_scoped3A_82 : memref<!tpu.dma_semaphore, #tpu.memory_space<semaphore_mem>>) src(%dma_wait3A_86 : memref<1024xi32, #tpu.memory_space<hbm>>) dst(%arg15 : memref<1024xi32, #tpu.memory_space<vmem>>)
      tpu.yield
    }) : () -> ()
    %dma_start3A_18 = arith.constant 0 : i32
    %dma_start3A_19 = arith.constant 0 : i32
    %dma_start3A_20 = arith.constant 0 : i32
    %dma_start3A_21 = tpu.memref_slice %arg16[%dma_start3A_18, %dma_start3A_19, %dma_start3A_20] : memref<2x128x64xf32, #tpu.memory_space<vmem>> -> memref<1x128x64xf32, #tpu.memory_space<vmem>>
    %dma_start3A_22 = tpu.memref_squeeze %dma_start3A_21 : memref<1x128x64xf32, #tpu.memory_space<vmem>> -> memref<128x64xf32, #tpu.memory_space<vmem>>
    %dma_start3A_23 = arith.constant 0 : i32
    %dma_start3A_24 = tpu.memref_slice %arg15[%dma_start3A_23] : memref<1024xi32, #tpu.memory_space<vmem>> -> memref<128xi32, #tpu.memory_space<vmem>>
    %dma_start3A_25 = arith.constant 0 : i32
    %dma_start3A_26 = arith.constant 0 : i32
    %dma_start3A_27 = tpu.memref_slice %arg4[%dma_start3A_25, %dma_start3A_26] : memref<10000x64xf32, #tpu.memory_space<hbm>> -> memref<10000x64xf32, #tpu.memory_space<hbm>>
    tpu.enqueue_indirect_dma source(%dma_start3A_27 : memref<10000x64xf32, #tpu.memory_space<hbm>>) target(%dma_start3A_22 : memref<128x64xf32, #tpu.memory_space<vmem>>) offsets(%dma_start3A_24 : memref<128xi32, #tpu.memory_space<vmem>>) semaphore(%arg17 : memref<!tpu.dma_semaphore, #tpu.memory_space<semaphore_mem>>)
    %scan3A_28 = arith.constant 0 : i32
    %scan3A_29 = arith.constant 4 : i32
    %scan3A_30 = arith.addi %scan3A_28, %scan3A_29 : i32
    %scan3A_31 = arith.constant 1 : i32
    scf.for %scan3A_82 = %scan3A_28 to %scan3A_30 step %scan3A_31  : i32 {
      %mul3A_83 = arith.constant 1 : i32
      %mul3A_84 = arith.muli %scan3A_82, %mul3A_83 : i32
      %add3A_85 = arith.constant 0 : i32
      %add3A_86 = arith.addi %add3A_85, %mul3A_84 : i32
      %mul3A_87 = arith.constant 2 : i32
      %mul3A_88 = arith.muli %mul3A_87, %add3A_86 : i32
      %add3A_89 = arith.constant 1 : i32
      %add3A_90 = arith.addi %mul3A_88, %add3A_89 : i32
      %lt3A_91 = arith.constant 8 : i32
      %lt3A_92 = arith.cmpi slt, %add3A_90, %lt3A_91 : i32
      %convert_element_type3A_93 = arith.extui %lt3A_92 : i1 to i32
      %cond3A_94 = arith.constant 0 : i32
      %cond3A_95 = arith.cmpi ne, %convert_element_type3A_93, %cond3A_94 : i32
      scf.if %cond3A_95 {
        %mul3A_123 = arith.constant 128 : i32
        %mul3A_124 = arith.muli %add3A_90, %mul3A_123 : i32
        %dma_start3A_125 = arith.constant 1 : i32
        %dma_start3A_126 = arith.constant 0 : i32
        %dma_start3A_127 = arith.constant 0 : i32
        %dma_start3A_128 = tpu.memref_slice %arg16[%dma_start3A_125, %dma_start3A_126, %dma_start3A_127] : memref<2x128x64xf32, #tpu.memory_space<vmem>> -> memref<1x128x64xf32, #tpu.memory_space<vmem>>
        %dma_start3A_129 = tpu.memref_squeeze %dma_start3A_128 : memref<1x128x64xf32, #tpu.memory_space<vmem>> -> memref<128x64xf32, #tpu.memory_space<vmem>>
        %dma_start3A_130 = tpu.memref_slice %arg15[%mul3A_124] : memref<1024xi32, #tpu.memory_space<vmem>> -> memref<128xi32, #tpu.memory_space<vmem>>
        %dma_start3A_131 = arith.constant 0 : i32
        %dma_start3A_132 = arith.constant 0 : i32
        %dma_start3A_133 = tpu.memref_slice %arg4[%dma_start3A_131, %dma_start3A_132] : memref<10000x64xf32, #tpu.memory_space<hbm>> -> memref<10000x64xf32, #tpu.memory_space<hbm>>
        tpu.enqueue_indirect_dma source(%dma_start3A_133 : memref<10000x64xf32, #tpu.memory_space<hbm>>) target(%dma_start3A_129 : memref<128x64xf32, #tpu.memory_space<vmem>>) offsets(%dma_start3A_130 : memref<128xi32, #tpu.memory_space<vmem>>) semaphore(%arg18 : memref<!tpu.dma_semaphore, #tpu.memory_space<semaphore_mem>>)
      } else {
      }
      %mul3A_96 = arith.constant 128 : i32
      %mul3A_97 = arith.muli %mul3A_88, %mul3A_96 : i32
      %dma_wait3A_98 = arith.constant 0 : i32
      %dma_wait3A_99 = arith.constant 0 : i32
      %dma_wait3A_100 = arith.constant 0 : i32
      %dma_wait3A_101 = tpu.memref_slice %arg16[%dma_wait3A_98, %dma_wait3A_99, %dma_wait3A_100] : memref<2x128x64xf32, #tpu.memory_space<vmem>> -> memref<1x128x64xf32, #tpu.memory_space<vmem>>
      %dma_wait3A_102 = tpu.memref_squeeze %dma_wait3A_101 : memref<1x128x64xf32, #tpu.memory_space<vmem>> -> memref<128x64xf32, #tpu.memory_space<vmem>>
      %dma_wait3A_103 = tpu.memref_slice %arg15[%mul3A_97] : memref<1024xi32, #tpu.memory_space<vmem>> -> memref<128xi32, #tpu.memory_space<vmem>>
      %dma_wait3A_104 = arith.constant 0 : i32
      %dma_wait3A_105 = arith.constant 0 : i32
      %dma_wait3A_106 = tpu.memref_slice %arg4[%dma_wait3A_104, %dma_wait3A_105] : memref<10000x64xf32, #tpu.memory_space<hbm>> -> memref<10000x64xf32, #tpu.memory_space<hbm>>
      tpu.wait_indirect_dma semaphore(%arg17 : memref<!tpu.dma_semaphore, #tpu.memory_space<semaphore_mem>>) src(%dma_wait3A_106 : memref<10000x64xf32, #tpu.memory_space<hbm>>) dst(%dma_wait3A_102 : memref<128x64xf32, #tpu.memory_space<vmem>>)
      %mul3A_107 = arith.constant 128 : i32
      %mul3A_108 = arith.muli %mul3A_88, %mul3A_107 : i32
      %add3A_109 = arith.addi %mul3A_17, %mul3A_108 : i32
      %run_scoped3A_110 = arith.constant 0 : i32
      "tpu.region"() ({
        %run_scoped3A_123 = tpu.sem_alloc : memref<!tpu.dma_semaphore, #tpu.memory_space<semaphore_mem>>
        %dma_start3A_124 = arith.constant 0 : i32
        %dma_start3A_125 = arith.constant 0 : i32
        %dma_start3A_126 = tpu.memref_slice %arg16[%run_scoped3A_110, %dma_start3A_124, %dma_start3A_125] : memref<2x128x64xf32, #tpu.memory_space<vmem>> -> memref<1x128x64xf32, #tpu.memory_space<vmem>>
        %dma_start3A_127 = tpu.memref_squeeze %dma_start3A_126 : memref<1x128x64xf32, #tpu.memory_space<vmem>> -> memref<128x64xf32, #tpu.memory_space<vmem>>
        %dma_start3A_128 = arith.constant 0 : i32
        %dma_start3A_129 = tpu.memref_slice %arg9[%add3A_109, %dma_start3A_128] : memref<32768x64xf32, #tpu.memory_space<hbm>> -> memref<128x64xf32, #tpu.memory_space<hbm>>
        %dma_start3A_130 = arith.constant 0 : i32
        %dma_start3A_131 = tpu.memref_slice %arg9[%add3A_109, %dma_start3A_130] : memref<32768x64xf32, #tpu.memory_space<hbm>> -> memref<128x64xf32, #tpu.memory_space<hbm>>
        %dma_start3A_132 = arith.constant 0 : i32
        %dma_start3A_133 = arith.constant 0 : i32
        %dma_start3A_134 = tpu.memref_slice %arg16[%run_scoped3A_110, %dma_start3A_132, %dma_start3A_133] : memref<2x128x64xf32, #tpu.memory_space<vmem>> -> memref<1x128x64xf32, #tpu.memory_space<vmem>>
        %dma_start3A_135 = tpu.memref_squeeze %dma_start3A_134 : memref<1x128x64xf32, #tpu.memory_space<vmem>> -> memref<128x64xf32, #tpu.memory_space<vmem>>
        tpu.enqueue_dma source(%dma_start3A_135 : memref<128x64xf32, #tpu.memory_space<vmem>>) target(%dma_start3A_131 : memref<128x64xf32, #tpu.memory_space<hbm>>) target_semaphore(%run_scoped3A_123 : memref<!tpu.dma_semaphore, #tpu.memory_space<semaphore_mem>>)
        %dma_wait3A_136 = arith.constant 0 : i32
        %dma_wait3A_137 = arith.constant 0 : i32
        %dma_wait3A_138 = tpu.memref_slice %arg16[%run_scoped3A_110, %dma_wait3A_136, %dma_wait3A_137] : memref<2x128x64xf32, #tpu.memory_space<vmem>> -> memref<1x128x64xf32, #tpu.memory_space<vmem>>
        %dma_wait3A_139 = tpu.memref_squeeze %dma_wait3A_138 : memref<1x128x64xf32, #tpu.memory_space<vmem>> -> memref<128x64xf32, #tpu.memory_space<vmem>>
        %dma_wait3A_140 = arith.constant 0 : i32
        %dma_wait3A_141 = tpu.memref_slice %arg9[%add3A_109, %dma_wait3A_140] : memref<32768x64xf32, #tpu.memory_space<hbm>> -> memref<128x64xf32, #tpu.memory_space<hbm>>
        %dma_wait3A_142 = arith.constant 0 : i32
        %dma_wait3A_143 = tpu.memref_slice %arg9[%add3A_109, %dma_wait3A_142] : memref<32768x64xf32, #tpu.memory_space<hbm>> -> memref<128x64xf32, #tpu.memory_space<hbm>>
        %dma_wait3A_144 = arith.constant 0 : i32
        %dma_wait3A_145 = arith.constant 0 : i32
        %dma_wait3A_146 = tpu.memref_slice %arg16[%run_scoped3A_110, %dma_wait3A_144, %dma_wait3A_145] : memref<2x128x64xf32, #tpu.memory_space<vmem>> -> memref<1x128x64xf32, #tpu.memory_space<vmem>>
        %dma_wait3A_147 = tpu.memref_squeeze %dma_wait3A_146 : memref<1x128x64xf32, #tpu.memory_space<vmem>> -> memref<128x64xf32, #tpu.memory_space<vmem>>
        tpu.wait_dma2 semaphore(%run_scoped3A_123 : memref<!tpu.dma_semaphore, #tpu.memory_space<semaphore_mem>>) src(%dma_wait3A_147 : memref<128x64xf32, #tpu.memory_space<vmem>>) dst(%dma_wait3A_143 : memref<128x64xf32, #tpu.memory_space<hbm>>)
        tpu.yield
      }) : () -> ()
      %add3A_111 = arith.constant 1 : i32
      %add3A_112 = arith.addi %add3A_90, %add3A_111 : i32
      %lt3A_113 = arith.constant 8 : i32
      %lt3A_114 = arith.cmpi slt, %add3A_112, %lt3A_113 : i32
      %convert_element_type3A_115 = arith.extui %lt3A_114 : i1 to i32
      %cond3A_116 = arith.constant 0 : i32
      %cond3A_117 = arith.cmpi ne, %convert_element_type3A_115, %cond3A_116 : i32
      scf.if %cond3A_117 {
        %add3A_123 = arith.constant 1 : i32
        %add3A_124 = arith.addi %add3A_90, %add3A_123 : i32
        %mul3A_125 = arith.constant 128 : i32
        %mul3A_126 = arith.muli %add3A_124, %mul3A_125 : i32
        %dma_start3A_127 = arith.constant 0 : i32
        %dma_start3A_128 = arith.constant 0 : i32
        %dma_start3A_129 = arith.constant 0 : i32
        %dma_start3A_130 = tpu.memref_slice %arg16[%dma_start3A_127, %dma_start3A_128, %dma_start3A_129] : memref<2x128x64xf32, #tpu.memory_space<vmem>> -> memref<1x128x64xf32, #tpu.memory_space<vmem>>
        %dma_start3A_131 = tpu.memref_squeeze %dma_start3A_130 : memref<1x128x64xf32, #tpu.memory_space<vmem>> -> memref<128x64xf32, #tpu.memory_space<vmem>>
        %dma_start3A_132 = tpu.memref_slice %arg15[%mul3A_126] : memref<1024xi32, #tpu.memory_space<vmem>> -> memref<128xi32, #tpu.memory_space<vmem>>
        %dma_start3A_133 = arith.constant 0 : i32
        %dma_start3A_134 = arith.constant 0 : i32
        %dma_start3A_135 = tpu.memref_slice %arg4[%dma_start3A_133, %dma_start3A_134] : memref<10000x64xf32, #tpu.memory_space<hbm>> -> memref<10000x64xf32, #tpu.memory_space<hbm>>
        tpu.enqueue_indirect_dma source(%dma_start3A_135 : memref<10000x64xf32, #tpu.memory_space<hbm>>) target(%dma_start3A_131 : memref<128x64xf32, #tpu.memory_space<vmem>>) offsets(%dma_start3A_132 : memref<128xi32, #tpu.memory_space<vmem>>) semaphore(%arg17 : memref<!tpu.dma_semaphore, #tpu.memory_space<semaphore_mem>>)
      } else {
      }
      %lt3A_118 = arith.constant 8 : i32
      %lt3A_119 = arith.cmpi slt, %add3A_90, %lt3A_118 : i32
      %convert_element_type3A_120 = arith.extui %lt3A_119 : i1 to i32
      %cond3A_121 = arith.constant 0 : i32
      %cond3A_122 = arith.cmpi ne, %convert_element_type3A_120, %cond3A_121 : i32
      scf.if %cond3A_122 {
        %mul3A_123 = arith.constant 128 : i32
        %mul3A_124 = arith.muli %add3A_90, %mul3A_123 : i32
        %dma_wait3A_125 = arith.constant 1 : i32
        %dma_wait3A_126 = arith.constant 0 : i32
        %dma_wait3A_127 = arith.constant 0 : i32
        %dma_wait3A_128 = tpu.memref_slice %arg16[%dma_wait3A_125, %dma_wait3A_126, %dma_wait3A_127] : memref<2x128x64xf32, #tpu.memory_space<vmem>> -> memref<1x128x64xf32, #tpu.memory_space<vmem>>
        %dma_wait3A_129 = tpu.memref_squeeze %dma_wait3A_128 : memref<1x128x64xf32, #tpu.memory_space<vmem>> -> memref<128x64xf32, #tpu.memory_space<vmem>>
        %dma_wait3A_130 = tpu.memref_slice %arg15[%mul3A_124] : memref<1024xi32, #tpu.memory_space<vmem>> -> memref<128xi32, #tpu.memory_space<vmem>>
        %dma_wait3A_131 = arith.constant 0 : i32
        %dma_wait3A_132 = arith.constant 0 : i32
        %dma_wait3A_133 = tpu.memref_slice %arg4[%dma_wait3A_131, %dma_wait3A_132] : memref<10000x64xf32, #tpu.memory_space<hbm>> -> memref<10000x64xf32, #tpu.memory_space<hbm>>
        tpu.wait_indirect_dma semaphore(%arg18 : memref<!tpu.dma_semaphore, #tpu.memory_space<semaphore_mem>>) src(%dma_wait3A_133 : memref<10000x64xf32, #tpu.memory_space<hbm>>) dst(%dma_wait3A_129 : memref<128x64xf32, #tpu.memory_space<vmem>>)
        %mul3A_134 = arith.constant 128 : i32
        %mul3A_135 = arith.muli %add3A_90, %mul3A_134 : i32
        %add3A_136 = arith.addi %mul3A_17, %mul3A_135 : i32
        %run_scoped3A_137 = arith.constant 1 : i32
        "tpu.region"() ({
          %run_scoped3A_138 = tpu.sem_alloc : memref<!tpu.dma_semaphore, #tpu.memory_space<semaphore_mem>>
          %dma_start3A_139 = arith.constant 0 : i32
          %dma_start3A_140 = arith.constant 0 : i32
          %dma_start3A_141 = tpu.memref_slice %arg16[%run_scoped3A_137, %dma_start3A_139, %dma_start3A_140] : memref<2x128x64xf32, #tpu.memory_space<vmem>> -> memref<1x128x64xf32, #tpu.memory_space<vmem>>
          %dma_start3A_142 = tpu.memref_squeeze %dma_start3A_141 : memref<1x128x64xf32, #tpu.memory_space<vmem>> -> memref<128x64xf32, #tpu.memory_space<vmem>>
          %dma_start3A_143 = arith.constant 0 : i32
          %dma_start3A_144 = tpu.memref_slice %arg9[%add3A_136, %dma_start3A_143] : memref<32768x64xf32, #tpu.memory_space<hbm>> -> memref<128x64xf32, #tpu.memory_space<hbm>>
          %dma_start3A_145 = arith.constant 0 : i32
          %dma_start3A_146 = tpu.memref_slice %arg9[%add3A_136, %dma_start3A_145] : memref<32768x64xf32, #tpu.memory_space<hbm>> -> memref<128x64xf32, #tpu.memory_space<hbm>>
          %dma_start3A_147 = arith.constant 0 : i32
          %dma_start3A_148 = arith.constant 0 : i32
          %dma_start3A_149 = tpu.memref_slice %arg16[%run_scoped3A_137, %dma_start3A_147, %dma_start3A_148] : memref<2x128x64xf32, #tpu.memory_space<vmem>> -> memref<1x128x64xf32, #tpu.memory_space<vmem>>
          %dma_start3A_150 = tpu.memref_squeeze %dma_start3A_149 : memref<1x128x64xf32, #tpu.memory_space<vmem>> -> memref<128x64xf32, #tpu.memory_space<vmem>>
          tpu.enqueue_dma source(%dma_start3A_150 : memref<128x64xf32, #tpu.memory_space<vmem>>) target(%dma_start3A_146 : memref<128x64xf32, #tpu.memory_space<hbm>>) target_semaphore(%run_scoped3A_138 : memref<!tpu.dma_semaphore, #tpu.memory_space<semaphore_mem>>)
          %dma_wait3A_151 = arith.constant 0 : i32
          %dma_wait3A_152 = arith.constant 0 : i32
          %dma_wait3A_153 = tpu.memref_slice %arg16[%run_scoped3A_137, %dma_wait3A_151, %dma_wait3A_152] : memref<2x128x64xf32, #tpu.memory_space<vmem>> -> memref<1x128x64xf32, #tpu.memory_space<vmem>>
          %dma_wait3A_154 = tpu.memref_squeeze %dma_wait3A_153 : memref<1x128x64xf32, #tpu.memory_space<vmem>> -> memref<128x64xf32, #tpu.memory_space<vmem>>
          %dma_wait3A_155 = arith.constant 0 : i32
          %dma_wait3A_156 = tpu.memref_slice %arg9[%add3A_136, %dma_wait3A_155] : memref<32768x64xf32, #tpu.memory_space<hbm>> -> memref<128x64xf32, #tpu.memory_space<hbm>>
          %dma_wait3A_157 = arith.constant 0 : i32
          %dma_wait3A_158 = tpu.memref_slice %arg9[%add3A_136, %dma_wait3A_157] : memref<32768x64xf32, #tpu.memory_space<hbm>> -> memref<128x64xf32, #tpu.memory_space<hbm>>
          %dma_wait3A_159 = arith.constant 0 : i32
          %dma_wait3A_160 = arith.constant 0 : i32
          %dma_wait3A_161 = tpu.memref_slice %arg16[%run_scoped3A_137, %dma_wait3A_159, %dma_wait3A_160] : memref<2x128x64xf32, #tpu.memory_space<vmem>> -> memref<1x128x64xf32, #tpu.memory_space<vmem>>
          %dma_wait3A_162 = tpu.memref_squeeze %dma_wait3A_161 : memref<1x128x64xf32, #tpu.memory_space<vmem>> -> memref<128x64xf32, #tpu.memory_space<vmem>>
          tpu.wait_dma2 semaphore(%run_scoped3A_138 : memref<!tpu.dma_semaphore, #tpu.memory_space<semaphore_mem>>) src(%dma_wait3A_162 : memref<128x64xf32, #tpu.memory_space<vmem>>) dst(%dma_wait3A_158 : memref<128x64xf32, #tpu.memory_space<hbm>>)
          tpu.yield
        }) : () -> ()
      } else {
      }
    }
    %scan3A_32 = arith.constant 4 : i32
    %mul3A_33 = arith.constant 32 : i32
    %mul3A_34 = arith.muli %add3A, %mul3A_33 : i32
    "tpu.region"() ({
      %run_scoped3A_82 = tpu.sem_alloc : memref<!tpu.dma_semaphore, #tpu.memory_space<semaphore_mem>>
      %dma_start3A_83 = tpu.memref_slice %arg7[%mul3A_34] : memref<1024xi32, #tpu.memory_space<hbm>> -> memref<32xi32, #tpu.memory_space<hbm>>
      %dma_start3A_84 = tpu.memref_slice %arg7[%mul3A_34] : memref<1024xi32, #tpu.memory_space<hbm>> -> memref<32xi32, #tpu.memory_space<hbm>>
      tpu.enqueue_dma source(%dma_start3A_84 : memref<32xi32, #tpu.memory_space<hbm>>) target(%arg19 : memref<32xi32, #tpu.memory_space<vmem>>) target_semaphore(%run_scoped3A_82 : memref<!tpu.dma_semaphore, #tpu.memory_space<semaphore_mem>>)
      %dma_wait3A_85 = tpu.memref_slice %arg7[%mul3A_34] : memref<1024xi32, #tpu.memory_space<hbm>> -> memref<32xi32, #tpu.memory_space<hbm>>
      %dma_wait3A_86 = tpu.memref_slice %arg7[%mul3A_34] : memref<1024xi32, #tpu.memory_space<hbm>> -> memref<32xi32, #tpu.memory_space<hbm>>
      tpu.wait_dma2 semaphore(%run_scoped3A_82 : memref<!tpu.dma_semaphore, #tpu.memory_space<semaphore_mem>>) src(%dma_wait3A_86 : memref<32xi32, #tpu.memory_space<hbm>>) dst(%arg19 : memref<32xi32, #tpu.memory_space<vmem>>)
      tpu.yield
    }) : () -> ()
    %dma_start3A_35 = arith.constant 0 : i32
    %dma_start3A_36 = arith.constant 0 : i32
    %dma_start3A_37 = arith.constant 0 : i32
    %dma_start3A_38 = tpu.memref_slice %arg20[%dma_start3A_35, %dma_start3A_36, %dma_start3A_37] : memref<2x32x64xf32, #tpu.memory_space<vmem>> -> memref<1x32x64xf32, #tpu.memory_space<vmem>>
    %dma_start3A_39 = tpu.memref_squeeze %dma_start3A_38 : memref<1x32x64xf32, #tpu.memory_space<vmem>> -> memref<32x64xf32, #tpu.memory_space<vmem>>
    %dma_start3A_40 = arith.constant 0 : i32
    %dma_start3A_41 = tpu.memref_slice %arg19[%dma_start3A_40] : memref<32xi32, #tpu.memory_space<vmem>> -> memref<32xi32, #tpu.memory_space<vmem>>
    %dma_start3A_42 = arith.constant 0 : i32
    %dma_start3A_43 = arith.constant 0 : i32
    %dma_start3A_44 = tpu.memref_slice %arg6[%dma_start3A_42, %dma_start3A_43] : memref<10000x64xf32, #tpu.memory_space<hbm>> -> memref<10000x64xf32, #tpu.memory_space<hbm>>
    tpu.enqueue_indirect_dma source(%dma_start3A_44 : memref<10000x64xf32, #tpu.memory_space<hbm>>) target(%dma_start3A_39 : memref<32x64xf32, #tpu.memory_space<vmem>>) offsets(%dma_start3A_41 : memref<32xi32, #tpu.memory_space<vmem>>) semaphore(%arg21 : memref<!tpu.dma_semaphore, #tpu.memory_space<semaphore_mem>>)
    %scan3A_45 = arith.constant 0 : i32
    %mul3A_46 = arith.constant 1 : i32
    %mul3A_47 = arith.muli %scan3A_45, %mul3A_46 : i32
    %add3A_48 = arith.constant 0 : i32
    %add3A_49 = arith.addi %add3A_48, %mul3A_47 : i32
    %mul3A_50 = arith.constant 2 : i32
    %mul3A_51 = arith.muli %mul3A_50, %add3A_49 : i32
    %add3A_52 = arith.constant 1 : i32
    %add3A_53 = arith.addi %mul3A_51, %add3A_52 : i32
    %lt3A = arith.constant 1 : i32
    %lt3A_54 = arith.cmpi slt, %add3A_53, %lt3A : i32
    %convert_element_type3A = arith.extui %lt3A_54 : i1 to i32
    %cond3A = arith.constant 0 : i32
    %cond3A_55 = arith.cmpi ne, %convert_element_type3A, %cond3A : i32
    scf.if %cond3A_55 {
      %mul3A_82 = arith.constant 32 : i32
      %mul3A_83 = arith.muli %add3A_53, %mul3A_82 : i32
      %dma_start3A_84 = arith.constant 1 : i32
      %dma_start3A_85 = arith.constant 0 : i32
      %dma_start3A_86 = arith.constant 0 : i32
      %dma_start3A_87 = tpu.memref_slice %arg20[%dma_start3A_84, %dma_start3A_85, %dma_start3A_86] : memref<2x32x64xf32, #tpu.memory_space<vmem>> -> memref<1x32x64xf32, #tpu.memory_space<vmem>>
      %dma_start3A_88 = tpu.memref_squeeze %dma_start3A_87 : memref<1x32x64xf32, #tpu.memory_space<vmem>> -> memref<32x64xf32, #tpu.memory_space<vmem>>
      %dma_start3A_89 = tpu.memref_slice %arg19[%mul3A_83] : memref<32xi32, #tpu.memory_space<vmem>> -> memref<32xi32, #tpu.memory_space<vmem>>
      %dma_start3A_90 = arith.constant 0 : i32
      %dma_start3A_91 = arith.constant 0 : i32
      %dma_start3A_92 = tpu.memref_slice %arg6[%dma_start3A_90, %dma_start3A_91] : memref<10000x64xf32, #tpu.memory_space<hbm>> -> memref<10000x64xf32, #tpu.memory_space<hbm>>
      tpu.enqueue_indirect_dma source(%dma_start3A_92 : memref<10000x64xf32, #tpu.memory_space<hbm>>) target(%dma_start3A_88 : memref<32x64xf32, #tpu.memory_space<vmem>>) offsets(%dma_start3A_89 : memref<32xi32, #tpu.memory_space<vmem>>) semaphore(%arg22 : memref<!tpu.dma_semaphore, #tpu.memory_space<semaphore_mem>>)
    } else {
    }
    %mul3A_56 = arith.constant 32 : i32
    %mul3A_57 = arith.muli %mul3A_51, %mul3A_56 : i32
    %dma_wait3A = arith.constant 0 : i32
    %dma_wait3A_58 = arith.constant 0 : i32
    %dma_wait3A_59 = arith.constant 0 : i32
    %dma_wait3A_60 = tpu.memref_slice %arg20[%dma_wait3A, %dma_wait3A_58, %dma_wait3A_59] : memref<2x32x64xf32, #tpu.memory_space<vmem>> -> memref<1x32x64xf32, #tpu.memory_space<vmem>>
    %dma_wait3A_61 = tpu.memref_squeeze %dma_wait3A_60 : memref<1x32x64xf32, #tpu.memory_space<vmem>> -> memref<32x64xf32, #tpu.memory_space<vmem>>
    %dma_wait3A_62 = tpu.memref_slice %arg19[%mul3A_57] : memref<32xi32, #tpu.memory_space<vmem>> -> memref<32xi32, #tpu.memory_space<vmem>>
    %dma_wait3A_63 = arith.constant 0 : i32
    %dma_wait3A_64 = arith.constant 0 : i32
    %dma_wait3A_65 = tpu.memref_slice %arg6[%dma_wait3A_63, %dma_wait3A_64] : memref<10000x64xf32, #tpu.memory_space<hbm>> -> memref<10000x64xf32, #tpu.memory_space<hbm>>
    tpu.wait_indirect_dma semaphore(%arg21 : memref<!tpu.dma_semaphore, #tpu.memory_space<semaphore_mem>>) src(%dma_wait3A_65 : memref<10000x64xf32, #tpu.memory_space<hbm>>) dst(%dma_wait3A_61 : memref<32x64xf32, #tpu.memory_space<vmem>>)
    %mul3A_66 = arith.constant 32 : i32
    %mul3A_67 = arith.muli %mul3A_51, %mul3A_66 : i32
    %add3A_68 = arith.addi %mul3A_34, %mul3A_67 : i32
    %run_scoped3A = arith.constant 0 : i32
    "tpu.region"() ({
      %run_scoped3A_82 = tpu.sem_alloc : memref<!tpu.dma_semaphore, #tpu.memory_space<semaphore_mem>>
      %dma_start3A_83 = arith.constant 0 : i32
      %dma_start3A_84 = arith.constant 0 : i32
      %dma_start3A_85 = tpu.memref_slice %arg20[%run_scoped3A, %dma_start3A_83, %dma_start3A_84] : memref<2x32x64xf32, #tpu.memory_space<vmem>> -> memref<1x32x64xf32, #tpu.memory_space<vmem>>
      %dma_start3A_86 = tpu.memref_squeeze %dma_start3A_85 : memref<1x32x64xf32, #tpu.memory_space<vmem>> -> memref<32x64xf32, #tpu.memory_space<vmem>>
      %dma_start3A_87 = arith.constant 0 : i32
      %dma_start3A_88 = tpu.memref_slice %arg10[%add3A_68, %dma_start3A_87] : memref<1024x64xf32, #tpu.memory_space<hbm>> -> memref<32x64xf32, #tpu.memory_space<hbm>>
      %dma_start3A_89 = arith.constant 0 : i32
      %dma_start3A_90 = tpu.memref_slice %arg10[%add3A_68, %dma_start3A_89] : memref<1024x64xf32, #tpu.memory_space<hbm>> -> memref<32x64xf32, #tpu.memory_space<hbm>>
      %dma_start3A_91 = arith.constant 0 : i32
      %dma_start3A_92 = arith.constant 0 : i32
      %dma_start3A_93 = tpu.memref_slice %arg20[%run_scoped3A, %dma_start3A_91, %dma_start3A_92] : memref<2x32x64xf32, #tpu.memory_space<vmem>> -> memref<1x32x64xf32, #tpu.memory_space<vmem>>
      %dma_start3A_94 = tpu.memref_squeeze %dma_start3A_93 : memref<1x32x64xf32, #tpu.memory_space<vmem>> -> memref<32x64xf32, #tpu.memory_space<vmem>>
      tpu.enqueue_dma source(%dma_start3A_94 : memref<32x64xf32, #tpu.memory_space<vmem>>) target(%dma_start3A_90 : memref<32x64xf32, #tpu.memory_space<hbm>>) target_semaphore(%run_scoped3A_82 : memref<!tpu.dma_semaphore, #tpu.memory_space<semaphore_mem>>)
      %dma_wait3A_95 = arith.constant 0 : i32
      %dma_wait3A_96 = arith.constant 0 : i32
      %dma_wait3A_97 = tpu.memref_slice %arg20[%run_scoped3A, %dma_wait3A_95, %dma_wait3A_96] : memref<2x32x64xf32, #tpu.memory_space<vmem>> -> memref<1x32x64xf32, #tpu.memory_space<vmem>>
      %dma_wait3A_98 = tpu.memref_squeeze %dma_wait3A_97 : memref<1x32x64xf32, #tpu.memory_space<vmem>> -> memref<32x64xf32, #tpu.memory_space<vmem>>
      %dma_wait3A_99 = arith.constant 0 : i32
      %dma_wait3A_100 = tpu.memref_slice %arg10[%add3A_68, %dma_wait3A_99] : memref<1024x64xf32, #tpu.memory_space<hbm>> -> memref<32x64xf32, #tpu.memory_space<hbm>>
      %dma_wait3A_101 = arith.constant 0 : i32
      %dma_wait3A_102 = tpu.memref_slice %arg10[%add3A_68, %dma_wait3A_101] : memref<1024x64xf32, #tpu.memory_space<hbm>> -> memref<32x64xf32, #tpu.memory_space<hbm>>
      %dma_wait3A_103 = arith.constant 0 : i32
      %dma_wait3A_104 = arith.constant 0 : i32
      %dma_wait3A_105 = tpu.memref_slice %arg20[%run_scoped3A, %dma_wait3A_103, %dma_wait3A_104] : memref<2x32x64xf32, #tpu.memory_space<vmem>> -> memref<1x32x64xf32, #tpu.memory_space<vmem>>
      %dma_wait3A_106 = tpu.memref_squeeze %dma_wait3A_105 : memref<1x32x64xf32, #tpu.memory_space<vmem>> -> memref<32x64xf32, #tpu.memory_space<vmem>>
      tpu.wait_dma2 semaphore(%run_scoped3A_82 : memref<!tpu.dma_semaphore, #tpu.memory_space<semaphore_mem>>) src(%dma_wait3A_106 : memref<32x64xf32, #tpu.memory_space<vmem>>) dst(%dma_wait3A_102 : memref<32x64xf32, #tpu.memory_space<hbm>>)
      tpu.yield
    }) : () -> ()
    %add3A_69 = arith.constant 1 : i32
    %add3A_70 = arith.addi %add3A_53, %add3A_69 : i32
    %lt3A_71 = arith.constant 1 : i32
    %lt3A_72 = arith.cmpi slt, %add3A_70, %lt3A_71 : i32
    %convert_element_type3A_73 = arith.extui %lt3A_72 : i1 to i32
    %cond3A_74 = arith.constant 0 : i32
    %cond3A_75 = arith.cmpi ne, %convert_element_type3A_73, %cond3A_74 : i32
    scf.if %cond3A_75 {
      %add3A_82 = arith.constant 1 : i32
      %add3A_83 = arith.addi %add3A_53, %add3A_82 : i32
      %mul3A_84 = arith.constant 32 : i32
      %mul3A_85 = arith.muli %add3A_83, %mul3A_84 : i32
      %dma_start3A_86 = arith.constant 0 : i32
      %dma_start3A_87 = arith.constant 0 : i32
      %dma_start3A_88 = arith.constant 0 : i32
      %dma_start3A_89 = tpu.memref_slice %arg20[%dma_start3A_86, %dma_start3A_87, %dma_start3A_88] : memref<2x32x64xf32, #tpu.memory_space<vmem>> -> memref<1x32x64xf32, #tpu.memory_space<vmem>>
      %dma_start3A_90 = tpu.memref_squeeze %dma_start3A_89 : memref<1x32x64xf32, #tpu.memory_space<vmem>> -> memref<32x64xf32, #tpu.memory_space<vmem>>
      %dma_start3A_91 = tpu.memref_slice %arg19[%mul3A_85] : memref<32xi32, #tpu.memory_space<vmem>> -> memref<32xi32, #tpu.memory_space<vmem>>
      %dma_start3A_92 = arith.constant 0 : i32
      %dma_start3A_93 = arith.constant 0 : i32
      %dma_start3A_94 = tpu.memref_slice %arg6[%dma_start3A_92, %dma_start3A_93] : memref<10000x64xf32, #tpu.memory_space<hbm>> -> memref<10000x64xf32, #tpu.memory_space<hbm>>
      tpu.enqueue_indirect_dma source(%dma_start3A_94 : memref<10000x64xf32, #tpu.memory_space<hbm>>) target(%dma_start3A_90 : memref<32x64xf32, #tpu.memory_space<vmem>>) offsets(%dma_start3A_91 : memref<32xi32, #tpu.memory_space<vmem>>) semaphore(%arg21 : memref<!tpu.dma_semaphore, #tpu.memory_space<semaphore_mem>>)
    } else {
    }
    %lt3A_76 = arith.constant 1 : i32
    %lt3A_77 = arith.cmpi slt, %add3A_53, %lt3A_76 : i32
    %convert_element_type3A_78 = arith.extui %lt3A_77 : i1 to i32
    %cond3A_79 = arith.constant 0 : i32
    %cond3A_80 = arith.cmpi ne, %convert_element_type3A_78, %cond3A_79 : i32
    scf.if %cond3A_80 {
      %mul3A_82 = arith.constant 32 : i32
      %mul3A_83 = arith.muli %add3A_53, %mul3A_82 : i32
      %dma_wait3A_84 = arith.constant 1 : i32
      %dma_wait3A_85 = arith.constant 0 : i32
      %dma_wait3A_86 = arith.constant 0 : i32
      %dma_wait3A_87 = tpu.memref_slice %arg20[%dma_wait3A_84, %dma_wait3A_85, %dma_wait3A_86] : memref<2x32x64xf32, #tpu.memory_space<vmem>> -> memref<1x32x64xf32, #tpu.memory_space<vmem>>
      %dma_wait3A_88 = tpu.memref_squeeze %dma_wait3A_87 : memref<1x32x64xf32, #tpu.memory_space<vmem>> -> memref<32x64xf32, #tpu.memory_space<vmem>>
      %dma_wait3A_89 = tpu.memref_slice %arg19[%mul3A_83] : memref<32xi32, #tpu.memory_space<vmem>> -> memref<32xi32, #tpu.memory_space<vmem>>
      %dma_wait3A_90 = arith.constant 0 : i32
      %dma_wait3A_91 = arith.constant 0 : i32
      %dma_wait3A_92 = tpu.memref_slice %arg6[%dma_wait3A_90, %dma_wait3A_91] : memref<10000x64xf32, #tpu.memory_space<hbm>> -> memref<10000x64xf32, #tpu.memory_space<hbm>>
      tpu.wait_indirect_dma semaphore(%arg22 : memref<!tpu.dma_semaphore, #tpu.memory_space<semaphore_mem>>) src(%dma_wait3A_92 : memref<10000x64xf32, #tpu.memory_space<hbm>>) dst(%dma_wait3A_88 : memref<32x64xf32, #tpu.memory_space<vmem>>)
      %mul3A_93 = arith.constant 32 : i32
      %mul3A_94 = arith.muli %add3A_53, %mul3A_93 : i32
      %add3A_95 = arith.addi %mul3A_34, %mul3A_94 : i32
      %run_scoped3A_96 = arith.constant 1 : i32
      "tpu.region"() ({
        %run_scoped3A_97 = tpu.sem_alloc : memref<!tpu.dma_semaphore, #tpu.memory_space<semaphore_mem>>
        %dma_start3A_98 = arith.constant 0 : i32
        %dma_start3A_99 = arith.constant 0 : i32
        %dma_start3A_100 = tpu.memref_slice %arg20[%run_scoped3A_96, %dma_start3A_98, %dma_start3A_99] : memref<2x32x64xf32, #tpu.memory_space<vmem>> -> memref<1x32x64xf32, #tpu.memory_space<vmem>>
        %dma_start3A_101 = tpu.memref_squeeze %dma_start3A_100 : memref<1x32x64xf32, #tpu.memory_space<vmem>> -> memref<32x64xf32, #tpu.memory_space<vmem>>
        %dma_start3A_102 = arith.constant 0 : i32
        %dma_start3A_103 = tpu.memref_slice %arg10[%add3A_95, %dma_start3A_102] : memref<1024x64xf32, #tpu.memory_space<hbm>> -> memref<32x64xf32, #tpu.memory_space<hbm>>
        %dma_start3A_104 = arith.constant 0 : i32
        %dma_start3A_105 = tpu.memref_slice %arg10[%add3A_95, %dma_start3A_104] : memref<1024x64xf32, #tpu.memory_space<hbm>> -> memref<32x64xf32, #tpu.memory_space<hbm>>
        %dma_start3A_106 = arith.constant 0 : i32
        %dma_start3A_107 = arith.constant 0 : i32
        %dma_start3A_108 = tpu.memref_slice %arg20[%run_scoped3A_96, %dma_start3A_106, %dma_start3A_107] : memref<2x32x64xf32, #tpu.memory_space<vmem>> -> memref<1x32x64xf32, #tpu.memory_space<vmem>>
        %dma_start3A_109 = tpu.memref_squeeze %dma_start3A_108 : memref<1x32x64xf32, #tpu.memory_space<vmem>> -> memref<32x64xf32, #tpu.memory_space<vmem>>
        tpu.enqueue_dma source(%dma_start3A_109 : memref<32x64xf32, #tpu.memory_space<vmem>>) target(%dma_start3A_105 : memref<32x64xf32, #tpu.memory_space<hbm>>) target_semaphore(%run_scoped3A_97 : memref<!tpu.dma_semaphore, #tpu.memory_space<semaphore_mem>>)
        %dma_wait3A_110 = arith.constant 0 : i32
        %dma_wait3A_111 = arith.constant 0 : i32
        %dma_wait3A_112 = tpu.memref_slice %arg20[%run_scoped3A_96, %dma_wait3A_110, %dma_wait3A_111] : memref<2x32x64xf32, #tpu.memory_space<vmem>> -> memref<1x32x64xf32, #tpu.memory_space<vmem>>
        %dma_wait3A_113 = tpu.memref_squeeze %dma_wait3A_112 : memref<1x32x64xf32, #tpu.memory_space<vmem>> -> memref<32x64xf32, #tpu.memory_space<vmem>>
        %dma_wait3A_114 = arith.constant 0 : i32
        %dma_wait3A_115 = tpu.memref_slice %arg10[%add3A_95, %dma_wait3A_114] : memref<1024x64xf32, #tpu.memory_space<hbm>> -> memref<32x64xf32, #tpu.memory_space<hbm>>
        %dma_wait3A_116 = arith.constant 0 : i32
        %dma_wait3A_117 = tpu.memref_slice %arg10[%add3A_95, %dma_wait3A_116] : memref<1024x64xf32, #tpu.memory_space<hbm>> -> memref<32x64xf32, #tpu.memory_space<hbm>>
        %dma_wait3A_118 = arith.constant 0 : i32
        %dma_wait3A_119 = arith.constant 0 : i32
        %dma_wait3A_120 = tpu.memref_slice %arg20[%run_scoped3A_96, %dma_wait3A_118, %dma_wait3A_119] : memref<2x32x64xf32, #tpu.memory_space<vmem>> -> memref<1x32x64xf32, #tpu.memory_space<vmem>>
        %dma_wait3A_121 = tpu.memref_squeeze %dma_wait3A_120 : memref<1x32x64xf32, #tpu.memory_space<vmem>> -> memref<32x64xf32, #tpu.memory_space<vmem>>
        tpu.wait_dma2 semaphore(%run_scoped3A_97 : memref<!tpu.dma_semaphore, #tpu.memory_space<semaphore_mem>>) src(%dma_wait3A_121 : memref<32x64xf32, #tpu.memory_space<vmem>>) dst(%dma_wait3A_117 : memref<32x64xf32, #tpu.memory_space<hbm>>)
        tpu.yield
      }) : () -> ()
    } else {
    }
    %scan3A_81 = arith.constant 1 : i32
    return
  }
}

#map = affine_map<(d0, d1) -> (0, 0)>
#map1 = affine_map<(d0, d1) -> (0)>
module attributes {stable_mosaic.version = 14 : i64} {
  func.func @gk(%arg0: i32, %arg1: i32, %arg2: memref<50000x64xf32, #tpu.memory_space<hbm>>, %arg3: memref<320000xi32, #tpu.memory_space<hbm>>, %arg4: memref<10000x32xi32, #tpu.memory_space<hbm>>, %arg5: memref<1024xi32, #tpu.memory_space<hbm>>, %arg6: memref<10000x32xi32, #tpu.memory_space<hbm>>, %arg7: memref<1024xi32, #tpu.memory_space<hbm>>, %arg8: memref<10000x64xf32, #tpu.memory_space<hbm>>, %arg9: memref<1024xi32, #tpu.memory_space<hbm>>, %arg10: memref<10000x64xf32, #tpu.memory_space<hbm>>, %arg11: memref<1024xi32, #tpu.memory_space<hbm>>, %arg12: memref<320000x64xf32, #tpu.memory_space<hbm>>, %arg13: memref<1024x32xi32, #tpu.memory_space<hbm>>, %arg14: memref<1024x32xi32, #tpu.memory_space<hbm>>, %arg15: memref<1024x64xf32, #tpu.memory_space<hbm>>, %arg16: memref<1024x64xf32, #tpu.memory_space<hbm>>, %arg17: memref<10000xi32, #tpu.memory_space<vmem>>, %arg18: memref<2x80x64xf32, #tpu.memory_space<vmem>>, %arg19: memref<!tpu.dma_semaphore, #tpu.memory_space<semaphore_mem>>, %arg20: memref<!tpu.dma_semaphore, #tpu.memory_space<semaphore_mem>>, %arg21: memref<32xi32, #tpu.memory_space<vmem>>, %arg22: memref<2x32x32xi32, #tpu.memory_space<vmem>>, %arg23: memref<!tpu.dma_semaphore, #tpu.memory_space<semaphore_mem>>, %arg24: memref<!tpu.dma_semaphore, #tpu.memory_space<semaphore_mem>>, %arg25: memref<32xi32, #tpu.memory_space<vmem>>, %arg26: memref<2x32x32xi32, #tpu.memory_space<vmem>>, %arg27: memref<!tpu.dma_semaphore, #tpu.memory_space<semaphore_mem>>, %arg28: memref<!tpu.dma_semaphore, #tpu.memory_space<semaphore_mem>>, %arg29: memref<32xi32, #tpu.memory_space<vmem>>, %arg30: memref<2x32x64xf32, #tpu.memory_space<vmem>>, %arg31: memref<!tpu.dma_semaphore, #tpu.memory_space<semaphore_mem>>, %arg32: memref<!tpu.dma_semaphore, #tpu.memory_space<semaphore_mem>>, %arg33: memref<32xi32, #tpu.memory_space<vmem>>, %arg34: memref<2x32x64xf32, #tpu.memory_space<vmem>>, %arg35: memref<!tpu.dma_semaphore, #tpu.memory_space<semaphore_mem>>, %arg36: memref<!tpu.dma_semaphore, #tpu.memory_space<semaphore_mem>>) attributes {dimension_semantics = [#tpu.dimension_semantics<core_parallel>, #tpu.dimension_semantics<subcore_parallel>], iteration_bounds = array<i64: 2, 16>, scalar_prefetch = 0 : i64, scratch_operands = 20 : i64, tpu.core_type = #tpu.core_type<sc_vector_subcore>, window_params = [{transform_indices = #map}, {transform_indices = #map1}, {transform_indices = #map}, {transform_indices = #map1}, {transform_indices = #map}, {transform_indices = #map1}, {transform_indices = #map}, {transform_indices = #map1}, {transform_indices = #map}, {transform_indices = #map1}, {transform_indices = #map}, {transform_indices = #map}, {transform_indices = #map}, {transform_indices = #map}, {transform_indices = #map}]} {
    %mul3A = arith.constant 2 : i32
    %mul3A_0 = arith.muli %arg1, %mul3A : i32
    %add3A = arith.addi %mul3A_0, %arg0 : i32
    %mul3A_1 = arith.constant 10000 : i32
    %mul3A_2 = arith.muli %add3A, %mul3A_1 : i32
    "tpu.region"() ({
      %run_scoped3A_227 = tpu.sem_alloc : memref<!tpu.dma_semaphore, #tpu.memory_space<semaphore_mem>>
      %dma_start3A_228 = tpu.memref_slice %arg3[%mul3A_2] : memref<320000xi32, #tpu.memory_space<hbm>> -> memref<10000xi32, #tpu.memory_space<hbm>>
      %dma_start3A_229 = tpu.memref_slice %arg3[%mul3A_2] : memref<320000xi32, #tpu.memory_space<hbm>> -> memref<10000xi32, #tpu.memory_space<hbm>>
      tpu.enqueue_dma source(%dma_start3A_229 : memref<10000xi32, #tpu.memory_space<hbm>>) target(%arg17 : memref<10000xi32, #tpu.memory_space<vmem>>) target_semaphore(%run_scoped3A_227 : memref<!tpu.dma_semaphore, #tpu.memory_space<semaphore_mem>>)
      %dma_wait3A_230 = tpu.memref_slice %arg3[%mul3A_2] : memref<320000xi32, #tpu.memory_space<hbm>> -> memref<10000xi32, #tpu.memory_space<hbm>>
      %dma_wait3A_231 = tpu.memref_slice %arg3[%mul3A_2] : memref<320000xi32, #tpu.memory_space<hbm>> -> memref<10000xi32, #tpu.memory_space<hbm>>
      tpu.wait_dma2 semaphore(%run_scoped3A_227 : memref<!tpu.dma_semaphore, #tpu.memory_space<semaphore_mem>>) src(%dma_wait3A_231 : memref<10000xi32, #tpu.memory_space<hbm>>) dst(%arg17 : memref<10000xi32, #tpu.memory_space<vmem>>)
      tpu.yield
    }) : () -> ()
    %dma_start3A = arith.constant 0 : i32
    %dma_start3A_3 = arith.constant 0 : i32
    %dma_start3A_4 = arith.constant 0 : i32
    %dma_start3A_5 = tpu.memref_slice %arg18[%dma_start3A, %dma_start3A_3, %dma_start3A_4] : memref<2x80x64xf32, #tpu.memory_space<vmem>> -> memref<1x80x64xf32, #tpu.memory_space<vmem>>
    %dma_start3A_6 = tpu.memref_squeeze %dma_start3A_5 : memref<1x80x64xf32, #tpu.memory_space<vmem>> -> memref<80x64xf32, #tpu.memory_space<vmem>>
    %dma_start3A_7 = arith.constant 0 : i32
    %dma_start3A_8 = tpu.memref_slice %arg17[%dma_start3A_7] : memref<10000xi32, #tpu.memory_space<vmem>> -> memref<80xi32, #tpu.memory_space<vmem>>
    %dma_start3A_9 = arith.constant 0 : i32
    %dma_start3A_10 = arith.constant 0 : i32
    %dma_start3A_11 = tpu.memref_slice %arg2[%dma_start3A_9, %dma_start3A_10] : memref<50000x64xf32, #tpu.memory_space<hbm>> -> memref<50000x64xf32, #tpu.memory_space<hbm>>
    tpu.enqueue_indirect_dma source(%dma_start3A_11 : memref<50000x64xf32, #tpu.memory_space<hbm>>) target(%dma_start3A_6 : memref<80x64xf32, #tpu.memory_space<vmem>>) offsets(%dma_start3A_8 : memref<80xi32, #tpu.memory_space<vmem>>) semaphore(%arg19 : memref<!tpu.dma_semaphore, #tpu.memory_space<semaphore_mem>>)
    %scan3A = arith.constant 0 : i32
    %scan3A_12 = arith.constant 63 : i32
    %scan3A_13 = arith.addi %scan3A, %scan3A_12 : i32
    %scan3A_14 = arith.constant 1 : i32
    scf.for %scan3A_227 = %scan3A to %scan3A_13 step %scan3A_14  : i32 {
      %mul3A_228 = arith.constant 1 : i32
      %mul3A_229 = arith.muli %scan3A_227, %mul3A_228 : i32
      %add3A_230 = arith.constant 0 : i32
      %add3A_231 = arith.addi %add3A_230, %mul3A_229 : i32
      %mul3A_232 = arith.constant 2 : i32
      %mul3A_233 = arith.muli %mul3A_232, %add3A_231 : i32
      %add3A_234 = arith.constant 1 : i32
      %add3A_235 = arith.addi %mul3A_233, %add3A_234 : i32
      %lt3A_236 = arith.constant 125 : i32
      %lt3A_237 = arith.cmpi slt, %add3A_235, %lt3A_236 : i32
      %convert_element_type3A_238 = arith.extui %lt3A_237 : i1 to i32
      %cond3A_239 = arith.constant 0 : i32
      %cond3A_240 = arith.cmpi ne, %convert_element_type3A_238, %cond3A_239 : i32
      scf.if %cond3A_240 {
        %mul3A_268 = arith.constant 80 : i32
        %mul3A_269 = arith.muli %add3A_235, %mul3A_268 : i32
        %dma_start3A_270 = arith.constant 1 : i32
        %dma_start3A_271 = arith.constant 0 : i32
        %dma_start3A_272 = arith.constant 0 : i32
        %dma_start3A_273 = tpu.memref_slice %arg18[%dma_start3A_270, %dma_start3A_271, %dma_start3A_272] : memref<2x80x64xf32, #tpu.memory_space<vmem>> -> memref<1x80x64xf32, #tpu.memory_space<vmem>>
        %dma_start3A_274 = tpu.memref_squeeze %dma_start3A_273 : memref<1x80x64xf32, #tpu.memory_space<vmem>> -> memref<80x64xf32, #tpu.memory_space<vmem>>
        %dma_start3A_275 = tpu.memref_slice %arg17[%mul3A_269] : memref<10000xi32, #tpu.memory_space<vmem>> -> memref<80xi32, #tpu.memory_space<vmem>>
        %dma_start3A_276 = arith.constant 0 : i32
        %dma_start3A_277 = arith.constant 0 : i32
        %dma_start3A_278 = tpu.memref_slice %arg2[%dma_start3A_276, %dma_start3A_277] : memref<50000x64xf32, #tpu.memory_space<hbm>> -> memref<50000x64xf32, #tpu.memory_space<hbm>>
        tpu.enqueue_indirect_dma source(%dma_start3A_278 : memref<50000x64xf32, #tpu.memory_space<hbm>>) target(%dma_start3A_274 : memref<80x64xf32, #tpu.memory_space<vmem>>) offsets(%dma_start3A_275 : memref<80xi32, #tpu.memory_space<vmem>>) semaphore(%arg20 : memref<!tpu.dma_semaphore, #tpu.memory_space<semaphore_mem>>)
      } else {
      }
      %mul3A_241 = arith.constant 80 : i32
      %mul3A_242 = arith.muli %mul3A_233, %mul3A_241 : i32
      %dma_wait3A_243 = arith.constant 0 : i32
      %dma_wait3A_244 = arith.constant 0 : i32
      %dma_wait3A_245 = arith.constant 0 : i32
      %dma_wait3A_246 = tpu.memref_slice %arg18[%dma_wait3A_243, %dma_wait3A_244, %dma_wait3A_245] : memref<2x80x64xf32, #tpu.memory_space<vmem>> -> memref<1x80x64xf32, #tpu.memory_space<vmem>>
      %dma_wait3A_247 = tpu.memref_squeeze %dma_wait3A_246 : memref<1x80x64xf32, #tpu.memory_space<vmem>> -> memref<80x64xf32, #tpu.memory_space<vmem>>
      %dma_wait3A_248 = tpu.memref_slice %arg17[%mul3A_242] : memref<10000xi32, #tpu.memory_space<vmem>> -> memref<80xi32, #tpu.memory_space<vmem>>
      %dma_wait3A_249 = arith.constant 0 : i32
      %dma_wait3A_250 = arith.constant 0 : i32
      %dma_wait3A_251 = tpu.memref_slice %arg2[%dma_wait3A_249, %dma_wait3A_250] : memref<50000x64xf32, #tpu.memory_space<hbm>> -> memref<50000x64xf32, #tpu.memory_space<hbm>>
      tpu.wait_indirect_dma semaphore(%arg19 : memref<!tpu.dma_semaphore, #tpu.memory_space<semaphore_mem>>) src(%dma_wait3A_251 : memref<50000x64xf32, #tpu.memory_space<hbm>>) dst(%dma_wait3A_247 : memref<80x64xf32, #tpu.memory_space<vmem>>)
      %mul3A_252 = arith.constant 80 : i32
      %mul3A_253 = arith.muli %mul3A_233, %mul3A_252 : i32
      %add3A_254 = arith.addi %mul3A_2, %mul3A_253 : i32
      %run_scoped3A_255 = arith.constant 0 : i32
      "tpu.region"() ({
        %run_scoped3A_268 = tpu.sem_alloc : memref<!tpu.dma_semaphore, #tpu.memory_space<semaphore_mem>>
        %dma_start3A_269 = arith.constant 0 : i32
        %dma_start3A_270 = arith.constant 0 : i32
        %dma_start3A_271 = tpu.memref_slice %arg18[%run_scoped3A_255, %dma_start3A_269, %dma_start3A_270] : memref<2x80x64xf32, #tpu.memory_space<vmem>> -> memref<1x80x64xf32, #tpu.memory_space<vmem>>
        %dma_start3A_272 = tpu.memref_squeeze %dma_start3A_271 : memref<1x80x64xf32, #tpu.memory_space<vmem>> -> memref<80x64xf32, #tpu.memory_space<vmem>>
        %dma_start3A_273 = arith.constant 0 : i32
        %dma_start3A_274 = tpu.memref_slice %arg12[%add3A_254, %dma_start3A_273] : memref<320000x64xf32, #tpu.memory_space<hbm>> -> memref<80x64xf32, #tpu.memory_space<hbm>>
        %dma_start3A_275 = arith.constant 0 : i32
        %dma_start3A_276 = tpu.memref_slice %arg12[%add3A_254, %dma_start3A_275] : memref<320000x64xf32, #tpu.memory_space<hbm>> -> memref<80x64xf32, #tpu.memory_space<hbm>>
        %dma_start3A_277 = arith.constant 0 : i32
        %dma_start3A_278 = arith.constant 0 : i32
        %dma_start3A_279 = tpu.memref_slice %arg18[%run_scoped3A_255, %dma_start3A_277, %dma_start3A_278] : memref<2x80x64xf32, #tpu.memory_space<vmem>> -> memref<1x80x64xf32, #tpu.memory_space<vmem>>
        %dma_start3A_280 = tpu.memref_squeeze %dma_start3A_279 : memref<1x80x64xf32, #tpu.memory_space<vmem>> -> memref<80x64xf32, #tpu.memory_space<vmem>>
        tpu.enqueue_dma source(%dma_start3A_280 : memref<80x64xf32, #tpu.memory_space<vmem>>) target(%dma_start3A_276 : memref<80x64xf32, #tpu.memory_space<hbm>>) target_semaphore(%run_scoped3A_268 : memref<!tpu.dma_semaphore, #tpu.memory_space<semaphore_mem>>)
        %dma_wait3A_281 = arith.constant 0 : i32
        %dma_wait3A_282 = arith.constant 0 : i32
        %dma_wait3A_283 = tpu.memref_slice %arg18[%run_scoped3A_255, %dma_wait3A_281, %dma_wait3A_282] : memref<2x80x64xf32, #tpu.memory_space<vmem>> -> memref<1x80x64xf32, #tpu.memory_space<vmem>>
        %dma_wait3A_284 = tpu.memref_squeeze %dma_wait3A_283 : memref<1x80x64xf32, #tpu.memory_space<vmem>> -> memref<80x64xf32, #tpu.memory_space<vmem>>
        %dma_wait3A_285 = arith.constant 0 : i32
        %dma_wait3A_286 = tpu.memref_slice %arg12[%add3A_254, %dma_wait3A_285] : memref<320000x64xf32, #tpu.memory_space<hbm>> -> memref<80x64xf32, #tpu.memory_space<hbm>>
        %dma_wait3A_287 = arith.constant 0 : i32
        %dma_wait3A_288 = tpu.memref_slice %arg12[%add3A_254, %dma_wait3A_287] : memref<320000x64xf32, #tpu.memory_space<hbm>> -> memref<80x64xf32, #tpu.memory_space<hbm>>
        %dma_wait3A_289 = arith.constant 0 : i32
        %dma_wait3A_290 = arith.constant 0 : i32
        %dma_wait3A_291 = tpu.memref_slice %arg18[%run_scoped3A_255, %dma_wait3A_289, %dma_wait3A_290] : memref<2x80x64xf32, #tpu.memory_space<vmem>> -> memref<1x80x64xf32, #tpu.memory_space<vmem>>
        %dma_wait3A_292 = tpu.memref_squeeze %dma_wait3A_291 : memref<1x80x64xf32, #tpu.memory_space<vmem>> -> memref<80x64xf32, #tpu.memory_space<vmem>>
        tpu.wait_dma2 semaphore(%run_scoped3A_268 : memref<!tpu.dma_semaphore, #tpu.memory_space<semaphore_mem>>) src(%dma_wait3A_292 : memref<80x64xf32, #tpu.memory_space<vmem>>) dst(%dma_wait3A_288 : memref<80x64xf32, #tpu.memory_space<hbm>>)
        tpu.yield
      }) : () -> ()
      %add3A_256 = arith.constant 1 : i32
      %add3A_257 = arith.addi %add3A_235, %add3A_256 : i32
      %lt3A_258 = arith.constant 125 : i32
      %lt3A_259 = arith.cmpi slt, %add3A_257, %lt3A_258 : i32
      %convert_element_type3A_260 = arith.extui %lt3A_259 : i1 to i32
      %cond3A_261 = arith.constant 0 : i32
      %cond3A_262 = arith.cmpi ne, %convert_element_type3A_260, %cond3A_261 : i32
      scf.if %cond3A_262 {
        %add3A_268 = arith.constant 1 : i32
        %add3A_269 = arith.addi %add3A_235, %add3A_268 : i32
        %mul3A_270 = arith.constant 80 : i32
        %mul3A_271 = arith.muli %add3A_269, %mul3A_270 : i32
        %dma_start3A_272 = arith.constant 0 : i32
        %dma_start3A_273 = arith.constant 0 : i32
        %dma_start3A_274 = arith.constant 0 : i32
        %dma_start3A_275 = tpu.memref_slice %arg18[%dma_start3A_272, %dma_start3A_273, %dma_start3A_274] : memref<2x80x64xf32, #tpu.memory_space<vmem>> -> memref<1x80x64xf32, #tpu.memory_space<vmem>>
        %dma_start3A_276 = tpu.memref_squeeze %dma_start3A_275 : memref<1x80x64xf32, #tpu.memory_space<vmem>> -> memref<80x64xf32, #tpu.memory_space<vmem>>
        %dma_start3A_277 = tpu.memref_slice %arg17[%mul3A_271] : memref<10000xi32, #tpu.memory_space<vmem>> -> memref<80xi32, #tpu.memory_space<vmem>>
        %dma_start3A_278 = arith.constant 0 : i32
        %dma_start3A_279 = arith.constant 0 : i32
        %dma_start3A_280 = tpu.memref_slice %arg2[%dma_start3A_278, %dma_start3A_279] : memref<50000x64xf32, #tpu.memory_space<hbm>> -> memref<50000x64xf32, #tpu.memory_space<hbm>>
        tpu.enqueue_indirect_dma source(%dma_start3A_280 : memref<50000x64xf32, #tpu.memory_space<hbm>>) target(%dma_start3A_276 : memref<80x64xf32, #tpu.memory_space<vmem>>) offsets(%dma_start3A_277 : memref<80xi32, #tpu.memory_space<vmem>>) semaphore(%arg19 : memref<!tpu.dma_semaphore, #tpu.memory_space<semaphore_mem>>)
      } else {
      }
      %lt3A_263 = arith.constant 125 : i32
      %lt3A_264 = arith.cmpi slt, %add3A_235, %lt3A_263 : i32
      %convert_element_type3A_265 = arith.extui %lt3A_264 : i1 to i32
      %cond3A_266 = arith.constant 0 : i32
      %cond3A_267 = arith.cmpi ne, %convert_element_type3A_265, %cond3A_266 : i32
      scf.if %cond3A_267 {
        %mul3A_268 = arith.constant 80 : i32
        %mul3A_269 = arith.muli %add3A_235, %mul3A_268 : i32
        %dma_wait3A_270 = arith.constant 1 : i32
        %dma_wait3A_271 = arith.constant 0 : i32
        %dma_wait3A_272 = arith.constant 0 : i32
        %dma_wait3A_273 = tpu.memref_slice %arg18[%dma_wait3A_270, %dma_wait3A_271, %dma_wait3A_272] : memref<2x80x64xf32, #tpu.memory_space<vmem>> -> memref<1x80x64xf32, #tpu.memory_space<vmem>>
        %dma_wait3A_274 = tpu.memref_squeeze %dma_wait3A_273 : memref<1x80x64xf32, #tpu.memory_space<vmem>> -> memref<80x64xf32, #tpu.memory_space<vmem>>
        %dma_wait3A_275 = tpu.memref_slice %arg17[%mul3A_269] : memref<10000xi32, #tpu.memory_space<vmem>> -> memref<80xi32, #tpu.memory_space<vmem>>
        %dma_wait3A_276 = arith.constant 0 : i32
        %dma_wait3A_277 = arith.constant 0 : i32
        %dma_wait3A_278 = tpu.memref_slice %arg2[%dma_wait3A_276, %dma_wait3A_277] : memref<50000x64xf32, #tpu.memory_space<hbm>> -> memref<50000x64xf32, #tpu.memory_space<hbm>>
        tpu.wait_indirect_dma semaphore(%arg20 : memref<!tpu.dma_semaphore, #tpu.memory_space<semaphore_mem>>) src(%dma_wait3A_278 : memref<50000x64xf32, #tpu.memory_space<hbm>>) dst(%dma_wait3A_274 : memref<80x64xf32, #tpu.memory_space<vmem>>)
        %mul3A_279 = arith.constant 80 : i32
        %mul3A_280 = arith.muli %add3A_235, %mul3A_279 : i32
        %add3A_281 = arith.addi %mul3A_2, %mul3A_280 : i32
        %run_scoped3A_282 = arith.constant 1 : i32
        "tpu.region"() ({
          %run_scoped3A_283 = tpu.sem_alloc : memref<!tpu.dma_semaphore, #tpu.memory_space<semaphore_mem>>
          %dma_start3A_284 = arith.constant 0 : i32
          %dma_start3A_285 = arith.constant 0 : i32
          %dma_start3A_286 = tpu.memref_slice %arg18[%run_scoped3A_282, %dma_start3A_284, %dma_start3A_285] : memref<2x80x64xf32, #tpu.memory_space<vmem>> -> memref<1x80x64xf32, #tpu.memory_space<vmem>>
          %dma_start3A_287 = tpu.memref_squeeze %dma_start3A_286 : memref<1x80x64xf32, #tpu.memory_space<vmem>> -> memref<80x64xf32, #tpu.memory_space<vmem>>
          %dma_start3A_288 = arith.constant 0 : i32
          %dma_start3A_289 = tpu.memref_slice %arg12[%add3A_281, %dma_start3A_288] : memref<320000x64xf32, #tpu.memory_space<hbm>> -> memref<80x64xf32, #tpu.memory_space<hbm>>
          %dma_start3A_290 = arith.constant 0 : i32
          %dma_start3A_291 = tpu.memref_slice %arg12[%add3A_281, %dma_start3A_290] : memref<320000x64xf32, #tpu.memory_space<hbm>> -> memref<80x64xf32, #tpu.memory_space<hbm>>
          %dma_start3A_292 = arith.constant 0 : i32
          %dma_start3A_293 = arith.constant 0 : i32
          %dma_start3A_294 = tpu.memref_slice %arg18[%run_scoped3A_282, %dma_start3A_292, %dma_start3A_293] : memref<2x80x64xf32, #tpu.memory_space<vmem>> -> memref<1x80x64xf32, #tpu.memory_space<vmem>>
          %dma_start3A_295 = tpu.memref_squeeze %dma_start3A_294 : memref<1x80x64xf32, #tpu.memory_space<vmem>> -> memref<80x64xf32, #tpu.memory_space<vmem>>
          tpu.enqueue_dma source(%dma_start3A_295 : memref<80x64xf32, #tpu.memory_space<vmem>>) target(%dma_start3A_291 : memref<80x64xf32, #tpu.memory_space<hbm>>) target_semaphore(%run_scoped3A_283 : memref<!tpu.dma_semaphore, #tpu.memory_space<semaphore_mem>>)
          %dma_wait3A_296 = arith.constant 0 : i32
          %dma_wait3A_297 = arith.constant 0 : i32
          %dma_wait3A_298 = tpu.memref_slice %arg18[%run_scoped3A_282, %dma_wait3A_296, %dma_wait3A_297] : memref<2x80x64xf32, #tpu.memory_space<vmem>> -> memref<1x80x64xf32, #tpu.memory_space<vmem>>
          %dma_wait3A_299 = tpu.memref_squeeze %dma_wait3A_298 : memref<1x80x64xf32, #tpu.memory_space<vmem>> -> memref<80x64xf32, #tpu.memory_space<vmem>>
          %dma_wait3A_300 = arith.constant 0 : i32
          %dma_wait3A_301 = tpu.memref_slice %arg12[%add3A_281, %dma_wait3A_300] : memref<320000x64xf32, #tpu.memory_space<hbm>> -> memref<80x64xf32, #tpu.memory_space<hbm>>
          %dma_wait3A_302 = arith.constant 0 : i32
          %dma_wait3A_303 = tpu.memref_slice %arg12[%add3A_281, %dma_wait3A_302] : memref<320000x64xf32, #tpu.memory_space<hbm>> -> memref<80x64xf32, #tpu.memory_space<hbm>>
          %dma_wait3A_304 = arith.constant 0 : i32
          %dma_wait3A_305 = arith.constant 0 : i32
          %dma_wait3A_306 = tpu.memref_slice %arg18[%run_scoped3A_282, %dma_wait3A_304, %dma_wait3A_305] : memref<2x80x64xf32, #tpu.memory_space<vmem>> -> memref<1x80x64xf32, #tpu.memory_space<vmem>>
          %dma_wait3A_307 = tpu.memref_squeeze %dma_wait3A_306 : memref<1x80x64xf32, #tpu.memory_space<vmem>> -> memref<80x64xf32, #tpu.memory_space<vmem>>
          tpu.wait_dma2 semaphore(%run_scoped3A_283 : memref<!tpu.dma_semaphore, #tpu.memory_space<semaphore_mem>>) src(%dma_wait3A_307 : memref<80x64xf32, #tpu.memory_space<vmem>>) dst(%dma_wait3A_303 : memref<80x64xf32, #tpu.memory_space<hbm>>)
          tpu.yield
        }) : () -> ()
      } else {
      }
    }
    %scan3A_15 = arith.constant 63 : i32
    %mul3A_16 = arith.constant 32 : i32
    %mul3A_17 = arith.muli %add3A, %mul3A_16 : i32
    "tpu.region"() ({
      %run_scoped3A_227 = tpu.sem_alloc : memref<!tpu.dma_semaphore, #tpu.memory_space<semaphore_mem>>
      %dma_start3A_228 = tpu.memref_slice %arg5[%mul3A_17] : memref<1024xi32, #tpu.memory_space<hbm>> -> memref<32xi32, #tpu.memory_space<hbm>>
      %dma_start3A_229 = tpu.memref_slice %arg5[%mul3A_17] : memref<1024xi32, #tpu.memory_space<hbm>> -> memref<32xi32, #tpu.memory_space<hbm>>
      tpu.enqueue_dma source(%dma_start3A_229 : memref<32xi32, #tpu.memory_space<hbm>>) target(%arg21 : memref<32xi32, #tpu.memory_space<vmem>>) target_semaphore(%run_scoped3A_227 : memref<!tpu.dma_semaphore, #tpu.memory_space<semaphore_mem>>)
      %dma_wait3A_230 = tpu.memref_slice %arg5[%mul3A_17] : memref<1024xi32, #tpu.memory_space<hbm>> -> memref<32xi32, #tpu.memory_space<hbm>>
      %dma_wait3A_231 = tpu.memref_slice %arg5[%mul3A_17] : memref<1024xi32, #tpu.memory_space<hbm>> -> memref<32xi32, #tpu.memory_space<hbm>>
      tpu.wait_dma2 semaphore(%run_scoped3A_227 : memref<!tpu.dma_semaphore, #tpu.memory_space<semaphore_mem>>) src(%dma_wait3A_231 : memref<32xi32, #tpu.memory_space<hbm>>) dst(%arg21 : memref<32xi32, #tpu.memory_space<vmem>>)
      tpu.yield
    }) : () -> ()
    %dma_start3A_18 = arith.constant 0 : i32
    %dma_start3A_19 = arith.constant 0 : i32
    %dma_start3A_20 = arith.constant 0 : i32
    %dma_start3A_21 = tpu.memref_slice %arg22[%dma_start3A_18, %dma_start3A_19, %dma_start3A_20] : memref<2x32x32xi32, #tpu.memory_space<vmem>> -> memref<1x32x32xi32, #tpu.memory_space<vmem>>
    %dma_start3A_22 = tpu.memref_squeeze %dma_start3A_21 : memref<1x32x32xi32, #tpu.memory_space<vmem>> -> memref<32x32xi32, #tpu.memory_space<vmem>>
    %dma_start3A_23 = arith.constant 0 : i32
    %dma_start3A_24 = tpu.memref_slice %arg21[%dma_start3A_23] : memref<32xi32, #tpu.memory_space<vmem>> -> memref<32xi32, #tpu.memory_space<vmem>>
    %dma_start3A_25 = arith.constant 0 : i32
    %dma_start3A_26 = arith.constant 0 : i32
    %dma_start3A_27 = tpu.memref_slice %arg4[%dma_start3A_25, %dma_start3A_26] : memref<10000x32xi32, #tpu.memory_space<hbm>> -> memref<10000x32xi32, #tpu.memory_space<hbm>>
    tpu.enqueue_indirect_dma source(%dma_start3A_27 : memref<10000x32xi32, #tpu.memory_space<hbm>>) target(%dma_start3A_22 : memref<32x32xi32, #tpu.memory_space<vmem>>) offsets(%dma_start3A_24 : memref<32xi32, #tpu.memory_space<vmem>>) semaphore(%arg23 : memref<!tpu.dma_semaphore, #tpu.memory_space<semaphore_mem>>)
    %scan3A_28 = arith.constant 0 : i32
    %mul3A_29 = arith.constant 1 : i32
    %mul3A_30 = arith.muli %scan3A_28, %mul3A_29 : i32
    %add3A_31 = arith.constant 0 : i32
    %add3A_32 = arith.addi %add3A_31, %mul3A_30 : i32
    %mul3A_33 = arith.constant 2 : i32
    %mul3A_34 = arith.muli %mul3A_33, %add3A_32 : i32
    %add3A_35 = arith.constant 1 : i32
    %add3A_36 = arith.addi %mul3A_34, %add3A_35 : i32
    %lt3A = arith.constant 1 : i32
    %lt3A_37 = arith.cmpi slt, %add3A_36, %lt3A : i32
    %convert_element_type3A = arith.extui %lt3A_37 : i1 to i32
    %cond3A = arith.constant 0 : i32
    %cond3A_38 = arith.cmpi ne, %convert_element_type3A, %cond3A : i32
    scf.if %cond3A_38 {
      %mul3A_227 = arith.constant 32 : i32
      %mul3A_228 = arith.muli %add3A_36, %mul3A_227 : i32
      %dma_start3A_229 = arith.constant 1 : i32
      %dma_start3A_230 = arith.constant 0 : i32
      %dma_start3A_231 = arith.constant 0 : i32
      %dma_start3A_232 = tpu.memref_slice %arg22[%dma_start3A_229, %dma_start3A_230, %dma_start3A_231] : memref<2x32x32xi32, #tpu.memory_space<vmem>> -> memref<1x32x32xi32, #tpu.memory_space<vmem>>
      %dma_start3A_233 = tpu.memref_squeeze %dma_start3A_232 : memref<1x32x32xi32, #tpu.memory_space<vmem>> -> memref<32x32xi32, #tpu.memory_space<vmem>>
      %dma_start3A_234 = tpu.memref_slice %arg21[%mul3A_228] : memref<32xi32, #tpu.memory_space<vmem>> -> memref<32xi32, #tpu.memory_space<vmem>>
      %dma_start3A_235 = arith.constant 0 : i32
      %dma_start3A_236 = arith.constant 0 : i32
      %dma_start3A_237 = tpu.memref_slice %arg4[%dma_start3A_235, %dma_start3A_236] : memref<10000x32xi32, #tpu.memory_space<hbm>> -> memref<10000x32xi32, #tpu.memory_space<hbm>>
      tpu.enqueue_indirect_dma source(%dma_start3A_237 : memref<10000x32xi32, #tpu.memory_space<hbm>>) target(%dma_start3A_233 : memref<32x32xi32, #tpu.memory_space<vmem>>) offsets(%dma_start3A_234 : memref<32xi32, #tpu.memory_space<vmem>>) semaphore(%arg24 : memref<!tpu.dma_semaphore, #tpu.memory_space<semaphore_mem>>)
    } else {
    }
    %mul3A_39 = arith.constant 32 : i32
    %mul3A_40 = arith.muli %mul3A_34, %mul3A_39 : i32
    %dma_wait3A = arith.constant 0 : i32
    %dma_wait3A_41 = arith.constant 0 : i32
    %dma_wait3A_42 = arith.constant 0 : i32
    %dma_wait3A_43 = tpu.memref_slice %arg22[%dma_wait3A, %dma_wait3A_41, %dma_wait3A_42] : memref<2x32x32xi32, #tpu.memory_space<vmem>> -> memref<1x32x32xi32, #tpu.memory_space<vmem>>
    %dma_wait3A_44 = tpu.memref_squeeze %dma_wait3A_43 : memref<1x32x32xi32, #tpu.memory_space<vmem>> -> memref<32x32xi32, #tpu.memory_space<vmem>>
    %dma_wait3A_45 = tpu.memref_slice %arg21[%mul3A_40] : memref<32xi32, #tpu.memory_space<vmem>> -> memref<32xi32, #tpu.memory_space<vmem>>
    %dma_wait3A_46 = arith.constant 0 : i32
    %dma_wait3A_47 = arith.constant 0 : i32
    %dma_wait3A_48 = tpu.memref_slice %arg4[%dma_wait3A_46, %dma_wait3A_47] : memref<10000x32xi32, #tpu.memory_space<hbm>> -> memref<10000x32xi32, #tpu.memory_space<hbm>>
    tpu.wait_indirect_dma semaphore(%arg23 : memref<!tpu.dma_semaphore, #tpu.memory_space<semaphore_mem>>) src(%dma_wait3A_48 : memref<10000x32xi32, #tpu.memory_space<hbm>>) dst(%dma_wait3A_44 : memref<32x32xi32, #tpu.memory_space<vmem>>)
    %mul3A_49 = arith.constant 32 : i32
    %mul3A_50 = arith.muli %mul3A_34, %mul3A_49 : i32
    %add3A_51 = arith.addi %mul3A_17, %mul3A_50 : i32
    %run_scoped3A = arith.constant 0 : i32
    "tpu.region"() ({
      %run_scoped3A_227 = tpu.sem_alloc : memref<!tpu.dma_semaphore, #tpu.memory_space<semaphore_mem>>
      %dma_start3A_228 = arith.constant 0 : i32
      %dma_start3A_229 = arith.constant 0 : i32
      %dma_start3A_230 = tpu.memref_slice %arg22[%run_scoped3A, %dma_start3A_228, %dma_start3A_229] : memref<2x32x32xi32, #tpu.memory_space<vmem>> -> memref<1x32x32xi32, #tpu.memory_space<vmem>>
      %dma_start3A_231 = tpu.memref_squeeze %dma_start3A_230 : memref<1x32x32xi32, #tpu.memory_space<vmem>> -> memref<32x32xi32, #tpu.memory_space<vmem>>
      %dma_start3A_232 = arith.constant 0 : i32
      %dma_start3A_233 = tpu.memref_slice %arg13[%add3A_51, %dma_start3A_232] : memref<1024x32xi32, #tpu.memory_space<hbm>> -> memref<32x32xi32, #tpu.memory_space<hbm>>
      %dma_start3A_234 = arith.constant 0 : i32
      %dma_start3A_235 = tpu.memref_slice %arg13[%add3A_51, %dma_start3A_234] : memref<1024x32xi32, #tpu.memory_space<hbm>> -> memref<32x32xi32, #tpu.memory_space<hbm>>
      %dma_start3A_236 = arith.constant 0 : i32
      %dma_start3A_237 = arith.constant 0 : i32
      %dma_start3A_238 = tpu.memref_slice %arg22[%run_scoped3A, %dma_start3A_236, %dma_start3A_237] : memref<2x32x32xi32, #tpu.memory_space<vmem>> -> memref<1x32x32xi32, #tpu.memory_space<vmem>>
      %dma_start3A_239 = tpu.memref_squeeze %dma_start3A_238 : memref<1x32x32xi32, #tpu.memory_space<vmem>> -> memref<32x32xi32, #tpu.memory_space<vmem>>
      tpu.enqueue_dma source(%dma_start3A_239 : memref<32x32xi32, #tpu.memory_space<vmem>>) target(%dma_start3A_235 : memref<32x32xi32, #tpu.memory_space<hbm>>) target_semaphore(%run_scoped3A_227 : memref<!tpu.dma_semaphore, #tpu.memory_space<semaphore_mem>>)
      %dma_wait3A_240 = arith.constant 0 : i32
      %dma_wait3A_241 = arith.constant 0 : i32
      %dma_wait3A_242 = tpu.memref_slice %arg22[%run_scoped3A, %dma_wait3A_240, %dma_wait3A_241] : memref<2x32x32xi32, #tpu.memory_space<vmem>> -> memref<1x32x32xi32, #tpu.memory_space<vmem>>
      %dma_wait3A_243 = tpu.memref_squeeze %dma_wait3A_242 : memref<1x32x32xi32, #tpu.memory_space<vmem>> -> memref<32x32xi32, #tpu.memory_space<vmem>>
      %dma_wait3A_244 = arith.constant 0 : i32
      %dma_wait3A_245 = tpu.memref_slice %arg13[%add3A_51, %dma_wait3A_244] : memref<1024x32xi32, #tpu.memory_space<hbm>> -> memref<32x32xi32, #tpu.memory_space<hbm>>
      %dma_wait3A_246 = arith.constant 0 : i32
      %dma_wait3A_247 = tpu.memref_slice %arg13[%add3A_51, %dma_wait3A_246] : memref<1024x32xi32, #tpu.memory_space<hbm>> -> memref<32x32xi32, #tpu.memory_space<hbm>>
      %dma_wait3A_248 = arith.constant 0 : i32
      %dma_wait3A_249 = arith.constant 0 : i32
      %dma_wait3A_250 = tpu.memref_slice %arg22[%run_scoped3A, %dma_wait3A_248, %dma_wait3A_249] : memref<2x32x32xi32, #tpu.memory_space<vmem>> -> memref<1x32x32xi32, #tpu.memory_space<vmem>>
      %dma_wait3A_251 = tpu.memref_squeeze %dma_wait3A_250 : memref<1x32x32xi32, #tpu.memory_space<vmem>> -> memref<32x32xi32, #tpu.memory_space<vmem>>
      tpu.wait_dma2 semaphore(%run_scoped3A_227 : memref<!tpu.dma_semaphore, #tpu.memory_space<semaphore_mem>>) src(%dma_wait3A_251 : memref<32x32xi32, #tpu.memory_space<vmem>>) dst(%dma_wait3A_247 : memref<32x32xi32, #tpu.memory_space<hbm>>)
      tpu.yield
    }) : () -> ()
    %add3A_52 = arith.constant 1 : i32
    %add3A_53 = arith.addi %add3A_36, %add3A_52 : i32
    %lt3A_54 = arith.constant 1 : i32
    %lt3A_55 = arith.cmpi slt, %add3A_53, %lt3A_54 : i32
    %convert_element_type3A_56 = arith.extui %lt3A_55 : i1 to i32
    %cond3A_57 = arith.constant 0 : i32
    %cond3A_58 = arith.cmpi ne, %convert_element_type3A_56, %cond3A_57 : i32
    scf.if %cond3A_58 {
      %add3A_227 = arith.constant 1 : i32
      %add3A_228 = arith.addi %add3A_36, %add3A_227 : i32
      %mul3A_229 = arith.constant 32 : i32
      %mul3A_230 = arith.muli %add3A_228, %mul3A_229 : i32
      %dma_start3A_231 = arith.constant 0 : i32
      %dma_start3A_232 = arith.constant 0 : i32
      %dma_start3A_233 = arith.constant 0 : i32
      %dma_start3A_234 = tpu.memref_slice %arg22[%dma_start3A_231, %dma_start3A_232, %dma_start3A_233] : memref<2x32x32xi32, #tpu.memory_space<vmem>> -> memref<1x32x32xi32, #tpu.memory_space<vmem>>
      %dma_start3A_235 = tpu.memref_squeeze %dma_start3A_234 : memref<1x32x32xi32, #tpu.memory_space<vmem>> -> memref<32x32xi32, #tpu.memory_space<vmem>>
      %dma_start3A_236 = tpu.memref_slice %arg21[%mul3A_230] : memref<32xi32, #tpu.memory_space<vmem>> -> memref<32xi32, #tpu.memory_space<vmem>>
      %dma_start3A_237 = arith.constant 0 : i32
      %dma_start3A_238 = arith.constant 0 : i32
      %dma_start3A_239 = tpu.memref_slice %arg4[%dma_start3A_237, %dma_start3A_238] : memref<10000x32xi32, #tpu.memory_space<hbm>> -> memref<10000x32xi32, #tpu.memory_space<hbm>>
      tpu.enqueue_indirect_dma source(%dma_start3A_239 : memref<10000x32xi32, #tpu.memory_space<hbm>>) target(%dma_start3A_235 : memref<32x32xi32, #tpu.memory_space<vmem>>) offsets(%dma_start3A_236 : memref<32xi32, #tpu.memory_space<vmem>>) semaphore(%arg23 : memref<!tpu.dma_semaphore, #tpu.memory_space<semaphore_mem>>)
    } else {
    }
    %lt3A_59 = arith.constant 1 : i32
    %lt3A_60 = arith.cmpi slt, %add3A_36, %lt3A_59 : i32
    %convert_element_type3A_61 = arith.extui %lt3A_60 : i1 to i32
    %cond3A_62 = arith.constant 0 : i32
    %cond3A_63 = arith.cmpi ne, %convert_element_type3A_61, %cond3A_62 : i32
    scf.if %cond3A_63 {
      %mul3A_227 = arith.constant 32 : i32
      %mul3A_228 = arith.muli %add3A_36, %mul3A_227 : i32
      %dma_wait3A_229 = arith.constant 1 : i32
      %dma_wait3A_230 = arith.constant 0 : i32
      %dma_wait3A_231 = arith.constant 0 : i32
      %dma_wait3A_232 = tpu.memref_slice %arg22[%dma_wait3A_229, %dma_wait3A_230, %dma_wait3A_231] : memref<2x32x32xi32, #tpu.memory_space<vmem>> -> memref<1x32x32xi32, #tpu.memory_space<vmem>>
      %dma_wait3A_233 = tpu.memref_squeeze %dma_wait3A_232 : memref<1x32x32xi32, #tpu.memory_space<vmem>> -> memref<32x32xi32, #tpu.memory_space<vmem>>
      %dma_wait3A_234 = tpu.memref_slice %arg21[%mul3A_228] : memref<32xi32, #tpu.memory_space<vmem>> -> memref<32xi32, #tpu.memory_space<vmem>>
      %dma_wait3A_235 = arith.constant 0 : i32
      %dma_wait3A_236 = arith.constant 0 : i32
      %dma_wait3A_237 = tpu.memref_slice %arg4[%dma_wait3A_235, %dma_wait3A_236] : memref<10000x32xi32, #tpu.memory_space<hbm>> -> memref<10000x32xi32, #tpu.memory_space<hbm>>
      tpu.wait_indirect_dma semaphore(%arg24 : memref<!tpu.dma_semaphore, #tpu.memory_space<semaphore_mem>>) src(%dma_wait3A_237 : memref<10000x32xi32, #tpu.memory_space<hbm>>) dst(%dma_wait3A_233 : memref<32x32xi32, #tpu.memory_space<vmem>>)
      %mul3A_238 = arith.constant 32 : i32
      %mul3A_239 = arith.muli %add3A_36, %mul3A_238 : i32
      %add3A_240 = arith.addi %mul3A_17, %mul3A_239 : i32
      %run_scoped3A_241 = arith.constant 1 : i32
      "tpu.region"() ({
        %run_scoped3A_242 = tpu.sem_alloc : memref<!tpu.dma_semaphore, #tpu.memory_space<semaphore_mem>>
        %dma_start3A_243 = arith.constant 0 : i32
        %dma_start3A_244 = arith.constant 0 : i32
        %dma_start3A_245 = tpu.memref_slice %arg22[%run_scoped3A_241, %dma_start3A_243, %dma_start3A_244] : memref<2x32x32xi32, #tpu.memory_space<vmem>> -> memref<1x32x32xi32, #tpu.memory_space<vmem>>
        %dma_start3A_246 = tpu.memref_squeeze %dma_start3A_245 : memref<1x32x32xi32, #tpu.memory_space<vmem>> -> memref<32x32xi32, #tpu.memory_space<vmem>>
        %dma_start3A_247 = arith.constant 0 : i32
        %dma_start3A_248 = tpu.memref_slice %arg13[%add3A_240, %dma_start3A_247] : memref<1024x32xi32, #tpu.memory_space<hbm>> -> memref<32x32xi32, #tpu.memory_space<hbm>>
        %dma_start3A_249 = arith.constant 0 : i32
        %dma_start3A_250 = tpu.memref_slice %arg13[%add3A_240, %dma_start3A_249] : memref<1024x32xi32, #tpu.memory_space<hbm>> -> memref<32x32xi32, #tpu.memory_space<hbm>>
        %dma_start3A_251 = arith.constant 0 : i32
        %dma_start3A_252 = arith.constant 0 : i32
        %dma_start3A_253 = tpu.memref_slice %arg22[%run_scoped3A_241, %dma_start3A_251, %dma_start3A_252] : memref<2x32x32xi32, #tpu.memory_space<vmem>> -> memref<1x32x32xi32, #tpu.memory_space<vmem>>
        %dma_start3A_254 = tpu.memref_squeeze %dma_start3A_253 : memref<1x32x32xi32, #tpu.memory_space<vmem>> -> memref<32x32xi32, #tpu.memory_space<vmem>>
        tpu.enqueue_dma source(%dma_start3A_254 : memref<32x32xi32, #tpu.memory_space<vmem>>) target(%dma_start3A_250 : memref<32x32xi32, #tpu.memory_space<hbm>>) target_semaphore(%run_scoped3A_242 : memref<!tpu.dma_semaphore, #tpu.memory_space<semaphore_mem>>)
        %dma_wait3A_255 = arith.constant 0 : i32
        %dma_wait3A_256 = arith.constant 0 : i32
        %dma_wait3A_257 = tpu.memref_slice %arg22[%run_scoped3A_241, %dma_wait3A_255, %dma_wait3A_256] : memref<2x32x32xi32, #tpu.memory_space<vmem>> -> memref<1x32x32xi32, #tpu.memory_space<vmem>>
        %dma_wait3A_258 = tpu.memref_squeeze %dma_wait3A_257 : memref<1x32x32xi32, #tpu.memory_space<vmem>> -> memref<32x32xi32, #tpu.memory_space<vmem>>
        %dma_wait3A_259 = arith.constant 0 : i32
        %dma_wait3A_260 = tpu.memref_slice %arg13[%add3A_240, %dma_wait3A_259] : memref<1024x32xi32, #tpu.memory_space<hbm>> -> memref<32x32xi32, #tpu.memory_space<hbm>>
        %dma_wait3A_261 = arith.constant 0 : i32
        %dma_wait3A_262 = tpu.memref_slice %arg13[%add3A_240, %dma_wait3A_261] : memref<1024x32xi32, #tpu.memory_space<hbm>> -> memref<32x32xi32, #tpu.memory_space<hbm>>
        %dma_wait3A_263 = arith.constant 0 : i32
        %dma_wait3A_264 = arith.constant 0 : i32
        %dma_wait3A_265 = tpu.memref_slice %arg22[%run_scoped3A_241, %dma_wait3A_263, %dma_wait3A_264] : memref<2x32x32xi32, #tpu.memory_space<vmem>> -> memref<1x32x32xi32, #tpu.memory_space<vmem>>
        %dma_wait3A_266 = tpu.memref_squeeze %dma_wait3A_265 : memref<1x32x32xi32, #tpu.memory_space<vmem>> -> memref<32x32xi32, #tpu.memory_space<vmem>>
        tpu.wait_dma2 semaphore(%run_scoped3A_242 : memref<!tpu.dma_semaphore, #tpu.memory_space<semaphore_mem>>) src(%dma_wait3A_266 : memref<32x32xi32, #tpu.memory_space<vmem>>) dst(%dma_wait3A_262 : memref<32x32xi32, #tpu.memory_space<hbm>>)
        tpu.yield
      }) : () -> ()
    } else {
    }
    %scan3A_64 = arith.constant 1 : i32
    %mul3A_65 = arith.constant 32 : i32
    %mul3A_66 = arith.muli %add3A, %mul3A_65 : i32
    "tpu.region"() ({
      %run_scoped3A_227 = tpu.sem_alloc : memref<!tpu.dma_semaphore, #tpu.memory_space<semaphore_mem>>
      %dma_start3A_228 = tpu.memref_slice %arg7[%mul3A_66] : memref<1024xi32, #tpu.memory_space<hbm>> -> memref<32xi32, #tpu.memory_space<hbm>>
      %dma_start3A_229 = tpu.memref_slice %arg7[%mul3A_66] : memref<1024xi32, #tpu.memory_space<hbm>> -> memref<32xi32, #tpu.memory_space<hbm>>
      tpu.enqueue_dma source(%dma_start3A_229 : memref<32xi32, #tpu.memory_space<hbm>>) target(%arg25 : memref<32xi32, #tpu.memory_space<vmem>>) target_semaphore(%run_scoped3A_227 : memref<!tpu.dma_semaphore, #tpu.memory_space<semaphore_mem>>)
      %dma_wait3A_230 = tpu.memref_slice %arg7[%mul3A_66] : memref<1024xi32, #tpu.memory_space<hbm>> -> memref<32xi32, #tpu.memory_space<hbm>>
      %dma_wait3A_231 = tpu.memref_slice %arg7[%mul3A_66] : memref<1024xi32, #tpu.memory_space<hbm>> -> memref<32xi32, #tpu.memory_space<hbm>>
      tpu.wait_dma2 semaphore(%run_scoped3A_227 : memref<!tpu.dma_semaphore, #tpu.memory_space<semaphore_mem>>) src(%dma_wait3A_231 : memref<32xi32, #tpu.memory_space<hbm>>) dst(%arg25 : memref<32xi32, #tpu.memory_space<vmem>>)
      tpu.yield
    }) : () -> ()
    %dma_start3A_67 = arith.constant 0 : i32
    %dma_start3A_68 = arith.constant 0 : i32
    %dma_start3A_69 = arith.constant 0 : i32
    %dma_start3A_70 = tpu.memref_slice %arg26[%dma_start3A_67, %dma_start3A_68, %dma_start3A_69] : memref<2x32x32xi32, #tpu.memory_space<vmem>> -> memref<1x32x32xi32, #tpu.memory_space<vmem>>
    %dma_start3A_71 = tpu.memref_squeeze %dma_start3A_70 : memref<1x32x32xi32, #tpu.memory_space<vmem>> -> memref<32x32xi32, #tpu.memory_space<vmem>>
    %dma_start3A_72 = arith.constant 0 : i32
    %dma_start3A_73 = tpu.memref_slice %arg25[%dma_start3A_72] : memref<32xi32, #tpu.memory_space<vmem>> -> memref<32xi32, #tpu.memory_space<vmem>>
    %dma_start3A_74 = arith.constant 0 : i32
    %dma_start3A_75 = arith.constant 0 : i32
    %dma_start3A_76 = tpu.memref_slice %arg6[%dma_start3A_74, %dma_start3A_75] : memref<10000x32xi32, #tpu.memory_space<hbm>> -> memref<10000x32xi32, #tpu.memory_space<hbm>>
    tpu.enqueue_indirect_dma source(%dma_start3A_76 : memref<10000x32xi32, #tpu.memory_space<hbm>>) target(%dma_start3A_71 : memref<32x32xi32, #tpu.memory_space<vmem>>) offsets(%dma_start3A_73 : memref<32xi32, #tpu.memory_space<vmem>>) semaphore(%arg27 : memref<!tpu.dma_semaphore, #tpu.memory_space<semaphore_mem>>)
    %scan3A_77 = arith.constant 0 : i32
    %mul3A_78 = arith.constant 1 : i32
    %mul3A_79 = arith.muli %scan3A_77, %mul3A_78 : i32
    %add3A_80 = arith.constant 0 : i32
    %add3A_81 = arith.addi %add3A_80, %mul3A_79 : i32
    %mul3A_82 = arith.constant 2 : i32
    %mul3A_83 = arith.muli %mul3A_82, %add3A_81 : i32
    %add3A_84 = arith.constant 1 : i32
    %add3A_85 = arith.addi %mul3A_83, %add3A_84 : i32
    %lt3A_86 = arith.constant 1 : i32
    %lt3A_87 = arith.cmpi slt, %add3A_85, %lt3A_86 : i32
    %convert_element_type3A_88 = arith.extui %lt3A_87 : i1 to i32
    %cond3A_89 = arith.constant 0 : i32
    %cond3A_90 = arith.cmpi ne, %convert_element_type3A_88, %cond3A_89 : i32
    scf.if %cond3A_90 {
      %mul3A_227 = arith.constant 32 : i32
      %mul3A_228 = arith.muli %add3A_85, %mul3A_227 : i32
      %dma_start3A_229 = arith.constant 1 : i32
      %dma_start3A_230 = arith.constant 0 : i32
      %dma_start3A_231 = arith.constant 0 : i32
      %dma_start3A_232 = tpu.memref_slice %arg26[%dma_start3A_229, %dma_start3A_230, %dma_start3A_231] : memref<2x32x32xi32, #tpu.memory_space<vmem>> -> memref<1x32x32xi32, #tpu.memory_space<vmem>>
      %dma_start3A_233 = tpu.memref_squeeze %dma_start3A_232 : memref<1x32x32xi32, #tpu.memory_space<vmem>> -> memref<32x32xi32, #tpu.memory_space<vmem>>
      %dma_start3A_234 = tpu.memref_slice %arg25[%mul3A_228] : memref<32xi32, #tpu.memory_space<vmem>> -> memref<32xi32, #tpu.memory_space<vmem>>
      %dma_start3A_235 = arith.constant 0 : i32
      %dma_start3A_236 = arith.constant 0 : i32
      %dma_start3A_237 = tpu.memref_slice %arg6[%dma_start3A_235, %dma_start3A_236] : memref<10000x32xi32, #tpu.memory_space<hbm>> -> memref<10000x32xi32, #tpu.memory_space<hbm>>
      tpu.enqueue_indirect_dma source(%dma_start3A_237 : memref<10000x32xi32, #tpu.memory_space<hbm>>) target(%dma_start3A_233 : memref<32x32xi32, #tpu.memory_space<vmem>>) offsets(%dma_start3A_234 : memref<32xi32, #tpu.memory_space<vmem>>) semaphore(%arg28 : memref<!tpu.dma_semaphore, #tpu.memory_space<semaphore_mem>>)
    } else {
    }
    %mul3A_91 = arith.constant 32 : i32
    %mul3A_92 = arith.muli %mul3A_83, %mul3A_91 : i32
    %dma_wait3A_93 = arith.constant 0 : i32
    %dma_wait3A_94 = arith.constant 0 : i32
    %dma_wait3A_95 = arith.constant 0 : i32
    %dma_wait3A_96 = tpu.memref_slice %arg26[%dma_wait3A_93, %dma_wait3A_94, %dma_wait3A_95] : memref<2x32x32xi32, #tpu.memory_space<vmem>> -> memref<1x32x32xi32, #tpu.memory_space<vmem>>
    %dma_wait3A_97 = tpu.memref_squeeze %dma_wait3A_96 : memref<1x32x32xi32, #tpu.memory_space<vmem>> -> memref<32x32xi32, #tpu.memory_space<vmem>>
    %dma_wait3A_98 = tpu.memref_slice %arg25[%mul3A_92] : memref<32xi32, #tpu.memory_space<vmem>> -> memref<32xi32, #tpu.memory_space<vmem>>
    %dma_wait3A_99 = arith.constant 0 : i32
    %dma_wait3A_100 = arith.constant 0 : i32
    %dma_wait3A_101 = tpu.memref_slice %arg6[%dma_wait3A_99, %dma_wait3A_100] : memref<10000x32xi32, #tpu.memory_space<hbm>> -> memref<10000x32xi32, #tpu.memory_space<hbm>>
    tpu.wait_indirect_dma semaphore(%arg27 : memref<!tpu.dma_semaphore, #tpu.memory_space<semaphore_mem>>) src(%dma_wait3A_101 : memref<10000x32xi32, #tpu.memory_space<hbm>>) dst(%dma_wait3A_97 : memref<32x32xi32, #tpu.memory_space<vmem>>)
    %mul3A_102 = arith.constant 32 : i32
    %mul3A_103 = arith.muli %mul3A_83, %mul3A_102 : i32
    %add3A_104 = arith.addi %mul3A_66, %mul3A_103 : i32
    %run_scoped3A_105 = arith.constant 0 : i32
    "tpu.region"() ({
      %run_scoped3A_227 = tpu.sem_alloc : memref<!tpu.dma_semaphore, #tpu.memory_space<semaphore_mem>>
      %dma_start3A_228 = arith.constant 0 : i32
      %dma_start3A_229 = arith.constant 0 : i32
      %dma_start3A_230 = tpu.memref_slice %arg26[%run_scoped3A_105, %dma_start3A_228, %dma_start3A_229] : memref<2x32x32xi32, #tpu.memory_space<vmem>> -> memref<1x32x32xi32, #tpu.memory_space<vmem>>
      %dma_start3A_231 = tpu.memref_squeeze %dma_start3A_230 : memref<1x32x32xi32, #tpu.memory_space<vmem>> -> memref<32x32xi32, #tpu.memory_space<vmem>>
      %dma_start3A_232 = arith.constant 0 : i32
      %dma_start3A_233 = tpu.memref_slice %arg14[%add3A_104, %dma_start3A_232] : memref<1024x32xi32, #tpu.memory_space<hbm>> -> memref<32x32xi32, #tpu.memory_space<hbm>>
      %dma_start3A_234 = arith.constant 0 : i32
      %dma_start3A_235 = tpu.memref_slice %arg14[%add3A_104, %dma_start3A_234] : memref<1024x32xi32, #tpu.memory_space<hbm>> -> memref<32x32xi32, #tpu.memory_space<hbm>>
      %dma_start3A_236 = arith.constant 0 : i32
      %dma_start3A_237 = arith.constant 0 : i32
      %dma_start3A_238 = tpu.memref_slice %arg26[%run_scoped3A_105, %dma_start3A_236, %dma_start3A_237] : memref<2x32x32xi32, #tpu.memory_space<vmem>> -> memref<1x32x32xi32, #tpu.memory_space<vmem>>
      %dma_start3A_239 = tpu.memref_squeeze %dma_start3A_238 : memref<1x32x32xi32, #tpu.memory_space<vmem>> -> memref<32x32xi32, #tpu.memory_space<vmem>>
      tpu.enqueue_dma source(%dma_start3A_239 : memref<32x32xi32, #tpu.memory_space<vmem>>) target(%dma_start3A_235 : memref<32x32xi32, #tpu.memory_space<hbm>>) target_semaphore(%run_scoped3A_227 : memref<!tpu.dma_semaphore, #tpu.memory_space<semaphore_mem>>)
      %dma_wait3A_240 = arith.constant 0 : i32
      %dma_wait3A_241 = arith.constant 0 : i32
      %dma_wait3A_242 = tpu.memref_slice %arg26[%run_scoped3A_105, %dma_wait3A_240, %dma_wait3A_241] : memref<2x32x32xi32, #tpu.memory_space<vmem>> -> memref<1x32x32xi32, #tpu.memory_space<vmem>>
      %dma_wait3A_243 = tpu.memref_squeeze %dma_wait3A_242 : memref<1x32x32xi32, #tpu.memory_space<vmem>> -> memref<32x32xi32, #tpu.memory_space<vmem>>
      %dma_wait3A_244 = arith.constant 0 : i32
      %dma_wait3A_245 = tpu.memref_slice %arg14[%add3A_104, %dma_wait3A_244] : memref<1024x32xi32, #tpu.memory_space<hbm>> -> memref<32x32xi32, #tpu.memory_space<hbm>>
      %dma_wait3A_246 = arith.constant 0 : i32
      %dma_wait3A_247 = tpu.memref_slice %arg14[%add3A_104, %dma_wait3A_246] : memref<1024x32xi32, #tpu.memory_space<hbm>> -> memref<32x32xi32, #tpu.memory_space<hbm>>
      %dma_wait3A_248 = arith.constant 0 : i32
      %dma_wait3A_249 = arith.constant 0 : i32
      %dma_wait3A_250 = tpu.memref_slice %arg26[%run_scoped3A_105, %dma_wait3A_248, %dma_wait3A_249] : memref<2x32x32xi32, #tpu.memory_space<vmem>> -> memref<1x32x32xi32, #tpu.memory_space<vmem>>
      %dma_wait3A_251 = tpu.memref_squeeze %dma_wait3A_250 : memref<1x32x32xi32, #tpu.memory_space<vmem>> -> memref<32x32xi32, #tpu.memory_space<vmem>>
      tpu.wait_dma2 semaphore(%run_scoped3A_227 : memref<!tpu.dma_semaphore, #tpu.memory_space<semaphore_mem>>) src(%dma_wait3A_251 : memref<32x32xi32, #tpu.memory_space<vmem>>) dst(%dma_wait3A_247 : memref<32x32xi32, #tpu.memory_space<hbm>>)
      tpu.yield
    }) : () -> ()
    %add3A_106 = arith.constant 1 : i32
    %add3A_107 = arith.addi %add3A_85, %add3A_106 : i32
    %lt3A_108 = arith.constant 1 : i32
    %lt3A_109 = arith.cmpi slt, %add3A_107, %lt3A_108 : i32
    %convert_element_type3A_110 = arith.extui %lt3A_109 : i1 to i32
    %cond3A_111 = arith.constant 0 : i32
    %cond3A_112 = arith.cmpi ne, %convert_element_type3A_110, %cond3A_111 : i32
    scf.if %cond3A_112 {
      %add3A_227 = arith.constant 1 : i32
      %add3A_228 = arith.addi %add3A_85, %add3A_227 : i32
      %mul3A_229 = arith.constant 32 : i32
      %mul3A_230 = arith.muli %add3A_228, %mul3A_229 : i32
      %dma_start3A_231 = arith.constant 0 : i32
      %dma_start3A_232 = arith.constant 0 : i32
      %dma_start3A_233 = arith.constant 0 : i32
      %dma_start3A_234 = tpu.memref_slice %arg26[%dma_start3A_231, %dma_start3A_232, %dma_start3A_233] : memref<2x32x32xi32, #tpu.memory_space<vmem>> -> memref<1x32x32xi32, #tpu.memory_space<vmem>>
      %dma_start3A_235 = tpu.memref_squeeze %dma_start3A_234 : memref<1x32x32xi32, #tpu.memory_space<vmem>> -> memref<32x32xi32, #tpu.memory_space<vmem>>
      %dma_start3A_236 = tpu.memref_slice %arg25[%mul3A_230] : memref<32xi32, #tpu.memory_space<vmem>> -> memref<32xi32, #tpu.memory_space<vmem>>
      %dma_start3A_237 = arith.constant 0 : i32
      %dma_start3A_238 = arith.constant 0 : i32
      %dma_start3A_239 = tpu.memref_slice %arg6[%dma_start3A_237, %dma_start3A_238] : memref<10000x32xi32, #tpu.memory_space<hbm>> -> memref<10000x32xi32, #tpu.memory_space<hbm>>
      tpu.enqueue_indirect_dma source(%dma_start3A_239 : memref<10000x32xi32, #tpu.memory_space<hbm>>) target(%dma_start3A_235 : memref<32x32xi32, #tpu.memory_space<vmem>>) offsets(%dma_start3A_236 : memref<32xi32, #tpu.memory_space<vmem>>) semaphore(%arg27 : memref<!tpu.dma_semaphore, #tpu.memory_space<semaphore_mem>>)
    } else {
    }
    %lt3A_113 = arith.constant 1 : i32
    %lt3A_114 = arith.cmpi slt, %add3A_85, %lt3A_113 : i32
    %convert_element_type3A_115 = arith.extui %lt3A_114 : i1 to i32
    %cond3A_116 = arith.constant 0 : i32
    %cond3A_117 = arith.cmpi ne, %convert_element_type3A_115, %cond3A_116 : i32
    scf.if %cond3A_117 {
      %mul3A_227 = arith.constant 32 : i32
      %mul3A_228 = arith.muli %add3A_85, %mul3A_227 : i32
      %dma_wait3A_229 = arith.constant 1 : i32
      %dma_wait3A_230 = arith.constant 0 : i32
      %dma_wait3A_231 = arith.constant 0 : i32
      %dma_wait3A_232 = tpu.memref_slice %arg26[%dma_wait3A_229, %dma_wait3A_230, %dma_wait3A_231] : memref<2x32x32xi32, #tpu.memory_space<vmem>> -> memref<1x32x32xi32, #tpu.memory_space<vmem>>
      %dma_wait3A_233 = tpu.memref_squeeze %dma_wait3A_232 : memref<1x32x32xi32, #tpu.memory_space<vmem>> -> memref<32x32xi32, #tpu.memory_space<vmem>>
      %dma_wait3A_234 = tpu.memref_slice %arg25[%mul3A_228] : memref<32xi32, #tpu.memory_space<vmem>> -> memref<32xi32, #tpu.memory_space<vmem>>
      %dma_wait3A_235 = arith.constant 0 : i32
      %dma_wait3A_236 = arith.constant 0 : i32
      %dma_wait3A_237 = tpu.memref_slice %arg6[%dma_wait3A_235, %dma_wait3A_236] : memref<10000x32xi32, #tpu.memory_space<hbm>> -> memref<10000x32xi32, #tpu.memory_space<hbm>>
      tpu.wait_indirect_dma semaphore(%arg28 : memref<!tpu.dma_semaphore, #tpu.memory_space<semaphore_mem>>) src(%dma_wait3A_237 : memref<10000x32xi32, #tpu.memory_space<hbm>>) dst(%dma_wait3A_233 : memref<32x32xi32, #tpu.memory_space<vmem>>)
      %mul3A_238 = arith.constant 32 : i32
      %mul3A_239 = arith.muli %add3A_85, %mul3A_238 : i32
      %add3A_240 = arith.addi %mul3A_66, %mul3A_239 : i32
      %run_scoped3A_241 = arith.constant 1 : i32
      "tpu.region"() ({
        %run_scoped3A_242 = tpu.sem_alloc : memref<!tpu.dma_semaphore, #tpu.memory_space<semaphore_mem>>
        %dma_start3A_243 = arith.constant 0 : i32
        %dma_start3A_244 = arith.constant 0 : i32
        %dma_start3A_245 = tpu.memref_slice %arg26[%run_scoped3A_241, %dma_start3A_243, %dma_start3A_244] : memref<2x32x32xi32, #tpu.memory_space<vmem>> -> memref<1x32x32xi32, #tpu.memory_space<vmem>>
        %dma_start3A_246 = tpu.memref_squeeze %dma_start3A_245 : memref<1x32x32xi32, #tpu.memory_space<vmem>> -> memref<32x32xi32, #tpu.memory_space<vmem>>
        %dma_start3A_247 = arith.constant 0 : i32
        %dma_start3A_248 = tpu.memref_slice %arg14[%add3A_240, %dma_start3A_247] : memref<1024x32xi32, #tpu.memory_space<hbm>> -> memref<32x32xi32, #tpu.memory_space<hbm>>
        %dma_start3A_249 = arith.constant 0 : i32
        %dma_start3A_250 = tpu.memref_slice %arg14[%add3A_240, %dma_start3A_249] : memref<1024x32xi32, #tpu.memory_space<hbm>> -> memref<32x32xi32, #tpu.memory_space<hbm>>
        %dma_start3A_251 = arith.constant 0 : i32
        %dma_start3A_252 = arith.constant 0 : i32
        %dma_start3A_253 = tpu.memref_slice %arg26[%run_scoped3A_241, %dma_start3A_251, %dma_start3A_252] : memref<2x32x32xi32, #tpu.memory_space<vmem>> -> memref<1x32x32xi32, #tpu.memory_space<vmem>>
        %dma_start3A_254 = tpu.memref_squeeze %dma_start3A_253 : memref<1x32x32xi32, #tpu.memory_space<vmem>> -> memref<32x32xi32, #tpu.memory_space<vmem>>
        tpu.enqueue_dma source(%dma_start3A_254 : memref<32x32xi32, #tpu.memory_space<vmem>>) target(%dma_start3A_250 : memref<32x32xi32, #tpu.memory_space<hbm>>) target_semaphore(%run_scoped3A_242 : memref<!tpu.dma_semaphore, #tpu.memory_space<semaphore_mem>>)
        %dma_wait3A_255 = arith.constant 0 : i32
        %dma_wait3A_256 = arith.constant 0 : i32
        %dma_wait3A_257 = tpu.memref_slice %arg26[%run_scoped3A_241, %dma_wait3A_255, %dma_wait3A_256] : memref<2x32x32xi32, #tpu.memory_space<vmem>> -> memref<1x32x32xi32, #tpu.memory_space<vmem>>
        %dma_wait3A_258 = tpu.memref_squeeze %dma_wait3A_257 : memref<1x32x32xi32, #tpu.memory_space<vmem>> -> memref<32x32xi32, #tpu.memory_space<vmem>>
        %dma_wait3A_259 = arith.constant 0 : i32
        %dma_wait3A_260 = tpu.memref_slice %arg14[%add3A_240, %dma_wait3A_259] : memref<1024x32xi32, #tpu.memory_space<hbm>> -> memref<32x32xi32, #tpu.memory_space<hbm>>
        %dma_wait3A_261 = arith.constant 0 : i32
        %dma_wait3A_262 = tpu.memref_slice %arg14[%add3A_240, %dma_wait3A_261] : memref<1024x32xi32, #tpu.memory_space<hbm>> -> memref<32x32xi32, #tpu.memory_space<hbm>>
        %dma_wait3A_263 = arith.constant 0 : i32
        %dma_wait3A_264 = arith.constant 0 : i32
        %dma_wait3A_265 = tpu.memref_slice %arg26[%run_scoped3A_241, %dma_wait3A_263, %dma_wait3A_264] : memref<2x32x32xi32, #tpu.memory_space<vmem>> -> memref<1x32x32xi32, #tpu.memory_space<vmem>>
        %dma_wait3A_266 = tpu.memref_squeeze %dma_wait3A_265 : memref<1x32x32xi32, #tpu.memory_space<vmem>> -> memref<32x32xi32, #tpu.memory_space<vmem>>
        tpu.wait_dma2 semaphore(%run_scoped3A_242 : memref<!tpu.dma_semaphore, #tpu.memory_space<semaphore_mem>>) src(%dma_wait3A_266 : memref<32x32xi32, #tpu.memory_space<vmem>>) dst(%dma_wait3A_262 : memref<32x32xi32, #tpu.memory_space<hbm>>)
        tpu.yield
      }) : () -> ()
    } else {
    }
    %scan3A_118 = arith.constant 1 : i32
    %mul3A_119 = arith.constant 32 : i32
    %mul3A_120 = arith.muli %add3A, %mul3A_119 : i32
    "tpu.region"() ({
      %run_scoped3A_227 = tpu.sem_alloc : memref<!tpu.dma_semaphore, #tpu.memory_space<semaphore_mem>>
      %dma_start3A_228 = tpu.memref_slice %arg9[%mul3A_120] : memref<1024xi32, #tpu.memory_space<hbm>> -> memref<32xi32, #tpu.memory_space<hbm>>
      %dma_start3A_229 = tpu.memref_slice %arg9[%mul3A_120] : memref<1024xi32, #tpu.memory_space<hbm>> -> memref<32xi32, #tpu.memory_space<hbm>>
      tpu.enqueue_dma source(%dma_start3A_229 : memref<32xi32, #tpu.memory_space<hbm>>) target(%arg29 : memref<32xi32, #tpu.memory_space<vmem>>) target_semaphore(%run_scoped3A_227 : memref<!tpu.dma_semaphore, #tpu.memory_space<semaphore_mem>>)
      %dma_wait3A_230 = tpu.memref_slice %arg9[%mul3A_120] : memref<1024xi32, #tpu.memory_space<hbm>> -> memref<32xi32, #tpu.memory_space<hbm>>
      %dma_wait3A_231 = tpu.memref_slice %arg9[%mul3A_120] : memref<1024xi32, #tpu.memory_space<hbm>> -> memref<32xi32, #tpu.memory_space<hbm>>
      tpu.wait_dma2 semaphore(%run_scoped3A_227 : memref<!tpu.dma_semaphore, #tpu.memory_space<semaphore_mem>>) src(%dma_wait3A_231 : memref<32xi32, #tpu.memory_space<hbm>>) dst(%arg29 : memref<32xi32, #tpu.memory_space<vmem>>)
      tpu.yield
    }) : () -> ()
    %dma_start3A_121 = arith.constant 0 : i32
    %dma_start3A_122 = arith.constant 0 : i32
    %dma_start3A_123 = arith.constant 0 : i32
    %dma_start3A_124 = tpu.memref_slice %arg30[%dma_start3A_121, %dma_start3A_122, %dma_start3A_123] : memref<2x32x64xf32, #tpu.memory_space<vmem>> -> memref<1x32x64xf32, #tpu.memory_space<vmem>>
    %dma_start3A_125 = tpu.memref_squeeze %dma_start3A_124 : memref<1x32x64xf32, #tpu.memory_space<vmem>> -> memref<32x64xf32, #tpu.memory_space<vmem>>
    %dma_start3A_126 = arith.constant 0 : i32
    %dma_start3A_127 = tpu.memref_slice %arg29[%dma_start3A_126] : memref<32xi32, #tpu.memory_space<vmem>> -> memref<32xi32, #tpu.memory_space<vmem>>
    %dma_start3A_128 = arith.constant 0 : i32
    %dma_start3A_129 = arith.constant 0 : i32
    %dma_start3A_130 = tpu.memref_slice %arg8[%dma_start3A_128, %dma_start3A_129] : memref<10000x64xf32, #tpu.memory_space<hbm>> -> memref<10000x64xf32, #tpu.memory_space<hbm>>
    tpu.enqueue_indirect_dma source(%dma_start3A_130 : memref<10000x64xf32, #tpu.memory_space<hbm>>) target(%dma_start3A_125 : memref<32x64xf32, #tpu.memory_space<vmem>>) offsets(%dma_start3A_127 : memref<32xi32, #tpu.memory_space<vmem>>) semaphore(%arg31 : memref<!tpu.dma_semaphore, #tpu.memory_space<semaphore_mem>>)
    %scan3A_131 = arith.constant 0 : i32
    %mul3A_132 = arith.constant 1 : i32
    %mul3A_133 = arith.muli %scan3A_131, %mul3A_132 : i32
    %add3A_134 = arith.constant 0 : i32
    %add3A_135 = arith.addi %add3A_134, %mul3A_133 : i32
    %mul3A_136 = arith.constant 2 : i32
    %mul3A_137 = arith.muli %mul3A_136, %add3A_135 : i32
    %add3A_138 = arith.constant 1 : i32
    %add3A_139 = arith.addi %mul3A_137, %add3A_138 : i32
    %lt3A_140 = arith.constant 1 : i32
    %lt3A_141 = arith.cmpi slt, %add3A_139, %lt3A_140 : i32
    %convert_element_type3A_142 = arith.extui %lt3A_141 : i1 to i32
    %cond3A_143 = arith.constant 0 : i32
    %cond3A_144 = arith.cmpi ne, %convert_element_type3A_142, %cond3A_143 : i32
    scf.if %cond3A_144 {
      %mul3A_227 = arith.constant 32 : i32
      %mul3A_228 = arith.muli %add3A_139, %mul3A_227 : i32
      %dma_start3A_229 = arith.constant 1 : i32
      %dma_start3A_230 = arith.constant 0 : i32
      %dma_start3A_231 = arith.constant 0 : i32
      %dma_start3A_232 = tpu.memref_slice %arg30[%dma_start3A_229, %dma_start3A_230, %dma_start3A_231] : memref<2x32x64xf32, #tpu.memory_space<vmem>> -> memref<1x32x64xf32, #tpu.memory_space<vmem>>
      %dma_start3A_233 = tpu.memref_squeeze %dma_start3A_232 : memref<1x32x64xf32, #tpu.memory_space<vmem>> -> memref<32x64xf32, #tpu.memory_space<vmem>>
      %dma_start3A_234 = tpu.memref_slice %arg29[%mul3A_228] : memref<32xi32, #tpu.memory_space<vmem>> -> memref<32xi32, #tpu.memory_space<vmem>>
      %dma_start3A_235 = arith.constant 0 : i32
      %dma_start3A_236 = arith.constant 0 : i32
      %dma_start3A_237 = tpu.memref_slice %arg8[%dma_start3A_235, %dma_start3A_236] : memref<10000x64xf32, #tpu.memory_space<hbm>> -> memref<10000x64xf32, #tpu.memory_space<hbm>>
      tpu.enqueue_indirect_dma source(%dma_start3A_237 : memref<10000x64xf32, #tpu.memory_space<hbm>>) target(%dma_start3A_233 : memref<32x64xf32, #tpu.memory_space<vmem>>) offsets(%dma_start3A_234 : memref<32xi32, #tpu.memory_space<vmem>>) semaphore(%arg32 : memref<!tpu.dma_semaphore, #tpu.memory_space<semaphore_mem>>)
    } else {
    }
    %mul3A_145 = arith.constant 32 : i32
    %mul3A_146 = arith.muli %mul3A_137, %mul3A_145 : i32
    %dma_wait3A_147 = arith.constant 0 : i32
    %dma_wait3A_148 = arith.constant 0 : i32
    %dma_wait3A_149 = arith.constant 0 : i32
    %dma_wait3A_150 = tpu.memref_slice %arg30[%dma_wait3A_147, %dma_wait3A_148, %dma_wait3A_149] : memref<2x32x64xf32, #tpu.memory_space<vmem>> -> memref<1x32x64xf32, #tpu.memory_space<vmem>>
    %dma_wait3A_151 = tpu.memref_squeeze %dma_wait3A_150 : memref<1x32x64xf32, #tpu.memory_space<vmem>> -> memref<32x64xf32, #tpu.memory_space<vmem>>
    %dma_wait3A_152 = tpu.memref_slice %arg29[%mul3A_146] : memref<32xi32, #tpu.memory_space<vmem>> -> memref<32xi32, #tpu.memory_space<vmem>>
    %dma_wait3A_153 = arith.constant 0 : i32
    %dma_wait3A_154 = arith.constant 0 : i32
    %dma_wait3A_155 = tpu.memref_slice %arg8[%dma_wait3A_153, %dma_wait3A_154] : memref<10000x64xf32, #tpu.memory_space<hbm>> -> memref<10000x64xf32, #tpu.memory_space<hbm>>
    tpu.wait_indirect_dma semaphore(%arg31 : memref<!tpu.dma_semaphore, #tpu.memory_space<semaphore_mem>>) src(%dma_wait3A_155 : memref<10000x64xf32, #tpu.memory_space<hbm>>) dst(%dma_wait3A_151 : memref<32x64xf32, #tpu.memory_space<vmem>>)
    %mul3A_156 = arith.constant 32 : i32
    %mul3A_157 = arith.muli %mul3A_137, %mul3A_156 : i32
    %add3A_158 = arith.addi %mul3A_120, %mul3A_157 : i32
    %run_scoped3A_159 = arith.constant 0 : i32
    "tpu.region"() ({
      %run_scoped3A_227 = tpu.sem_alloc : memref<!tpu.dma_semaphore, #tpu.memory_space<semaphore_mem>>
      %dma_start3A_228 = arith.constant 0 : i32
      %dma_start3A_229 = arith.constant 0 : i32
      %dma_start3A_230 = tpu.memref_slice %arg30[%run_scoped3A_159, %dma_start3A_228, %dma_start3A_229] : memref<2x32x64xf32, #tpu.memory_space<vmem>> -> memref<1x32x64xf32, #tpu.memory_space<vmem>>
      %dma_start3A_231 = tpu.memref_squeeze %dma_start3A_230 : memref<1x32x64xf32, #tpu.memory_space<vmem>> -> memref<32x64xf32, #tpu.memory_space<vmem>>
      %dma_start3A_232 = arith.constant 0 : i32
      %dma_start3A_233 = tpu.memref_slice %arg15[%add3A_158, %dma_start3A_232] : memref<1024x64xf32, #tpu.memory_space<hbm>> -> memref<32x64xf32, #tpu.memory_space<hbm>>
      %dma_start3A_234 = arith.constant 0 : i32
      %dma_start3A_235 = tpu.memref_slice %arg15[%add3A_158, %dma_start3A_234] : memref<1024x64xf32, #tpu.memory_space<hbm>> -> memref<32x64xf32, #tpu.memory_space<hbm>>
      %dma_start3A_236 = arith.constant 0 : i32
      %dma_start3A_237 = arith.constant 0 : i32
      %dma_start3A_238 = tpu.memref_slice %arg30[%run_scoped3A_159, %dma_start3A_236, %dma_start3A_237] : memref<2x32x64xf32, #tpu.memory_space<vmem>> -> memref<1x32x64xf32, #tpu.memory_space<vmem>>
      %dma_start3A_239 = tpu.memref_squeeze %dma_start3A_238 : memref<1x32x64xf32, #tpu.memory_space<vmem>> -> memref<32x64xf32, #tpu.memory_space<vmem>>
      tpu.enqueue_dma source(%dma_start3A_239 : memref<32x64xf32, #tpu.memory_space<vmem>>) target(%dma_start3A_235 : memref<32x64xf32, #tpu.memory_space<hbm>>) target_semaphore(%run_scoped3A_227 : memref<!tpu.dma_semaphore, #tpu.memory_space<semaphore_mem>>)
      %dma_wait3A_240 = arith.constant 0 : i32
      %dma_wait3A_241 = arith.constant 0 : i32
      %dma_wait3A_242 = tpu.memref_slice %arg30[%run_scoped3A_159, %dma_wait3A_240, %dma_wait3A_241] : memref<2x32x64xf32, #tpu.memory_space<vmem>> -> memref<1x32x64xf32, #tpu.memory_space<vmem>>
      %dma_wait3A_243 = tpu.memref_squeeze %dma_wait3A_242 : memref<1x32x64xf32, #tpu.memory_space<vmem>> -> memref<32x64xf32, #tpu.memory_space<vmem>>
      %dma_wait3A_244 = arith.constant 0 : i32
      %dma_wait3A_245 = tpu.memref_slice %arg15[%add3A_158, %dma_wait3A_244] : memref<1024x64xf32, #tpu.memory_space<hbm>> -> memref<32x64xf32, #tpu.memory_space<hbm>>
      %dma_wait3A_246 = arith.constant 0 : i32
      %dma_wait3A_247 = tpu.memref_slice %arg15[%add3A_158, %dma_wait3A_246] : memref<1024x64xf32, #tpu.memory_space<hbm>> -> memref<32x64xf32, #tpu.memory_space<hbm>>
      %dma_wait3A_248 = arith.constant 0 : i32
      %dma_wait3A_249 = arith.constant 0 : i32
      %dma_wait3A_250 = tpu.memref_slice %arg30[%run_scoped3A_159, %dma_wait3A_248, %dma_wait3A_249] : memref<2x32x64xf32, #tpu.memory_space<vmem>> -> memref<1x32x64xf32, #tpu.memory_space<vmem>>
      %dma_wait3A_251 = tpu.memref_squeeze %dma_wait3A_250 : memref<1x32x64xf32, #tpu.memory_space<vmem>> -> memref<32x64xf32, #tpu.memory_space<vmem>>
      tpu.wait_dma2 semaphore(%run_scoped3A_227 : memref<!tpu.dma_semaphore, #tpu.memory_space<semaphore_mem>>) src(%dma_wait3A_251 : memref<32x64xf32, #tpu.memory_space<vmem>>) dst(%dma_wait3A_247 : memref<32x64xf32, #tpu.memory_space<hbm>>)
      tpu.yield
    }) : () -> ()
    %add3A_160 = arith.constant 1 : i32
    %add3A_161 = arith.addi %add3A_139, %add3A_160 : i32
    %lt3A_162 = arith.constant 1 : i32
    %lt3A_163 = arith.cmpi slt, %add3A_161, %lt3A_162 : i32
    %convert_element_type3A_164 = arith.extui %lt3A_163 : i1 to i32
    %cond3A_165 = arith.constant 0 : i32
    %cond3A_166 = arith.cmpi ne, %convert_element_type3A_164, %cond3A_165 : i32
    scf.if %cond3A_166 {
      %add3A_227 = arith.constant 1 : i32
      %add3A_228 = arith.addi %add3A_139, %add3A_227 : i32
      %mul3A_229 = arith.constant 32 : i32
      %mul3A_230 = arith.muli %add3A_228, %mul3A_229 : i32
      %dma_start3A_231 = arith.constant 0 : i32
      %dma_start3A_232 = arith.constant 0 : i32
      %dma_start3A_233 = arith.constant 0 : i32
      %dma_start3A_234 = tpu.memref_slice %arg30[%dma_start3A_231, %dma_start3A_232, %dma_start3A_233] : memref<2x32x64xf32, #tpu.memory_space<vmem>> -> memref<1x32x64xf32, #tpu.memory_space<vmem>>
      %dma_start3A_235 = tpu.memref_squeeze %dma_start3A_234 : memref<1x32x64xf32, #tpu.memory_space<vmem>> -> memref<32x64xf32, #tpu.memory_space<vmem>>
      %dma_start3A_236 = tpu.memref_slice %arg29[%mul3A_230] : memref<32xi32, #tpu.memory_space<vmem>> -> memref<32xi32, #tpu.memory_space<vmem>>
      %dma_start3A_237 = arith.constant 0 : i32
      %dma_start3A_238 = arith.constant 0 : i32
      %dma_start3A_239 = tpu.memref_slice %arg8[%dma_start3A_237, %dma_start3A_238] : memref<10000x64xf32, #tpu.memory_space<hbm>> -> memref<10000x64xf32, #tpu.memory_space<hbm>>
      tpu.enqueue_indirect_dma source(%dma_start3A_239 : memref<10000x64xf32, #tpu.memory_space<hbm>>) target(%dma_start3A_235 : memref<32x64xf32, #tpu.memory_space<vmem>>) offsets(%dma_start3A_236 : memref<32xi32, #tpu.memory_space<vmem>>) semaphore(%arg31 : memref<!tpu.dma_semaphore, #tpu.memory_space<semaphore_mem>>)
    } else {
    }
    %lt3A_167 = arith.constant 1 : i32
    %lt3A_168 = arith.cmpi slt, %add3A_139, %lt3A_167 : i32
    %convert_element_type3A_169 = arith.extui %lt3A_168 : i1 to i32
    %cond3A_170 = arith.constant 0 : i32
    %cond3A_171 = arith.cmpi ne, %convert_element_type3A_169, %cond3A_170 : i32
    scf.if %cond3A_171 {
      %mul3A_227 = arith.constant 32 : i32
      %mul3A_228 = arith.muli %add3A_139, %mul3A_227 : i32
      %dma_wait3A_229 = arith.constant 1 : i32
      %dma_wait3A_230 = arith.constant 0 : i32
      %dma_wait3A_231 = arith.constant 0 : i32
      %dma_wait3A_232 = tpu.memref_slice %arg30[%dma_wait3A_229, %dma_wait3A_230, %dma_wait3A_231] : memref<2x32x64xf32, #tpu.memory_space<vmem>> -> memref<1x32x64xf32, #tpu.memory_space<vmem>>
      %dma_wait3A_233 = tpu.memref_squeeze %dma_wait3A_232 : memref<1x32x64xf32, #tpu.memory_space<vmem>> -> memref<32x64xf32, #tpu.memory_space<vmem>>
      %dma_wait3A_234 = tpu.memref_slice %arg29[%mul3A_228] : memref<32xi32, #tpu.memory_space<vmem>> -> memref<32xi32, #tpu.memory_space<vmem>>
      %dma_wait3A_235 = arith.constant 0 : i32
      %dma_wait3A_236 = arith.constant 0 : i32
      %dma_wait3A_237 = tpu.memref_slice %arg8[%dma_wait3A_235, %dma_wait3A_236] : memref<10000x64xf32, #tpu.memory_space<hbm>> -> memref<10000x64xf32, #tpu.memory_space<hbm>>
      tpu.wait_indirect_dma semaphore(%arg32 : memref<!tpu.dma_semaphore, #tpu.memory_space<semaphore_mem>>) src(%dma_wait3A_237 : memref<10000x64xf32, #tpu.memory_space<hbm>>) dst(%dma_wait3A_233 : memref<32x64xf32, #tpu.memory_space<vmem>>)
      %mul3A_238 = arith.constant 32 : i32
      %mul3A_239 = arith.muli %add3A_139, %mul3A_238 : i32
      %add3A_240 = arith.addi %mul3A_120, %mul3A_239 : i32
      %run_scoped3A_241 = arith.constant 1 : i32
      "tpu.region"() ({
        %run_scoped3A_242 = tpu.sem_alloc : memref<!tpu.dma_semaphore, #tpu.memory_space<semaphore_mem>>
        %dma_start3A_243 = arith.constant 0 : i32
        %dma_start3A_244 = arith.constant 0 : i32
        %dma_start3A_245 = tpu.memref_slice %arg30[%run_scoped3A_241, %dma_start3A_243, %dma_start3A_244] : memref<2x32x64xf32, #tpu.memory_space<vmem>> -> memref<1x32x64xf32, #tpu.memory_space<vmem>>
        %dma_start3A_246 = tpu.memref_squeeze %dma_start3A_245 : memref<1x32x64xf32, #tpu.memory_space<vmem>> -> memref<32x64xf32, #tpu.memory_space<vmem>>
        %dma_start3A_247 = arith.constant 0 : i32
        %dma_start3A_248 = tpu.memref_slice %arg15[%add3A_240, %dma_start3A_247] : memref<1024x64xf32, #tpu.memory_space<hbm>> -> memref<32x64xf32, #tpu.memory_space<hbm>>
        %dma_start3A_249 = arith.constant 0 : i32
        %dma_start3A_250 = tpu.memref_slice %arg15[%add3A_240, %dma_start3A_249] : memref<1024x64xf32, #tpu.memory_space<hbm>> -> memref<32x64xf32, #tpu.memory_space<hbm>>
        %dma_start3A_251 = arith.constant 0 : i32
        %dma_start3A_252 = arith.constant 0 : i32
        %dma_start3A_253 = tpu.memref_slice %arg30[%run_scoped3A_241, %dma_start3A_251, %dma_start3A_252] : memref<2x32x64xf32, #tpu.memory_space<vmem>> -> memref<1x32x64xf32, #tpu.memory_space<vmem>>
        %dma_start3A_254 = tpu.memref_squeeze %dma_start3A_253 : memref<1x32x64xf32, #tpu.memory_space<vmem>> -> memref<32x64xf32, #tpu.memory_space<vmem>>
        tpu.enqueue_dma source(%dma_start3A_254 : memref<32x64xf32, #tpu.memory_space<vmem>>) target(%dma_start3A_250 : memref<32x64xf32, #tpu.memory_space<hbm>>) target_semaphore(%run_scoped3A_242 : memref<!tpu.dma_semaphore, #tpu.memory_space<semaphore_mem>>)
        %dma_wait3A_255 = arith.constant 0 : i32
        %dma_wait3A_256 = arith.constant 0 : i32
        %dma_wait3A_257 = tpu.memref_slice %arg30[%run_scoped3A_241, %dma_wait3A_255, %dma_wait3A_256] : memref<2x32x64xf32, #tpu.memory_space<vmem>> -> memref<1x32x64xf32, #tpu.memory_space<vmem>>
        %dma_wait3A_258 = tpu.memref_squeeze %dma_wait3A_257 : memref<1x32x64xf32, #tpu.memory_space<vmem>> -> memref<32x64xf32, #tpu.memory_space<vmem>>
        %dma_wait3A_259 = arith.constant 0 : i32
        %dma_wait3A_260 = tpu.memref_slice %arg15[%add3A_240, %dma_wait3A_259] : memref<1024x64xf32, #tpu.memory_space<hbm>> -> memref<32x64xf32, #tpu.memory_space<hbm>>
        %dma_wait3A_261 = arith.constant 0 : i32
        %dma_wait3A_262 = tpu.memref_slice %arg15[%add3A_240, %dma_wait3A_261] : memref<1024x64xf32, #tpu.memory_space<hbm>> -> memref<32x64xf32, #tpu.memory_space<hbm>>
        %dma_wait3A_263 = arith.constant 0 : i32
        %dma_wait3A_264 = arith.constant 0 : i32
        %dma_wait3A_265 = tpu.memref_slice %arg30[%run_scoped3A_241, %dma_wait3A_263, %dma_wait3A_264] : memref<2x32x64xf32, #tpu.memory_space<vmem>> -> memref<1x32x64xf32, #tpu.memory_space<vmem>>
        %dma_wait3A_266 = tpu.memref_squeeze %dma_wait3A_265 : memref<1x32x64xf32, #tpu.memory_space<vmem>> -> memref<32x64xf32, #tpu.memory_space<vmem>>
        tpu.wait_dma2 semaphore(%run_scoped3A_242 : memref<!tpu.dma_semaphore, #tpu.memory_space<semaphore_mem>>) src(%dma_wait3A_266 : memref<32x64xf32, #tpu.memory_space<vmem>>) dst(%dma_wait3A_262 : memref<32x64xf32, #tpu.memory_space<hbm>>)
        tpu.yield
      }) : () -> ()
    } else {
    }
    %scan3A_172 = arith.constant 1 : i32
    %mul3A_173 = arith.constant 32 : i32
    %mul3A_174 = arith.muli %add3A, %mul3A_173 : i32
    "tpu.region"() ({
      %run_scoped3A_227 = tpu.sem_alloc : memref<!tpu.dma_semaphore, #tpu.memory_space<semaphore_mem>>
      %dma_start3A_228 = tpu.memref_slice %arg11[%mul3A_174] : memref<1024xi32, #tpu.memory_space<hbm>> -> memref<32xi32, #tpu.memory_space<hbm>>
      %dma_start3A_229 = tpu.memref_slice %arg11[%mul3A_174] : memref<1024xi32, #tpu.memory_space<hbm>> -> memref<32xi32, #tpu.memory_space<hbm>>
      tpu.enqueue_dma source(%dma_start3A_229 : memref<32xi32, #tpu.memory_space<hbm>>) target(%arg33 : memref<32xi32, #tpu.memory_space<vmem>>) target_semaphore(%run_scoped3A_227 : memref<!tpu.dma_semaphore, #tpu.memory_space<semaphore_mem>>)
      %dma_wait3A_230 = tpu.memref_slice %arg11[%mul3A_174] : memref<1024xi32, #tpu.memory_space<hbm>> -> memref<32xi32, #tpu.memory_space<hbm>>
      %dma_wait3A_231 = tpu.memref_slice %arg11[%mul3A_174] : memref<1024xi32, #tpu.memory_space<hbm>> -> memref<32xi32, #tpu.memory_space<hbm>>
      tpu.wait_dma2 semaphore(%run_scoped3A_227 : memref<!tpu.dma_semaphore, #tpu.memory_space<semaphore_mem>>) src(%dma_wait3A_231 : memref<32xi32, #tpu.memory_space<hbm>>) dst(%arg33 : memref<32xi32, #tpu.memory_space<vmem>>)
      tpu.yield
    }) : () -> ()
    %dma_start3A_175 = arith.constant 0 : i32
    %dma_start3A_176 = arith.constant 0 : i32
    %dma_start3A_177 = arith.constant 0 : i32
    %dma_start3A_178 = tpu.memref_slice %arg34[%dma_start3A_175, %dma_start3A_176, %dma_start3A_177] : memref<2x32x64xf32, #tpu.memory_space<vmem>> -> memref<1x32x64xf32, #tpu.memory_space<vmem>>
    %dma_start3A_179 = tpu.memref_squeeze %dma_start3A_178 : memref<1x32x64xf32, #tpu.memory_space<vmem>> -> memref<32x64xf32, #tpu.memory_space<vmem>>
    %dma_start3A_180 = arith.constant 0 : i32
    %dma_start3A_181 = tpu.memref_slice %arg33[%dma_start3A_180] : memref<32xi32, #tpu.memory_space<vmem>> -> memref<32xi32, #tpu.memory_space<vmem>>
    %dma_start3A_182 = arith.constant 0 : i32
    %dma_start3A_183 = arith.constant 0 : i32
    %dma_start3A_184 = tpu.memref_slice %arg10[%dma_start3A_182, %dma_start3A_183] : memref<10000x64xf32, #tpu.memory_space<hbm>> -> memref<10000x64xf32, #tpu.memory_space<hbm>>
    tpu.enqueue_indirect_dma source(%dma_start3A_184 : memref<10000x64xf32, #tpu.memory_space<hbm>>) target(%dma_start3A_179 : memref<32x64xf32, #tpu.memory_space<vmem>>) offsets(%dma_start3A_181 : memref<32xi32, #tpu.memory_space<vmem>>) semaphore(%arg35 : memref<!tpu.dma_semaphore, #tpu.memory_space<semaphore_mem>>)
    %scan3A_185 = arith.constant 0 : i32
    %mul3A_186 = arith.constant 1 : i32
    %mul3A_187 = arith.muli %scan3A_185, %mul3A_186 : i32
    %add3A_188 = arith.constant 0 : i32
    %add3A_189 = arith.addi %add3A_188, %mul3A_187 : i32
    %mul3A_190 = arith.constant 2 : i32
    %mul3A_191 = arith.muli %mul3A_190, %add3A_189 : i32
    %add3A_192 = arith.constant 1 : i32
    %add3A_193 = arith.addi %mul3A_191, %add3A_192 : i32
    %lt3A_194 = arith.constant 1 : i32
    %lt3A_195 = arith.cmpi slt, %add3A_193, %lt3A_194 : i32
    %convert_element_type3A_196 = arith.extui %lt3A_195 : i1 to i32
    %cond3A_197 = arith.constant 0 : i32
    %cond3A_198 = arith.cmpi ne, %convert_element_type3A_196, %cond3A_197 : i32
    scf.if %cond3A_198 {
      %mul3A_227 = arith.constant 32 : i32
      %mul3A_228 = arith.muli %add3A_193, %mul3A_227 : i32
      %dma_start3A_229 = arith.constant 1 : i32
      %dma_start3A_230 = arith.constant 0 : i32
      %dma_start3A_231 = arith.constant 0 : i32
      %dma_start3A_232 = tpu.memref_slice %arg34[%dma_start3A_229, %dma_start3A_230, %dma_start3A_231] : memref<2x32x64xf32, #tpu.memory_space<vmem>> -> memref<1x32x64xf32, #tpu.memory_space<vmem>>
      %dma_start3A_233 = tpu.memref_squeeze %dma_start3A_232 : memref<1x32x64xf32, #tpu.memory_space<vmem>> -> memref<32x64xf32, #tpu.memory_space<vmem>>
      %dma_start3A_234 = tpu.memref_slice %arg33[%mul3A_228] : memref<32xi32, #tpu.memory_space<vmem>> -> memref<32xi32, #tpu.memory_space<vmem>>
      %dma_start3A_235 = arith.constant 0 : i32
      %dma_start3A_236 = arith.constant 0 : i32
      %dma_start3A_237 = tpu.memref_slice %arg10[%dma_start3A_235, %dma_start3A_236] : memref<10000x64xf32, #tpu.memory_space<hbm>> -> memref<10000x64xf32, #tpu.memory_space<hbm>>
      tpu.enqueue_indirect_dma source(%dma_start3A_237 : memref<10000x64xf32, #tpu.memory_space<hbm>>) target(%dma_start3A_233 : memref<32x64xf32, #tpu.memory_space<vmem>>) offsets(%dma_start3A_234 : memref<32xi32, #tpu.memory_space<vmem>>) semaphore(%arg36 : memref<!tpu.dma_semaphore, #tpu.memory_space<semaphore_mem>>)
    } else {
    }
    %mul3A_199 = arith.constant 32 : i32
    %mul3A_200 = arith.muli %mul3A_191, %mul3A_199 : i32
    %dma_wait3A_201 = arith.constant 0 : i32
    %dma_wait3A_202 = arith.constant 0 : i32
    %dma_wait3A_203 = arith.constant 0 : i32
    %dma_wait3A_204 = tpu.memref_slice %arg34[%dma_wait3A_201, %dma_wait3A_202, %dma_wait3A_203] : memref<2x32x64xf32, #tpu.memory_space<vmem>> -> memref<1x32x64xf32, #tpu.memory_space<vmem>>
    %dma_wait3A_205 = tpu.memref_squeeze %dma_wait3A_204 : memref<1x32x64xf32, #tpu.memory_space<vmem>> -> memref<32x64xf32, #tpu.memory_space<vmem>>
    %dma_wait3A_206 = tpu.memref_slice %arg33[%mul3A_200] : memref<32xi32, #tpu.memory_space<vmem>> -> memref<32xi32, #tpu.memory_space<vmem>>
    %dma_wait3A_207 = arith.constant 0 : i32
    %dma_wait3A_208 = arith.constant 0 : i32
    %dma_wait3A_209 = tpu.memref_slice %arg10[%dma_wait3A_207, %dma_wait3A_208] : memref<10000x64xf32, #tpu.memory_space<hbm>> -> memref<10000x64xf32, #tpu.memory_space<hbm>>
    tpu.wait_indirect_dma semaphore(%arg35 : memref<!tpu.dma_semaphore, #tpu.memory_space<semaphore_mem>>) src(%dma_wait3A_209 : memref<10000x64xf32, #tpu.memory_space<hbm>>) dst(%dma_wait3A_205 : memref<32x64xf32, #tpu.memory_space<vmem>>)
    %mul3A_210 = arith.constant 32 : i32
    %mul3A_211 = arith.muli %mul3A_191, %mul3A_210 : i32
    %add3A_212 = arith.addi %mul3A_174, %mul3A_211 : i32
    %run_scoped3A_213 = arith.constant 0 : i32
    "tpu.region"() ({
      %run_scoped3A_227 = tpu.sem_alloc : memref<!tpu.dma_semaphore, #tpu.memory_space<semaphore_mem>>
      %dma_start3A_228 = arith.constant 0 : i32
      %dma_start3A_229 = arith.constant 0 : i32
      %dma_start3A_230 = tpu.memref_slice %arg34[%run_scoped3A_213, %dma_start3A_228, %dma_start3A_229] : memref<2x32x64xf32, #tpu.memory_space<vmem>> -> memref<1x32x64xf32, #tpu.memory_space<vmem>>
      %dma_start3A_231 = tpu.memref_squeeze %dma_start3A_230 : memref<1x32x64xf32, #tpu.memory_space<vmem>> -> memref<32x64xf32, #tpu.memory_space<vmem>>
      %dma_start3A_232 = arith.constant 0 : i32
      %dma_start3A_233 = tpu.memref_slice %arg16[%add3A_212, %dma_start3A_232] : memref<1024x64xf32, #tpu.memory_space<hbm>> -> memref<32x64xf32, #tpu.memory_space<hbm>>
      %dma_start3A_234 = arith.constant 0 : i32
      %dma_start3A_235 = tpu.memref_slice %arg16[%add3A_212, %dma_start3A_234] : memref<1024x64xf32, #tpu.memory_space<hbm>> -> memref<32x64xf32, #tpu.memory_space<hbm>>
      %dma_start3A_236 = arith.constant 0 : i32
      %dma_start3A_237 = arith.constant 0 : i32
      %dma_start3A_238 = tpu.memref_slice %arg34[%run_scoped3A_213, %dma_start3A_236, %dma_start3A_237] : memref<2x32x64xf32, #tpu.memory_space<vmem>> -> memref<1x32x64xf32, #tpu.memory_space<vmem>>
      %dma_start3A_239 = tpu.memref_squeeze %dma_start3A_238 : memref<1x32x64xf32, #tpu.memory_space<vmem>> -> memref<32x64xf32, #tpu.memory_space<vmem>>
      tpu.enqueue_dma source(%dma_start3A_239 : memref<32x64xf32, #tpu.memory_space<vmem>>) target(%dma_start3A_235 : memref<32x64xf32, #tpu.memory_space<hbm>>) target_semaphore(%run_scoped3A_227 : memref<!tpu.dma_semaphore, #tpu.memory_space<semaphore_mem>>)
      %dma_wait3A_240 = arith.constant 0 : i32
      %dma_wait3A_241 = arith.constant 0 : i32
      %dma_wait3A_242 = tpu.memref_slice %arg34[%run_scoped3A_213, %dma_wait3A_240, %dma_wait3A_241] : memref<2x32x64xf32, #tpu.memory_space<vmem>> -> memref<1x32x64xf32, #tpu.memory_space<vmem>>
      %dma_wait3A_243 = tpu.memref_squeeze %dma_wait3A_242 : memref<1x32x64xf32, #tpu.memory_space<vmem>> -> memref<32x64xf32, #tpu.memory_space<vmem>>
      %dma_wait3A_244 = arith.constant 0 : i32
      %dma_wait3A_245 = tpu.memref_slice %arg16[%add3A_212, %dma_wait3A_244] : memref<1024x64xf32, #tpu.memory_space<hbm>> -> memref<32x64xf32, #tpu.memory_space<hbm>>
      %dma_wait3A_246 = arith.constant 0 : i32
      %dma_wait3A_247 = tpu.memref_slice %arg16[%add3A_212, %dma_wait3A_246] : memref<1024x64xf32, #tpu.memory_space<hbm>> -> memref<32x64xf32, #tpu.memory_space<hbm>>
      %dma_wait3A_248 = arith.constant 0 : i32
      %dma_wait3A_249 = arith.constant 0 : i32
      %dma_wait3A_250 = tpu.memref_slice %arg34[%run_scoped3A_213, %dma_wait3A_248, %dma_wait3A_249] : memref<2x32x64xf32, #tpu.memory_space<vmem>> -> memref<1x32x64xf32, #tpu.memory_space<vmem>>
      %dma_wait3A_251 = tpu.memref_squeeze %dma_wait3A_250 : memref<1x32x64xf32, #tpu.memory_space<vmem>> -> memref<32x64xf32, #tpu.memory_space<vmem>>
      tpu.wait_dma2 semaphore(%run_scoped3A_227 : memref<!tpu.dma_semaphore, #tpu.memory_space<semaphore_mem>>) src(%dma_wait3A_251 : memref<32x64xf32, #tpu.memory_space<vmem>>) dst(%dma_wait3A_247 : memref<32x64xf32, #tpu.memory_space<hbm>>)
      tpu.yield
    }) : () -> ()
    %add3A_214 = arith.constant 1 : i32
    %add3A_215 = arith.addi %add3A_193, %add3A_214 : i32
    %lt3A_216 = arith.constant 1 : i32
    %lt3A_217 = arith.cmpi slt, %add3A_215, %lt3A_216 : i32
    %convert_element_type3A_218 = arith.extui %lt3A_217 : i1 to i32
    %cond3A_219 = arith.constant 0 : i32
    %cond3A_220 = arith.cmpi ne, %convert_element_type3A_218, %cond3A_219 : i32
    scf.if %cond3A_220 {
      %add3A_227 = arith.constant 1 : i32
      %add3A_228 = arith.addi %add3A_193, %add3A_227 : i32
      %mul3A_229 = arith.constant 32 : i32
      %mul3A_230 = arith.muli %add3A_228, %mul3A_229 : i32
      %dma_start3A_231 = arith.constant 0 : i32
      %dma_start3A_232 = arith.constant 0 : i32
      %dma_start3A_233 = arith.constant 0 : i32
      %dma_start3A_234 = tpu.memref_slice %arg34[%dma_start3A_231, %dma_start3A_232, %dma_start3A_233] : memref<2x32x64xf32, #tpu.memory_space<vmem>> -> memref<1x32x64xf32, #tpu.memory_space<vmem>>
      %dma_start3A_235 = tpu.memref_squeeze %dma_start3A_234 : memref<1x32x64xf32, #tpu.memory_space<vmem>> -> memref<32x64xf32, #tpu.memory_space<vmem>>
      %dma_start3A_236 = tpu.memref_slice %arg33[%mul3A_230] : memref<32xi32, #tpu.memory_space<vmem>> -> memref<32xi32, #tpu.memory_space<vmem>>
      %dma_start3A_237 = arith.constant 0 : i32
      %dma_start3A_238 = arith.constant 0 : i32
      %dma_start3A_239 = tpu.memref_slice %arg10[%dma_start3A_237, %dma_start3A_238] : memref<10000x64xf32, #tpu.memory_space<hbm>> -> memref<10000x64xf32, #tpu.memory_space<hbm>>
      tpu.enqueue_indirect_dma source(%dma_start3A_239 : memref<10000x64xf32, #tpu.memory_space<hbm>>) target(%dma_start3A_235 : memref<32x64xf32, #tpu.memory_space<vmem>>) offsets(%dma_start3A_236 : memref<32xi32, #tpu.memory_space<vmem>>) semaphore(%arg35 : memref<!tpu.dma_semaphore, #tpu.memory_space<semaphore_mem>>)
    } else {
    }
    %lt3A_221 = arith.constant 1 : i32
    %lt3A_222 = arith.cmpi slt, %add3A_193, %lt3A_221 : i32
    %convert_element_type3A_223 = arith.extui %lt3A_222 : i1 to i32
    %cond3A_224 = arith.constant 0 : i32
    %cond3A_225 = arith.cmpi ne, %convert_element_type3A_223, %cond3A_224 : i32
    scf.if %cond3A_225 {
      %mul3A_227 = arith.constant 32 : i32
      %mul3A_228 = arith.muli %add3A_193, %mul3A_227 : i32
      %dma_wait3A_229 = arith.constant 1 : i32
      %dma_wait3A_230 = arith.constant 0 : i32
      %dma_wait3A_231 = arith.constant 0 : i32
      %dma_wait3A_232 = tpu.memref_slice %arg34[%dma_wait3A_229, %dma_wait3A_230, %dma_wait3A_231] : memref<2x32x64xf32, #tpu.memory_space<vmem>> -> memref<1x32x64xf32, #tpu.memory_space<vmem>>
      %dma_wait3A_233 = tpu.memref_squeeze %dma_wait3A_232 : memref<1x32x64xf32, #tpu.memory_space<vmem>> -> memref<32x64xf32, #tpu.memory_space<vmem>>
      %dma_wait3A_234 = tpu.memref_slice %arg33[%mul3A_228] : memref<32xi32, #tpu.memory_space<vmem>> -> memref<32xi32, #tpu.memory_space<vmem>>
      %dma_wait3A_235 = arith.constant 0 : i32
      %dma_wait3A_236 = arith.constant 0 : i32
      %dma_wait3A_237 = tpu.memref_slice %arg10[%dma_wait3A_235, %dma_wait3A_236] : memref<10000x64xf32, #tpu.memory_space<hbm>> -> memref<10000x64xf32, #tpu.memory_space<hbm>>
      tpu.wait_indirect_dma semaphore(%arg36 : memref<!tpu.dma_semaphore, #tpu.memory_space<semaphore_mem>>) src(%dma_wait3A_237 : memref<10000x64xf32, #tpu.memory_space<hbm>>) dst(%dma_wait3A_233 : memref<32x64xf32, #tpu.memory_space<vmem>>)
      %mul3A_238 = arith.constant 32 : i32
      %mul3A_239 = arith.muli %add3A_193, %mul3A_238 : i32
      %add3A_240 = arith.addi %mul3A_174, %mul3A_239 : i32
      %run_scoped3A_241 = arith.constant 1 : i32
      "tpu.region"() ({
        %run_scoped3A_242 = tpu.sem_alloc : memref<!tpu.dma_semaphore, #tpu.memory_space<semaphore_mem>>
        %dma_start3A_243 = arith.constant 0 : i32
        %dma_start3A_244 = arith.constant 0 : i32
        %dma_start3A_245 = tpu.memref_slice %arg34[%run_scoped3A_241, %dma_start3A_243, %dma_start3A_244] : memref<2x32x64xf32, #tpu.memory_space<vmem>> -> memref<1x32x64xf32, #tpu.memory_space<vmem>>
        %dma_start3A_246 = tpu.memref_squeeze %dma_start3A_245 : memref<1x32x64xf32, #tpu.memory_space<vmem>> -> memref<32x64xf32, #tpu.memory_space<vmem>>
        %dma_start3A_247 = arith.constant 0 : i32
        %dma_start3A_248 = tpu.memref_slice %arg16[%add3A_240, %dma_start3A_247] : memref<1024x64xf32, #tpu.memory_space<hbm>> -> memref<32x64xf32, #tpu.memory_space<hbm>>
        %dma_start3A_249 = arith.constant 0 : i32
        %dma_start3A_250 = tpu.memref_slice %arg16[%add3A_240, %dma_start3A_249] : memref<1024x64xf32, #tpu.memory_space<hbm>> -> memref<32x64xf32, #tpu.memory_space<hbm>>
        %dma_start3A_251 = arith.constant 0 : i32
        %dma_start3A_252 = arith.constant 0 : i32
        %dma_start3A_253 = tpu.memref_slice %arg34[%run_scoped3A_241, %dma_start3A_251, %dma_start3A_252] : memref<2x32x64xf32, #tpu.memory_space<vmem>> -> memref<1x32x64xf32, #tpu.memory_space<vmem>>
        %dma_start3A_254 = tpu.memref_squeeze %dma_start3A_253 : memref<1x32x64xf32, #tpu.memory_space<vmem>> -> memref<32x64xf32, #tpu.memory_space<vmem>>
        tpu.enqueue_dma source(%dma_start3A_254 : memref<32x64xf32, #tpu.memory_space<vmem>>) target(%dma_start3A_250 : memref<32x64xf32, #tpu.memory_space<hbm>>) target_semaphore(%run_scoped3A_242 : memref<!tpu.dma_semaphore, #tpu.memory_space<semaphore_mem>>)
        %dma_wait3A_255 = arith.constant 0 : i32
        %dma_wait3A_256 = arith.constant 0 : i32
        %dma_wait3A_257 = tpu.memref_slice %arg34[%run_scoped3A_241, %dma_wait3A_255, %dma_wait3A_256] : memref<2x32x64xf32, #tpu.memory_space<vmem>> -> memref<1x32x64xf32, #tpu.memory_space<vmem>>
        %dma_wait3A_258 = tpu.memref_squeeze %dma_wait3A_257 : memref<1x32x64xf32, #tpu.memory_space<vmem>> -> memref<32x64xf32, #tpu.memory_space<vmem>>
        %dma_wait3A_259 = arith.constant 0 : i32
        %dma_wait3A_260 = tpu.memref_slice %arg16[%add3A_240, %dma_wait3A_259] : memref<1024x64xf32, #tpu.memory_space<hbm>> -> memref<32x64xf32, #tpu.memory_space<hbm>>
        %dma_wait3A_261 = arith.constant 0 : i32
        %dma_wait3A_262 = tpu.memref_slice %arg16[%add3A_240, %dma_wait3A_261] : memref<1024x64xf32, #tpu.memory_space<hbm>> -> memref<32x64xf32, #tpu.memory_space<hbm>>
        %dma_wait3A_263 = arith.constant 0 : i32
        %dma_wait3A_264 = arith.constant 0 : i32
        %dma_wait3A_265 = tpu.memref_slice %arg34[%run_scoped3A_241, %dma_wait3A_263, %dma_wait3A_264] : memref<2x32x64xf32, #tpu.memory_space<vmem>> -> memref<1x32x64xf32, #tpu.memory_space<vmem>>
        %dma_wait3A_266 = tpu.memref_squeeze %dma_wait3A_265 : memref<1x32x64xf32, #tpu.memory_space<vmem>> -> memref<32x64xf32, #tpu.memory_space<vmem>>
        tpu.wait_dma2 semaphore(%run_scoped3A_242 : memref<!tpu.dma_semaphore, #tpu.memory_space<semaphore_mem>>) src(%dma_wait3A_266 : memref<32x64xf32, #tpu.memory_space<vmem>>) dst(%dma_wait3A_262 : memref<32x64xf32, #tpu.memory_space<hbm>>)
        tpu.yield
      }) : () -> ()
    } else {
    }
    %scan3A_226 = arith.constant 1 : i32
    return
  }
}

module attributes {stable_mosaic.version = 14 : i64} {
  func.func @_precompute_body(%arg0: i32, %arg1: memref<1000x64xf32, #tpu.memory_space<vmem>>, %arg2: memref<1000x64xf32, #tpu.memory_space<vmem>>, %arg3: memref<1000x32xi32, #tpu.memory_space<vmem>>, %arg4: memref<1000x32xi32, #tpu.memory_space<vmem>>, %arg5: memref<1000x32xi32, #tpu.memory_space<vmem>>, %arg6: memref<8x64xf32, #tpu.memory_space<vmem>>, %arg7: memref<64x64xf32, #tpu.memory_space<vmem>>, %arg8: memref<64x64xf32, #tpu.memory_space<vmem>>, %arg9: memref<64x64xf32, #tpu.memory_space<vmem>>, %arg10: memref<64x64xf32, #tpu.memory_space<vmem>>, %arg11: memref<64x64xf32, #tpu.memory_space<vmem>>, %arg12: memref<64x64xf32, #tpu.memory_space<vmem>>, %arg13: memref<64x64xf32, #tpu.memory_space<vmem>>, %arg14: memref<1x64xf32, #tpu.memory_space<vmem>>, %arg15: memref<1x64xf32, #tpu.memory_space<vmem>>, %arg16: memref<1x64xf32, #tpu.memory_space<vmem>>, %arg17: memref<1x64xf32, #tpu.memory_space<vmem>>, %arg18: memref<1x64xf32, #tpu.memory_space<vmem>>, %arg19: memref<5x1000x64xf32, #tpu.memory_space<vmem>>, %arg20: memref<5x1000x64xf32, #tpu.memory_space<vmem>>, %arg21: memref<1000x64xf32, #tpu.memory_space<vmem>>, %arg22: memref<1000x64xf32, #tpu.memory_space<vmem>>, %arg23: memref<1000x64xf32, #tpu.memory_space<vmem>>, %arg24: memref<1000x32xi32, #tpu.memory_space<vmem>>, %arg25: memref<1000x32xi32, #tpu.memory_space<vmem>>) attributes {dimension_semantics = [#tpu.dimension_semantics<arbitrary>], iteration_bounds = array<i64: 10>, scalar_prefetch = 0 : i64, scratch_operands = 0 : i64, tpu.core_type = #tpu.core_type<tc>, window_params = [{transform_indices = @transform_0, window_bounds = array<i64: 1000, 64>}, {transform_indices = @transform_1, window_bounds = array<i64: 1000, 64>}, {transform_indices = @transform_2, window_bounds = array<i64: 1000, 32>}, {transform_indices = @transform_3, window_bounds = array<i64: 1000, 32>}, {transform_indices = @transform_4, window_bounds = array<i64: 1000, 32>}, {pipeline_mode = #tpu.pipeline_mode<synchronous>, transform_indices = @transform_5, window_bounds = array<i64: 8, 64>}, {pipeline_mode = #tpu.pipeline_mode<synchronous>, transform_indices = @transform_6, window_bounds = array<i64: 64, 64>}, {pipeline_mode = #tpu.pipeline_mode<synchronous>, transform_indices = @transform_7, window_bounds = array<i64: 64, 64>}, {pipeline_mode = #tpu.pipeline_mode<synchronous>, transform_indices = @transform_8, window_bounds = array<i64: 64, 64>}, {pipeline_mode = #tpu.pipeline_mode<synchronous>, transform_indices = @transform_9, window_bounds = array<i64: 64, 64>}, {pipeline_mode = #tpu.pipeline_mode<synchronous>, transform_indices = @transform_10, window_bounds = array<i64: 64, 64>}, {pipeline_mode = #tpu.pipeline_mode<synchronous>, transform_indices = @transform_11, window_bounds = array<i64: 64, 64>}, {pipeline_mode = #tpu.pipeline_mode<synchronous>, transform_indices = @transform_12, window_bounds = array<i64: 64, 64>}, {pipeline_mode = #tpu.pipeline_mode<synchronous>, transform_indices = @transform_13, window_bounds = array<i64: 1, 64>}, {pipeline_mode = #tpu.pipeline_mode<synchronous>, transform_indices = @transform_14, window_bounds = array<i64: 1, 64>}, {pipeline_mode = #tpu.pipeline_mode<synchronous>, transform_indices = @transform_15, window_bounds = array<i64: 1, 64>}, {pipeline_mode = #tpu.pipeline_mode<synchronous>, transform_indices = @transform_16, window_bounds = array<i64: 1, 64>}, {pipeline_mode = #tpu.pipeline_mode<synchronous>, transform_indices = @transform_17, window_bounds = array<i64: 1, 64>}, {transform_indices = @transform_18, window_bounds = array<i64: 5, 1000, 64>}, {transform_indices = @transform_19, window_bounds = array<i64: 5, 1000, 64>}, {transform_indices = @transform_20, window_bounds = array<i64: 1000, 64>}, {transform_indices = @transform_21, window_bounds = array<i64: 1000, 64>}, {transform_indices = @transform_22, window_bounds = array<i64: 1000, 64>}, {transform_indices = @transform_23, window_bounds = array<i64: 1000, 32>}, {transform_indices = @transform_24, window_bounds = array<i64: 1000, 32>}]} {
    %get3A = arith.constant 0 : index
    %get3A_0 = arith.constant 0 : index
    %get3A_1 = vector.load %arg1[%get3A, %get3A_0] : memref<1000x64xf32, #tpu.memory_space<vmem>>, vector<1000x64xf32>
    %get3A_2 = arith.constant 0 : index
    %get3A_3 = arith.constant 0 : index
    %get3A_4 = vector.load %arg2[%get3A_2, %get3A_3] : memref<1000x64xf32, #tpu.memory_space<vmem>>, vector<1000x64xf32>
    %get3A_5 = arith.constant 0 : index
    %get3A_6 = arith.constant 0 : index
    %get3A_7 = vector.load %arg6[%get3A_5, %get3A_6] : memref<8x64xf32, #tpu.memory_space<vmem>>, vector<8x64xf32>
    %get3A_8 = arith.constant 0 : index
    %get3A_9 = arith.constant 0 : index
    %get3A_10 = vector.load %arg12[%get3A_8, %get3A_9] : memref<64x64xf32, #tpu.memory_space<vmem>>, vector<64x64xf32>
    %convert_element_type3A = arith.truncf %get3A_7 : vector<8x64xf32> to vector<8x64xbf16>
    %convert_element_type3A_11 = arith.truncf %get3A_10 : vector<64x64xf32> to vector<64x64xbf16>
    %dot_general3A = arith.constant dense<0.000000e+00> : vector<8x64xf32>
    %dot_general3A_12 = tpu.matmul %convert_element_type3A, %convert_element_type3A_11, %dot_general3A {dimension_numbers = #tpu.dot_dimension_numbers<[1], [0], [0], [1], [0, 0, 1, 1], [], []>, transpose_lhs_hint = false} : vector<8x64xbf16>, vector<64x64xbf16>, vector<8x64xf32> -> vector<8x64xf32>
    %get3A_13 = arith.constant 0 : index
    %get3A_14 = arith.constant 0 : index
    %get3A_15 = vector.load %arg6[%get3A_13, %get3A_14] : memref<8x64xf32, #tpu.memory_space<vmem>>, vector<8x64xf32>
    %get3A_16 = arith.constant 0 : index
    %get3A_17 = arith.constant 0 : index
    %get3A_18 = vector.load %arg13[%get3A_16, %get3A_17] : memref<64x64xf32, #tpu.memory_space<vmem>>, vector<64x64xf32>
    %convert_element_type3A_19 = arith.truncf %get3A_15 : vector<8x64xf32> to vector<8x64xbf16>
    %convert_element_type3A_20 = arith.truncf %get3A_18 : vector<64x64xf32> to vector<64x64xbf16>
    %dot_general3A_21 = arith.constant dense<0.000000e+00> : vector<8x64xf32>
    %dot_general3A_22 = tpu.matmul %convert_element_type3A_19, %convert_element_type3A_20, %dot_general3A_21 {dimension_numbers = #tpu.dot_dimension_numbers<[1], [0], [0], [1], [0, 0, 1, 1], [], []>, transpose_lhs_hint = false} : vector<8x64xbf16>, vector<64x64xbf16>, vector<8x64xf32> -> vector<8x64xf32>
    %get3A_23 = arith.constant 0 : index
    %get3A_24 = arith.constant 0 : index
    %get3A_25 = vector.load %arg7[%get3A_23, %get3A_24] : memref<64x64xf32, #tpu.memory_space<vmem>>, vector<64x64xf32>
    %convert_element_type3A_26 = arith.truncf %get3A_1 : vector<1000x64xf32> to vector<1000x64xbf16>
    %convert_element_type3A_27 = arith.truncf %get3A_25 : vector<64x64xf32> to vector<64x64xbf16>
    %dot_general3A_28 = arith.constant dense<0.000000e+00> : vector<1000x64xf32>
    %dot_general3A_29 = tpu.matmul %convert_element_type3A_26, %convert_element_type3A_27, %dot_general3A_28 {dimension_numbers = #tpu.dot_dimension_numbers<[1], [0], [0], [1], [0, 0, 1, 1], [], []>, transpose_lhs_hint = false} : vector<1000x64xbf16>, vector<64x64xbf16>, vector<1000x64xf32> -> vector<1000x64xf32>
    %get3A_30 = arith.constant 0 : index
    %get3A_31 = arith.constant 0 : index
    %get3A_32 = vector.load %arg17[%get3A_30, %get3A_31] : memref<1x64xf32, #tpu.memory_space<vmem>>, vector<1x64xf32>
    %add3A = vector.broadcast %get3A_32 : vector<1x64xf32> to vector<1000x64xf32>
    %add3A_33 = arith.addf %dot_general3A_29, %add3A : vector<1000x64xf32>
    %get3A_34 = arith.constant 0 : index
    %get3A_35 = arith.constant 0 : index
    %get3A_36 = vector.load %arg8[%get3A_34, %get3A_35] : memref<64x64xf32, #tpu.memory_space<vmem>>, vector<64x64xf32>
    %convert_element_type3A_37 = arith.truncf %get3A_4 : vector<1000x64xf32> to vector<1000x64xbf16>
    %convert_element_type3A_38 = arith.truncf %get3A_36 : vector<64x64xf32> to vector<64x64xbf16>
    %dot_general3A_39 = arith.constant dense<0.000000e+00> : vector<1000x64xf32>
    %dot_general3A_40 = tpu.matmul %convert_element_type3A_37, %convert_element_type3A_38, %dot_general3A_39 {dimension_numbers = #tpu.dot_dimension_numbers<[1], [0], [0], [1], [0, 0, 1, 1], [], []>, transpose_lhs_hint = false} : vector<1000x64xbf16>, vector<64x64xbf16>, vector<1000x64xf32> -> vector<1000x64xf32>
    %get3A_41 = arith.constant 0 : index
    %get3A_42 = arith.constant 0 : index
    %get3A_43 = vector.load %arg18[%get3A_41, %get3A_42] : memref<1x64xf32, #tpu.memory_space<vmem>>, vector<1x64xf32>
    %add3A_44 = vector.broadcast %get3A_43 : vector<1x64xf32> to vector<1000x64xf32>
    %add3A_45 = arith.addf %dot_general3A_40, %add3A_44 : vector<1000x64xf32>
    %slice3A = vector.extract_strided_slice %dot_general3A_12 {offsets = [0, 0], sizes = [1, 64], strides = [1, 1]} : vector<8x64xf32> to vector<1x64xf32>
    %add3A_46 = vector.broadcast %slice3A : vector<1x64xf32> to vector<1000x64xf32>
    %add3A_47 = arith.addf %add3A_33, %add3A_46 : vector<1000x64xf32>
    %max3A = arith.constant 0.000000e+00 : f32
    %max3A_48 = vector.broadcast %max3A : f32 to vector<1000x64xf32>
    %max3A_49 = arith.maximumf %add3A_47, %max3A_48 : vector<1000x64xf32>
    %swap3A = arith.constant 0 : index
    %swap3A_50 = arith.constant 0 : index
    %swap3A_51 = arith.constant 0 : index
    %swap3A_52 = vector.load %arg19[%swap3A, %swap3A_50, %swap3A_51] : memref<5x1000x64xf32, #tpu.memory_space<vmem>>, vector<1x1000x64xf32>
    %swap3A_53 = vector.shape_cast %swap3A_52 : vector<1x1000x64xf32> to vector<1000x64xf32>
    %swap3A_54 = vector.shape_cast %max3A_49 : vector<1000x64xf32> to vector<1x1000x64xf32>
    tpu.vector_store %arg19[%swap3A, %swap3A_50, %swap3A_51], %swap3A_54 {strides = array<i32>} : memref<5x1000x64xf32, #tpu.memory_space<vmem>>, vector<1x1000x64xf32>,
    %slice3A_55 = vector.extract_strided_slice %dot_general3A_22 {offsets = [0, 0], sizes = [1, 64], strides = [1, 1]} : vector<8x64xf32> to vector<1x64xf32>
    %add3A_56 = vector.broadcast %slice3A_55 : vector<1x64xf32> to vector<1000x64xf32>
    %add3A_57 = arith.addf %add3A_45, %add3A_56 : vector<1000x64xf32>
    %max3A_58 = arith.constant 0.000000e+00 : f32
    %max3A_59 = vector.broadcast %max3A_58 : f32 to vector<1000x64xf32>
    %max3A_60 = arith.maximumf %add3A_57, %max3A_59 : vector<1000x64xf32>
    %swap3A_61 = arith.constant 0 : index
    %swap3A_62 = arith.constant 0 : index
    %swap3A_63 = arith.constant 0 : index
    %swap3A_64 = vector.load %arg20[%swap3A_61, %swap3A_62, %swap3A_63] : memref<5x1000x64xf32, #tpu.memory_space<vmem>>, vector<1x1000x64xf32>
    %swap3A_65 = vector.shape_cast %swap3A_64 : vector<1x1000x64xf32> to vector<1000x64xf32>
    %swap3A_66 = vector.shape_cast %max3A_60 : vector<1000x64xf32> to vector<1x1000x64xf32>
    tpu.vector_store %arg20[%swap3A_61, %swap3A_62, %swap3A_63], %swap3A_66 {strides = array<i32>} : memref<5x1000x64xf32, #tpu.memory_space<vmem>>, vector<1x1000x64xf32>,
    %slice3A_67 = vector.extract_strided_slice %dot_general3A_12 {offsets = [1, 0], sizes = [1, 64], strides = [1, 1]} : vector<8x64xf32> to vector<1x64xf32>
    %add3A_68 = vector.broadcast %slice3A_67 : vector<1x64xf32> to vector<1000x64xf32>
    %add3A_69 = arith.addf %add3A_33, %add3A_68 : vector<1000x64xf32>
    %max3A_70 = arith.constant 0.000000e+00 : f32
    %max3A_71 = vector.broadcast %max3A_70 : f32 to vector<1000x64xf32>
    %max3A_72 = arith.maximumf %add3A_69, %max3A_71 : vector<1000x64xf32>
    %swap3A_73 = arith.constant 1 : index
    %swap3A_74 = arith.constant 0 : index
    %swap3A_75 = arith.constant 0 : index
    %swap3A_76 = vector.load %arg19[%swap3A_73, %swap3A_74, %swap3A_75] : memref<5x1000x64xf32, #tpu.memory_space<vmem>>, vector<1x1000x64xf32>
    %swap3A_77 = vector.shape_cast %swap3A_76 : vector<1x1000x64xf32> to vector<1000x64xf32>
    %swap3A_78 = vector.shape_cast %max3A_72 : vector<1000x64xf32> to vector<1x1000x64xf32>
    tpu.vector_store %arg19[%swap3A_73, %swap3A_74, %swap3A_75], %swap3A_78 {strides = array<i32>} : memref<5x1000x64xf32, #tpu.memory_space<vmem>>, vector<1x1000x64xf32>,
    %slice3A_79 = vector.extract_strided_slice %dot_general3A_22 {offsets = [1, 0], sizes = [1, 64], strides = [1, 1]} : vector<8x64xf32> to vector<1x64xf32>
    %add3A_80 = vector.broadcast %slice3A_79 : vector<1x64xf32> to vector<1000x64xf32>
    %add3A_81 = arith.addf %add3A_45, %add3A_80 : vector<1000x64xf32>
    %max3A_82 = arith.constant 0.000000e+00 : f32
    %max3A_83 = vector.broadcast %max3A_82 : f32 to vector<1000x64xf32>
    %max3A_84 = arith.maximumf %add3A_81, %max3A_83 : vector<1000x64xf32>
    %swap3A_85 = arith.constant 1 : index
    %swap3A_86 = arith.constant 0 : index
    %swap3A_87 = arith.constant 0 : index
    %swap3A_88 = vector.load %arg20[%swap3A_85, %swap3A_86, %swap3A_87] : memref<5x1000x64xf32, #tpu.memory_space<vmem>>, vector<1x1000x64xf32>
    %swap3A_89 = vector.shape_cast %swap3A_88 : vector<1x1000x64xf32> to vector<1000x64xf32>
    %swap3A_90 = vector.shape_cast %max3A_84 : vector<1000x64xf32> to vector<1x1000x64xf32>
    tpu.vector_store %arg20[%swap3A_85, %swap3A_86, %swap3A_87], %swap3A_90 {strides = array<i32>} : memref<5x1000x64xf32, #tpu.memory_space<vmem>>, vector<1x1000x64xf32>,
    %slice3A_91 = vector.extract_strided_slice %dot_general3A_12 {offsets = [2, 0], sizes = [1, 64], strides = [1, 1]} : vector<8x64xf32> to vector<1x64xf32>
    %add3A_92 = vector.broadcast %slice3A_91 : vector<1x64xf32> to vector<1000x64xf32>
    %add3A_93 = arith.addf %add3A_33, %add3A_92 : vector<1000x64xf32>
    %max3A_94 = arith.constant 0.000000e+00 : f32
    %max3A_95 = vector.broadcast %max3A_94 : f32 to vector<1000x64xf32>
    %max3A_96 = arith.maximumf %add3A_93, %max3A_95 : vector<1000x64xf32>
    %swap3A_97 = arith.constant 2 : index
    %swap3A_98 = arith.constant 0 : index
    %swap3A_99 = arith.constant 0 : index
    %swap3A_100 = vector.load %arg19[%swap3A_97, %swap3A_98, %swap3A_99] : memref<5x1000x64xf32, #tpu.memory_space<vmem>>, vector<1x1000x64xf32>
    %swap3A_101 = vector.shape_cast %swap3A_100 : vector<1x1000x64xf32> to vector<1000x64xf32>
    %swap3A_102 = vector.shape_cast %max3A_96 : vector<1000x64xf32> to vector<1x1000x64xf32>
    tpu.vector_store %arg19[%swap3A_97, %swap3A_98, %swap3A_99], %swap3A_102 {strides = array<i32>} : memref<5x1000x64xf32, #tpu.memory_space<vmem>>, vector<1x1000x64xf32>,
    %slice3A_103 = vector.extract_strided_slice %dot_general3A_22 {offsets = [2, 0], sizes = [1, 64], strides = [1, 1]} : vector<8x64xf32> to vector<1x64xf32>
    %add3A_104 = vector.broadcast %slice3A_103 : vector<1x64xf32> to vector<1000x64xf32>
    %add3A_105 = arith.addf %add3A_45, %add3A_104 : vector<1000x64xf32>
    %max3A_106 = arith.constant 0.000000e+00 : f32
    %max3A_107 = vector.broadcast %max3A_106 : f32 to vector<1000x64xf32>
    %max3A_108 = arith.maximumf %add3A_105, %max3A_107 : vector<1000x64xf32>
    %swap3A_109 = arith.constant 2 : index
    %swap3A_110 = arith.constant 0 : index
    %swap3A_111 = arith.constant 0 : index
    %swap3A_112 = vector.load %arg20[%swap3A_109, %swap3A_110, %swap3A_111] : memref<5x1000x64xf32, #tpu.memory_space<vmem>>, vector<1x1000x64xf32>
    %swap3A_113 = vector.shape_cast %swap3A_112 : vector<1x1000x64xf32> to vector<1000x64xf32>
    %swap3A_114 = vector.shape_cast %max3A_108 : vector<1000x64xf32> to vector<1x1000x64xf32>
    tpu.vector_store %arg20[%swap3A_109, %swap3A_110, %swap3A_111], %swap3A_114 {strides = array<i32>} : memref<5x1000x64xf32, #tpu.memory_space<vmem>>, vector<1x1000x64xf32>,
    %slice3A_115 = vector.extract_strided_slice %dot_general3A_12 {offsets = [3, 0], sizes = [1, 64], strides = [1, 1]} : vector<8x64xf32> to vector<1x64xf32>
    %add3A_116 = vector.broadcast %slice3A_115 : vector<1x64xf32> to vector<1000x64xf32>
    %add3A_117 = arith.addf %add3A_33, %add3A_116 : vector<1000x64xf32>
    %max3A_118 = arith.constant 0.000000e+00 : f32
    %max3A_119 = vector.broadcast %max3A_118 : f32 to vector<1000x64xf32>
    %max3A_120 = arith.maximumf %add3A_117, %max3A_119 : vector<1000x64xf32>
    %swap3A_121 = arith.constant 3 : index
    %swap3A_122 = arith.constant 0 : index
    %swap3A_123 = arith.constant 0 : index
    %swap3A_124 = vector.load %arg19[%swap3A_121, %swap3A_122, %swap3A_123] : memref<5x1000x64xf32, #tpu.memory_space<vmem>>, vector<1x1000x64xf32>
    %swap3A_125 = vector.shape_cast %swap3A_124 : vector<1x1000x64xf32> to vector<1000x64xf32>
    %swap3A_126 = vector.shape_cast %max3A_120 : vector<1000x64xf32> to vector<1x1000x64xf32>
    tpu.vector_store %arg19[%swap3A_121, %swap3A_122, %swap3A_123], %swap3A_126 {strides = array<i32>} : memref<5x1000x64xf32, #tpu.memory_space<vmem>>, vector<1x1000x64xf32>,
    %slice3A_127 = vector.extract_strided_slice %dot_general3A_22 {offsets = [3, 0], sizes = [1, 64], strides = [1, 1]} : vector<8x64xf32> to vector<1x64xf32>
    %add3A_128 = vector.broadcast %slice3A_127 : vector<1x64xf32> to vector<1000x64xf32>
    %add3A_129 = arith.addf %add3A_45, %add3A_128 : vector<1000x64xf32>
    %max3A_130 = arith.constant 0.000000e+00 : f32
    %max3A_131 = vector.broadcast %max3A_130 : f32 to vector<1000x64xf32>
    %max3A_132 = arith.maximumf %add3A_129, %max3A_131 : vector<1000x64xf32>
    %swap3A_133 = arith.constant 3 : index
    %swap3A_134 = arith.constant 0 : index
    %swap3A_135 = arith.constant 0 : index
    %swap3A_136 = vector.load %arg20[%swap3A_133, %swap3A_134, %swap3A_135] : memref<5x1000x64xf32, #tpu.memory_space<vmem>>, vector<1x1000x64xf32>
    %swap3A_137 = vector.shape_cast %swap3A_136 : vector<1x1000x64xf32> to vector<1000x64xf32>
    %swap3A_138 = vector.shape_cast %max3A_132 : vector<1000x64xf32> to vector<1x1000x64xf32>
    tpu.vector_store %arg20[%swap3A_133, %swap3A_134, %swap3A_135], %swap3A_138 {strides = array<i32>} : memref<5x1000x64xf32, #tpu.memory_space<vmem>>, vector<1x1000x64xf32>,
    %slice3A_139 = vector.extract_strided_slice %dot_general3A_12 {offsets = [4, 0], sizes = [1, 64], strides = [1, 1]} : vector<8x64xf32> to vector<1x64xf32>
    %add3A_140 = vector.broadcast %slice3A_139 : vector<1x64xf32> to vector<1000x64xf32>
    %add3A_141 = arith.addf %add3A_33, %add3A_140 : vector<1000x64xf32>
    %max3A_142 = arith.constant 0.000000e+00 : f32
    %max3A_143 = vector.broadcast %max3A_142 : f32 to vector<1000x64xf32>
    %max3A_144 = arith.maximumf %add3A_141, %max3A_143 : vector<1000x64xf32>
    %swap3A_145 = arith.constant 4 : index
    %swap3A_146 = arith.constant 0 : index
    %swap3A_147 = arith.constant 0 : index
    %swap3A_148 = vector.load %arg19[%swap3A_145, %swap3A_146, %swap3A_147] : memref<5x1000x64xf32, #tpu.memory_space<vmem>>, vector<1x1000x64xf32>
    %swap3A_149 = vector.shape_cast %swap3A_148 : vector<1x1000x64xf32> to vector<1000x64xf32>
    %swap3A_150 = vector.shape_cast %max3A_144 : vector<1000x64xf32> to vector<1x1000x64xf32>
    tpu.vector_store %arg19[%swap3A_145, %swap3A_146, %swap3A_147], %swap3A_150 {strides = array<i32>} : memref<5x1000x64xf32, #tpu.memory_space<vmem>>, vector<1x1000x64xf32>,
    %slice3A_151 = vector.extract_strided_slice %dot_general3A_22 {offsets = [4, 0], sizes = [1, 64], strides = [1, 1]} : vector<8x64xf32> to vector<1x64xf32>
    %add3A_152 = vector.broadcast %slice3A_151 : vector<1x64xf32> to vector<1000x64xf32>
    %add3A_153 = arith.addf %add3A_45, %add3A_152 : vector<1000x64xf32>
    %max3A_154 = arith.constant 0.000000e+00 : f32
    %max3A_155 = vector.broadcast %max3A_154 : f32 to vector<1000x64xf32>
    %max3A_156 = arith.maximumf %add3A_153, %max3A_155 : vector<1000x64xf32>
    %swap3A_157 = arith.constant 4 : index
    %swap3A_158 = arith.constant 0 : index
    %swap3A_159 = arith.constant 0 : index
    %swap3A_160 = vector.load %arg20[%swap3A_157, %swap3A_158, %swap3A_159] : memref<5x1000x64xf32, #tpu.memory_space<vmem>>, vector<1x1000x64xf32>
    %swap3A_161 = vector.shape_cast %swap3A_160 : vector<1x1000x64xf32> to vector<1000x64xf32>
    %swap3A_162 = vector.shape_cast %max3A_156 : vector<1000x64xf32> to vector<1x1000x64xf32>
    tpu.vector_store %arg20[%swap3A_157, %swap3A_158, %swap3A_159], %swap3A_162 {strides = array<i32>} : memref<5x1000x64xf32, #tpu.memory_space<vmem>>, vector<1x1000x64xf32>,
    %get3A_163 = arith.constant 0 : index
    %get3A_164 = arith.constant 0 : index
    %get3A_165 = vector.load %arg9[%get3A_163, %get3A_164] : memref<64x64xf32, #tpu.memory_space<vmem>>, vector<64x64xf32>
    %convert_element_type3A_166 = arith.truncf %get3A_4 : vector<1000x64xf32> to vector<1000x64xbf16>
    %convert_element_type3A_167 = arith.truncf %get3A_165 : vector<64x64xf32> to vector<64x64xbf16>
    %dot_general3A_168 = arith.constant dense<0.000000e+00> : vector<1000x64xf32>
    %dot_general3A_169 = tpu.matmul %convert_element_type3A_166, %convert_element_type3A_167, %dot_general3A_168 {dimension_numbers = #tpu.dot_dimension_numbers<[1], [0], [0], [1], [0, 0, 1, 1], [], []>, transpose_lhs_hint = false} : vector<1000x64xbf16>, vector<64x64xbf16>, vector<1000x64xf32> -> vector<1000x64xf32>
    %get3A_170 = arith.constant 0 : index
    %get3A_171 = arith.constant 0 : index
    %get3A_172 = vector.load %arg14[%get3A_170, %get3A_171] : memref<1x64xf32, #tpu.memory_space<vmem>>, vector<1x64xf32>
    %add3A_173 = vector.broadcast %get3A_172 : vector<1x64xf32> to vector<1000x64xf32>
    %add3A_174 = arith.addf %dot_general3A_169, %add3A_173 : vector<1000x64xf32>
    %swap3A_175 = arith.constant 0 : index
    %swap3A_176 = arith.constant 0 : index
    %swap3A_177 = vector.load %arg21[%swap3A_175, %swap3A_176] : memref<1000x64xf32, #tpu.memory_space<vmem>>, vector<1000x64xf32>
    tpu.vector_store %arg21[%swap3A_175, %swap3A_176], %add3A_174 {strides = array<i32>} : memref<1000x64xf32, #tpu.memory_space<vmem>>, vector<1000x64xf32>,
    %get3A_178 = arith.constant 0 : index
    %get3A_179 = arith.constant 0 : index
    %get3A_180 = vector.load %arg10[%get3A_178, %get3A_179] : memref<64x64xf32, #tpu.memory_space<vmem>>, vector<64x64xf32>
    %convert_element_type3A_181 = arith.truncf %get3A_4 : vector<1000x64xf32> to vector<1000x64xbf16>
    %convert_element_type3A_182 = arith.truncf %get3A_180 : vector<64x64xf32> to vector<64x64xbf16>
    %dot_general3A_183 = arith.constant dense<0.000000e+00> : vector<1000x64xf32>
    %dot_general3A_184 = tpu.matmul %convert_element_type3A_181, %convert_element_type3A_182, %dot_general3A_183 {dimension_numbers = #tpu.dot_dimension_numbers<[1], [0], [0], [1], [0, 0, 1, 1], [], []>, transpose_lhs_hint = false} : vector<1000x64xbf16>, vector<64x64xbf16>, vector<1000x64xf32> -> vector<1000x64xf32>
    %get3A_185 = arith.constant 0 : index
    %get3A_186 = arith.constant 0 : index
    %get3A_187 = vector.load %arg15[%get3A_185, %get3A_186] : memref<1x64xf32, #tpu.memory_space<vmem>>, vector<1x64xf32>
    %add3A_188 = vector.broadcast %get3A_187 : vector<1x64xf32> to vector<1000x64xf32>
    %add3A_189 = arith.addf %dot_general3A_184, %add3A_188 : vector<1000x64xf32>
    %swap3A_190 = arith.constant 0 : index
    %swap3A_191 = arith.constant 0 : index
    %swap3A_192 = vector.load %arg22[%swap3A_190, %swap3A_191] : memref<1000x64xf32, #tpu.memory_space<vmem>>, vector<1000x64xf32>
    tpu.vector_store %arg22[%swap3A_190, %swap3A_191], %add3A_189 {strides = array<i32>} : memref<1000x64xf32, #tpu.memory_space<vmem>>, vector<1000x64xf32>,
    %get3A_193 = arith.constant 0 : index
    %get3A_194 = arith.constant 0 : index
    %get3A_195 = vector.load %arg11[%get3A_193, %get3A_194] : memref<64x64xf32, #tpu.memory_space<vmem>>, vector<64x64xf32>
    %convert_element_type3A_196 = arith.truncf %get3A_1 : vector<1000x64xf32> to vector<1000x64xbf16>
    %convert_element_type3A_197 = arith.truncf %get3A_195 : vector<64x64xf32> to vector<64x64xbf16>
    %dot_general3A_198 = arith.constant dense<0.000000e+00> : vector<1000x64xf32>
    %dot_general3A_199 = tpu.matmul %convert_element_type3A_196, %convert_element_type3A_197, %dot_general3A_198 {dimension_numbers = #tpu.dot_dimension_numbers<[1], [0], [0], [1], [0, 0, 1, 1], [], []>, transpose_lhs_hint = false} : vector<1000x64xbf16>, vector<64x64xbf16>, vector<1000x64xf32> -> vector<1000x64xf32>
    %get3A_200 = arith.constant 0 : index
    %get3A_201 = arith.constant 0 : index
    %get3A_202 = vector.load %arg16[%get3A_200, %get3A_201] : memref<1x64xf32, #tpu.memory_space<vmem>>, vector<1x64xf32>
    %add3A_203 = vector.broadcast %get3A_202 : vector<1x64xf32> to vector<1000x64xf32>
    %add3A_204 = arith.addf %dot_general3A_199, %add3A_203 : vector<1000x64xf32>
    %swap3A_205 = arith.constant 0 : index
    %swap3A_206 = arith.constant 0 : index
    %swap3A_207 = vector.load %arg23[%swap3A_205, %swap3A_206] : memref<1000x64xf32, #tpu.memory_space<vmem>>, vector<1000x64xf32>
    tpu.vector_store %arg23[%swap3A_205, %swap3A_206], %add3A_204 {strides = array<i32>} : memref<1000x64xf32, #tpu.memory_space<vmem>>, vector<1000x64xf32>,
    %get3A_208 = arith.constant 0 : index
    %get3A_209 = arith.constant 0 : index
    %get3A_210 = vector.load %arg5[%get3A_208, %get3A_209] : memref<1000x32xi32, #tpu.memory_space<vmem>>, vector<1000x32xi32>
    %mul3A = arith.constant 10000 : i32
    %mul3A_211 = vector.broadcast %mul3A : i32 to vector<1000x32xi32>
    %mul3A_212 = arith.muli %get3A_210, %mul3A_211 : vector<1000x32xi32>
    %get3A_213 = arith.constant 0 : index
    %get3A_214 = arith.constant 0 : index
    %get3A_215 = vector.load %arg3[%get3A_213, %get3A_214] : memref<1000x32xi32, #tpu.memory_space<vmem>>, vector<1000x32xi32>
    %add3A_216 = arith.addi %mul3A_212, %get3A_215 : vector<1000x32xi32>
    %swap3A_217 = arith.constant 0 : index
    %swap3A_218 = arith.constant 0 : index
    %swap3A_219 = vector.load %arg24[%swap3A_217, %swap3A_218] : memref<1000x32xi32, #tpu.memory_space<vmem>>, vector<1000x32xi32>
    tpu.vector_store %arg24[%swap3A_217, %swap3A_218], %add3A_216 {strides = array<i32>} : memref<1000x32xi32, #tpu.memory_space<vmem>>, vector<1000x32xi32>,
    %get3A_220 = arith.constant 0 : index
    %get3A_221 = arith.constant 0 : index
    %get3A_222 = vector.load %arg5[%get3A_220, %get3A_221] : memref<1000x32xi32, #tpu.memory_space<vmem>>, vector<1000x32xi32>
    %mul3A_223 = arith.constant 10000 : i32
    %mul3A_224 = vector.broadcast %mul3A_223 : i32 to vector<1000x32xi32>
    %mul3A_225 = arith.muli %get3A_222, %mul3A_224 : vector<1000x32xi32>
    %get3A_226 = arith.constant 0 : index
    %get3A_227 = arith.constant 0 : index
    %get3A_228 = vector.load %arg4[%get3A_226, %get3A_227] : memref<1000x32xi32, #tpu.memory_space<vmem>>, vector<1000x32xi32>
    %add3A_229 = arith.addi %mul3A_225, %get3A_228 : vector<1000x32xi32>
    %swap3A_230 = arith.constant 0 : index
    %swap3A_231 = arith.constant 0 : index
    %swap3A_232 = vector.load %arg25[%swap3A_230, %swap3A_231] : memref<1000x32xi32, #tpu.memory_space<vmem>>, vector<1000x32xi32>
    tpu.vector_store %arg25[%swap3A_230, %swap3A_231], %add3A_229 {strides = array<i32>} : memref<1000x32xi32, #tpu.memory_space<vmem>>, vector<1000x32xi32>,
    return
  }
  func.func @transform_0(%arg0: i32) -> (i32, i32) {
    %c0_i32 = arith.constant 0 : i32
    %c0_i32_0 = arith.constant 0 : i32
    return %arg0, %c0_i32 : i32, i32
  }
  func.func @transform_1(%arg0: i32) -> (i32, i32) {
    %c0_i32 = arith.constant 0 : i32
    %c0_i32_0 = arith.constant 0 : i32
    return %arg0, %c0_i32 : i32, i32
  }
  func.func @transform_2(%arg0: i32) -> (i32, i32) {
    %c0_i32 = arith.constant 0 : i32
    %c0_i32_0 = arith.constant 0 : i32
    return %arg0, %c0_i32 : i32, i32
  }
  func.func @transform_3(%arg0: i32) -> (i32, i32) {
    %c0_i32 = arith.constant 0 : i32
    %c0_i32_0 = arith.constant 0 : i32
    return %arg0, %c0_i32 : i32, i32
  }
  func.func @transform_4(%arg0: i32) -> (i32, i32) {
    %c0_i32 = arith.constant 0 : i32
    %c0_i32_0 = arith.constant 0 : i32
    return %arg0, %c0_i32 : i32, i32
  }
  func.func @transform_5(%arg0: i32) -> (i32, i32) {
    %c0_i32 = arith.constant 0 : i32
    %c0_i32_0 = arith.constant 0 : i32
    %c0_i32_1 = arith.constant 0 : i32
    return %c0_i32, %c0_i32_0 : i32, i32
  }
  func.func @transform_6(%arg0: i32) -> (i32, i32) {
    %c0_i32 = arith.constant 0 : i32
    %c0_i32_0 = arith.constant 0 : i32
    %c0_i32_1 = arith.constant 0 : i32
    return %c0_i32, %c0_i32_0 : i32, i32
  }
  func.func @transform_7(%arg0: i32) -> (i32, i32) {
    %c0_i32 = arith.constant 0 : i32
    %c0_i32_0 = arith.constant 0 : i32
    %c0_i32_1 = arith.constant 0 : i32
    return %c0_i32, %c0_i32_0 : i32, i32
  }
  func.func @transform_8(%arg0: i32) -> (i32, i32) {
    %c0_i32 = arith.constant 0 : i32
    %c0_i32_0 = arith.constant 0 : i32
    %c0_i32_1 = arith.constant 0 : i32
    return %c0_i32, %c0_i32_0 : i32, i32
  }
  func.func @transform_9(%arg0: i32) -> (i32, i32) {
    %c0_i32 = arith.constant 0 : i32
    %c0_i32_0 = arith.constant 0 : i32
    %c0_i32_1 = arith.constant 0 : i32
    return %c0_i32, %c0_i32_0 : i32, i32
  }
  func.func @transform_10(%arg0: i32) -> (i32, i32) {
    %c0_i32 = arith.constant 0 : i32
    %c0_i32_0 = arith.constant 0 : i32
    %c0_i32_1 = arith.constant 0 : i32
    return %c0_i32, %c0_i32_0 : i32, i32
  }
  func.func @transform_11(%arg0: i32) -> (i32, i32) {
    %c0_i32 = arith.constant 0 : i32
    %c0_i32_0 = arith.constant 0 : i32
    %c0_i32_1 = arith.constant 0 : i32
    return %c0_i32, %c0_i32_0 : i32, i32
  }
  func.func @transform_12(%arg0: i32) -> (i32, i32) {
    %c0_i32 = arith.constant 0 : i32
    %c0_i32_0 = arith.constant 0 : i32
    %c0_i32_1 = arith.constant 0 : i32
    return %c0_i32, %c0_i32_0 : i32, i32
  }
  func.func @transform_13(%arg0: i32) -> (i32, i32) {
    %c0_i32 = arith.constant 0 : i32
    %c0_i32_0 = arith.constant 0 : i32
    %c0_i32_1 = arith.constant 0 : i32
    return %c0_i32, %c0_i32_0 : i32, i32
  }
  func.func @transform_14(%arg0: i32) -> (i32, i32) {
    %c0_i32 = arith.constant 0 : i32
    %c0_i32_0 = arith.constant 0 : i32
    %c0_i32_1 = arith.constant 0 : i32
    return %c0_i32, %c0_i32_0 : i32, i32
  }
  func.func @transform_15(%arg0: i32) -> (i32, i32) {
    %c0_i32 = arith.constant 0 : i32
    %c0_i32_0 = arith.constant 0 : i32
    %c0_i32_1 = arith.constant 0 : i32
    return %c0_i32, %c0_i32_0 : i32, i32
  }
  func.func @transform_16(%arg0: i32) -> (i32, i32) {
    %c0_i32 = arith.constant 0 : i32
    %c0_i32_0 = arith.constant 0 : i32
    %c0_i32_1 = arith.constant 0 : i32
    return %c0_i32, %c0_i32_0 : i32, i32
  }
  func.func @transform_17(%arg0: i32) -> (i32, i32) {
    %c0_i32 = arith.constant 0 : i32
    %c0_i32_0 = arith.constant 0 : i32
    %c0_i32_1 = arith.constant 0 : i32
    return %c0_i32, %c0_i32_0 : i32, i32
  }
  func.func @transform_18(%arg0: i32) -> (i32, i32, i32) {
    %c0_i32 = arith.constant 0 : i32
    %c0_i32_0 = arith.constant 0 : i32
    %c0_i32_1 = arith.constant 0 : i32
    return %c0_i32, %arg0, %c0_i32_0 : i32, i32, i32
  }
  func.func @transform_19(%arg0: i32) -> (i32, i32, i32) {
    %c0_i32 = arith.constant 0 : i32
    %c0_i32_0 = arith.constant 0 : i32
    %c0_i32_1 = arith.constant 0 : i32
    return %c0_i32, %arg0, %c0_i32_0 : i32, i32, i32
  }
  func.func @transform_20(%arg0: i32) -> (i32, i32) {
    %c0_i32 = arith.constant 0 : i32
    %c0_i32_0 = arith.constant 0 : i32
    return %arg0, %c0_i32 : i32, i32
  }
  func.func @transform_21(%arg0: i32) -> (i32, i32) {
    %c0_i32 = arith.constant 0 : i32
    %c0_i32_0 = arith.constant 0 : i32
    return %arg0, %c0_i32 : i32, i32
  }
  func.func @transform_22(%arg0: i32) -> (i32, i32) {
    %c0_i32 = arith.constant 0 : i32
    %c0_i32_0 = arith.constant 0 : i32
    return %arg0, %c0_i32 : i32, i32
  }
  func.func @transform_23(%arg0: i32) -> (i32, i32) {
    %c0_i32 = arith.constant 0 : i32
    %c0_i32_0 = arith.constant 0 : i32
    return %arg0, %c0_i32 : i32, i32
  }
  func.func @transform_24(%arg0: i32) -> (i32, i32) {
    %c0_i32 = arith.constant 0 : i32
    %c0_i32_0 = arith.constant 0 : i32
    return %arg0, %c0_i32 : i32, i32
  }
}

module attributes {stable_mosaic.version = 14 : i64} {
  func.func @_item_agg_body(%arg0: i32, %arg1: memref<3200x128xf32, #tpu.memory_space<vmem>>, %arg2: memref<200x64xf32, #tpu.memory_space<vmem>>, %arg3: memref<64x64xf32, #tpu.memory_space<vmem>>, %arg4: memref<1x64xf32, #tpu.memory_space<vmem>>, %arg5: memref<64x64xf32, #tpu.memory_space<vmem>>, %arg6: memref<1x64xf32, #tpu.memory_space<vmem>>, %arg7: memref<200x64xf32, #tpu.memory_space<vmem>>) attributes {dimension_semantics = [#tpu.dimension_semantics<arbitrary>], iteration_bounds = array<i64: 50>, scalar_prefetch = 0 : i64, scratch_operands = 0 : i64, tpu.core_type = #tpu.core_type<tc>, window_params = [{transform_indices = @transform_0, window_bounds = array<i64: 3200, 128>}, {transform_indices = @transform_1, window_bounds = array<i64: 200, 64>}, {pipeline_mode = #tpu.pipeline_mode<synchronous>, transform_indices = @transform_2, window_bounds = array<i64: 64, 64>}, {pipeline_mode = #tpu.pipeline_mode<synchronous>, transform_indices = @transform_3, window_bounds = array<i64: 1, 64>}, {pipeline_mode = #tpu.pipeline_mode<synchronous>, transform_indices = @transform_4, window_bounds = array<i64: 64, 64>}, {pipeline_mode = #tpu.pipeline_mode<synchronous>, transform_indices = @transform_5, window_bounds = array<i64: 1, 64>}, {transform_indices = @transform_6, window_bounds = array<i64: 200, 64>}]} {
    %get3A = arith.constant 0 : index
    %get3A_0 = arith.constant 0 : index
    %get3A_1 = vector.load %arg1[%get3A, %get3A_0] : memref<3200x128xf32, #tpu.memory_space<vmem>>, vector<3200x128xf32>
    %get3A_2 = arith.constant 0 : index
    %get3A_3 = arith.constant 0 : index
    %get3A_4 = vector.load %arg3[%get3A_2, %get3A_3] : memref<64x64xf32, #tpu.memory_space<vmem>>, vector<64x64xf32>
    %broadcast_in_dim3A = arith.constant 0.000000e+00 : f32
    %broadcast_in_dim3A_5 = vector.broadcast %broadcast_in_dim3A : f32 to vector<64x64xf32>
    %concatenate3A = tpu.concatenate %get3A_4, %broadcast_in_dim3A_5 in 1 : vector<64x64xf32>, vector<64x64xf32> -> vector<64x128xf32>
    %concatenate3A_6 = tpu.concatenate %broadcast_in_dim3A_5, %get3A_4 in 1 : vector<64x64xf32>, vector<64x64xf32> -> vector<64x128xf32>
    %concatenate3A_7 = tpu.concatenate %concatenate3A, %concatenate3A_6 in 0 : vector<64x128xf32>, vector<64x128xf32> -> vector<128x128xf32>
    %convert_element_type3A = arith.truncf %get3A_1 : vector<3200x128xf32> to vector<3200x128xbf16>
    %convert_element_type3A_8 = arith.truncf %concatenate3A_7 : vector<128x128xf32> to vector<128x128xbf16>
    %dot_general3A = arith.constant dense<0.000000e+00> : vector<3200x128xf32>
    %dot_general3A_9 = tpu.matmul %convert_element_type3A, %convert_element_type3A_8, %dot_general3A {dimension_numbers = #tpu.dot_dimension_numbers<[1], [0], [0], [1], [0, 0, 1, 1], [], []>, transpose_lhs_hint = false} : vector<3200x128xbf16>, vector<128x128xbf16>, vector<3200x128xf32> -> vector<3200x128xf32>
    %get3A_10 = arith.constant 0 : index
    %get3A_11 = arith.constant 0 : index
    %get3A_12 = vector.load %arg2[%get3A_10, %get3A_11] : memref<200x64xf32, #tpu.memory_space<vmem>>, vector<200x64xf32>
    %get3A_13 = arith.constant 0 : index
    %get3A_14 = arith.constant 0 : index
    %get3A_15 = vector.load %arg4[%get3A_13, %get3A_14] : memref<1x64xf32, #tpu.memory_space<vmem>>, vector<1x64xf32>
    %reshape3A = vector.shape_cast %get3A_1 : vector<3200x128xf32> to vector<200x16x128xf32>
    %reshape3A_16 = vector.shape_cast %dot_general3A_9 : vector<3200x128xf32> to vector<200x16x128xf32>
    %concatenate3A_17 = tpu.concatenate %get3A_12, %get3A_12 in 1 : vector<200x64xf32>, vector<200x64xf32> -> vector<200x128xf32>
    %broadcast_in_dim3A_18 = vector.shape_cast %concatenate3A_17 : vector<200x128xf32> to vector<200x1x128xf32>
    %add3A = vector.broadcast %broadcast_in_dim3A_18 : vector<200x1x128xf32> to vector<200x16x128xf32>
    %add3A_19 = arith.addf %reshape3A_16, %add3A : vector<200x16x128xf32>
    %max3A = arith.constant 0.000000e+00 : f32
    %max3A_20 = vector.broadcast %max3A : f32 to vector<200x16x128xf32>
    %max3A_21 = arith.maximumf %add3A_19, %max3A_20 : vector<200x16x128xf32>
    %convert_element_type3A_22 = arith.truncf %max3A_21 : vector<200x16x128xf32> to vector<200x16x128xbf16>
    %convert_element_type3A_23 = arith.extf %convert_element_type3A_22 : vector<200x16x128xbf16> to vector<200x16x128xf32>
    %convert_element_type3A_24 = arith.truncf %get3A_15 : vector<1x64xf32> to vector<1x64xbf16>
    %convert_element_type3A_25 = arith.extf %convert_element_type3A_24 : vector<1x64xbf16> to vector<1x64xf32>
    %reshape3A_26 = vector.shape_cast %convert_element_type3A_25 : vector<1x64xf32> to vector<1x1x64xf32>
    %slice3A = vector.extract_strided_slice %convert_element_type3A_23 {offsets = [0, 0, 0], sizes = [200, 16, 64], strides = [1, 1, 1]} : vector<200x16x128xf32> to vector<200x16x64xf32>
    %mul3A = vector.broadcast %reshape3A_26 : vector<1x1x64xf32> to vector<200x16x64xf32>
    %mul3A_27 = arith.mulf %slice3A, %mul3A : vector<200x16x64xf32>
    %reduce_sum3A = arith.constant dense<0.000000e+00> : vector<200x16xf32>
    %reduce_sum3A_28 = vector.multi_reduction <add>, %mul3A_27, %reduce_sum3A [2] : vector<200x16x64xf32> to vector<200x16xf32>
    %slice3A_29 = vector.extract_strided_slice %convert_element_type3A_23 {offsets = [0, 0, 64], sizes = [200, 16, 64], strides = [1, 1, 1]} : vector<200x16x128xf32> to vector<200x16x64xf32>
    %mul3A_30 = vector.broadcast %reshape3A_26 : vector<1x1x64xf32> to vector<200x16x64xf32>
    %mul3A_31 = arith.mulf %slice3A_29, %mul3A_30 : vector<200x16x64xf32>
    %reduce_sum3A_32 = arith.constant dense<0.000000e+00> : vector<200x16xf32>
    %reduce_sum3A_33 = vector.multi_reduction <add>, %mul3A_31, %reduce_sum3A_32 [2] : vector<200x16x64xf32> to vector<200x16xf32>
    %exp3A = math.exp %reduce_sum3A_28 : vector<200x16xf32>
    %exp3A_34 = math.exp %reduce_sum3A_33 : vector<200x16xf32>
    %broadcast_in_dim3A_35 = vector.shape_cast %exp3A : vector<200x16xf32> to vector<200x16x1xf32>
    %slice3A_36 = vector.extract_strided_slice %reshape3A {offsets = [0, 0, 0], sizes = [200, 16, 64], strides = [1, 1, 1]} : vector<200x16x128xf32> to vector<200x16x64xf32>
    %mul3A_37 = vector.broadcast %broadcast_in_dim3A_35 : vector<200x16x1xf32> to vector<200x16x64xf32>
    %mul3A_38 = arith.mulf %mul3A_37, %slice3A_36 : vector<200x16x64xf32>
    %broadcast_in_dim3A_39 = vector.shape_cast %exp3A_34 : vector<200x16xf32> to vector<200x16x1xf32>
    %slice3A_40 = vector.extract_strided_slice %reshape3A {offsets = [0, 0, 64], sizes = [200, 16, 64], strides = [1, 1, 1]} : vector<200x16x128xf32> to vector<200x16x64xf32>
    %mul3A_41 = vector.broadcast %broadcast_in_dim3A_39 : vector<200x16x1xf32> to vector<200x16x64xf32>
    %mul3A_42 = arith.mulf %mul3A_41, %slice3A_40 : vector<200x16x64xf32>
    %add3A_43 = arith.addf %mul3A_38, %mul3A_42 : vector<200x16x64xf32>
    %reduce_sum3A_44 = arith.constant dense<0.000000e+00> : vector<200x64xf32>
    %reduce_sum3A_45 = vector.multi_reduction <add>, %add3A_43, %reduce_sum3A_44 [1] : vector<200x16x64xf32> to vector<200x64xf32>
    %add3A_46 = arith.addf %exp3A, %exp3A_34 : vector<200x16xf32>
    %reduce_sum3A_47 = arith.constant dense<0.000000e+00> : vector<200xf32>
    %reduce_sum3A_48 = vector.multi_reduction <add>, %add3A_46, %reduce_sum3A_47 [1] : vector<200x16xf32> to vector<200xf32>
    %broadcast_in_dim3A_49 = vector.shape_cast %reduce_sum3A_48 : vector<200xf32> to vector<200x1xf32>
    %div3A = vector.broadcast %broadcast_in_dim3A_49 : vector<200x1xf32> to vector<200x64xf32>
    %div3A_50 = arith.divf %reduce_sum3A_45, %div3A : vector<200x64xf32>
    %get3A_51 = arith.constant 0 : index
    %get3A_52 = arith.constant 0 : index
    %get3A_53 = vector.load %arg5[%get3A_51, %get3A_52] : memref<64x64xf32, #tpu.memory_space<vmem>>, vector<64x64xf32>
    %convert_element_type3A_54 = arith.truncf %div3A_50 : vector<200x64xf32> to vector<200x64xbf16>
    %convert_element_type3A_55 = arith.truncf %get3A_53 : vector<64x64xf32> to vector<64x64xbf16>
    %dot_general3A_56 = arith.constant dense<0.000000e+00> : vector<200x64xf32>
    %dot_general3A_57 = tpu.matmul %convert_element_type3A_54, %convert_element_type3A_55, %dot_general3A_56 {dimension_numbers = #tpu.dot_dimension_numbers<[1], [0], [0], [1], [0, 0, 1, 1], [], []>, transpose_lhs_hint = false} : vector<200x64xbf16>, vector<64x64xbf16>, vector<200x64xf32> -> vector<200x64xf32>
    %get3A_58 = arith.constant 0 : index
    %get3A_59 = arith.constant 0 : index
    %get3A_60 = vector.load %arg6[%get3A_58, %get3A_59] : memref<1x64xf32, #tpu.memory_space<vmem>>, vector<1x64xf32>
    %add3A_61 = vector.broadcast %get3A_60 : vector<1x64xf32> to vector<200x64xf32>
    %add3A_62 = arith.addf %dot_general3A_57, %add3A_61 : vector<200x64xf32>
    %max3A_63 = arith.constant 0.000000e+00 : f32
    %max3A_64 = vector.broadcast %max3A_63 : f32 to vector<200x64xf32>
    %max3A_65 = arith.maximumf %add3A_62, %max3A_64 : vector<200x64xf32>
    %swap3A = arith.constant 0 : index
    %swap3A_66 = arith.constant 0 : index
    %swap3A_67 = vector.load %arg7[%swap3A, %swap3A_66] : memref<200x64xf32, #tpu.memory_space<vmem>>, vector<200x64xf32>
    tpu.vector_store %arg7[%swap3A, %swap3A_66], %max3A_65 {strides = array<i32>} : memref<200x64xf32, #tpu.memory_space<vmem>>, vector<200x64xf32>,
    return
  }
  func.func @transform_0(%arg0: i32) -> (i32, i32) {
    %c0_i32 = arith.constant 0 : i32
    %c0_i32_0 = arith.constant 0 : i32
    return %arg0, %c0_i32 : i32, i32
  }
  func.func @transform_1(%arg0: i32) -> (i32, i32) {
    %c0_i32 = arith.constant 0 : i32
    %c0_i32_0 = arith.constant 0 : i32
    return %arg0, %c0_i32 : i32, i32
  }
  func.func @transform_2(%arg0: i32) -> (i32, i32) {
    %c0_i32 = arith.constant 0 : i32
    %c0_i32_0 = arith.constant 0 : i32
    %c0_i32_1 = arith.constant 0 : i32
    return %c0_i32, %c0_i32_0 : i32, i32
  }
  func.func @transform_3(%arg0: i32) -> (i32, i32) {
    %c0_i32 = arith.constant 0 : i32
    %c0_i32_0 = arith.constant 0 : i32
    %c0_i32_1 = arith.constant 0 : i32
    return %c0_i32, %c0_i32_0 : i32, i32
  }
  func.func @transform_4(%arg0: i32) -> (i32, i32) {
    %c0_i32 = arith.constant 0 : i32
    %c0_i32_0 = arith.constant 0 : i32
    %c0_i32_1 = arith.constant 0 : i32
    return %c0_i32, %c0_i32_0 : i32, i32
  }
  func.func @transform_5(%arg0: i32) -> (i32, i32) {
    %c0_i32 = arith.constant 0 : i32
    %c0_i32_0 = arith.constant 0 : i32
    %c0_i32_1 = arith.constant 0 : i32
    return %c0_i32, %c0_i32_0 : i32, i32
  }
  func.func @transform_6(%arg0: i32) -> (i32, i32) {
    %c0_i32 = arith.constant 0 : i32
    %c0_i32_0 = arith.constant 0 : i32
    return %arg0, %c0_i32 : i32, i32
  }
}

module attributes {stable_mosaic.version = 14 : i64} {
  func.func @_batch_body(%arg0: i32, %arg1: memref<256x64xf32, #tpu.memory_space<vmem>>, %arg2: memref<4096x128xf32, #tpu.memory_space<vmem>>, %arg3: memref<256x64xf32, #tpu.memory_space<vmem>>, %arg4: memref<4096x128xf32, #tpu.memory_space<vmem>>, %arg5: memref<256x64xf32, #tpu.memory_space<vmem>>, %arg6: memref<64x64xf32, #tpu.memory_space<vmem>>, %arg7: memref<1x64xf32, #tpu.memory_space<vmem>>, %arg8: memref<64x64xf32, #tpu.memory_space<vmem>>, %arg9: memref<1x64xf32, #tpu.memory_space<vmem>>, %arg10: memref<64x64xf32, #tpu.memory_space<vmem>>, %arg11: memref<64x64xf32, #tpu.memory_space<vmem>>, %arg12: memref<1x64xf32, #tpu.memory_space<vmem>>, %arg13: memref<64x64xf32, #tpu.memory_space<vmem>>, %arg14: memref<1x64xf32, #tpu.memory_space<vmem>>, %arg15: memref<64x64xf32, #tpu.memory_space<vmem>>, %arg16: memref<1x64xf32, #tpu.memory_space<vmem>>, %arg17: memref<64x64xf32, #tpu.memory_space<vmem>>, %arg18: memref<1x64xf32, #tpu.memory_space<vmem>>, %arg19: memref<64x64xf32, #tpu.memory_space<vmem>>, %arg20: memref<1x64xf32, #tpu.memory_space<vmem>>, %arg21: memref<64x64xf32, #tpu.memory_space<vmem>>, %arg22: memref<64x64xf32, #tpu.memory_space<vmem>>, %arg23: memref<1x64xf32, #tpu.memory_space<vmem>>, %arg24: memref<64x64xf32, #tpu.memory_space<vmem>>, %arg25: memref<1x64xf32, #tpu.memory_space<vmem>>, %arg26: memref<64x64xf32, #tpu.memory_space<vmem>>, %arg27: memref<1x64xf32, #tpu.memory_space<vmem>>, %arg28: memref<1x64xf32, #tpu.memory_space<vmem>>, %arg29: memref<1x1xf32, #tpu.memory_space<vmem>>, %arg30: memref<256x1xf32, #tpu.memory_space<vmem>>) attributes {dimension_semantics = [#tpu.dimension_semantics<arbitrary>], iteration_bounds = array<i64: 4>, scalar_prefetch = 0 : i64, scratch_operands = 0 : i64, tpu.core_type = #tpu.core_type<tc>, window_params = [{transform_indices = @transform_0, window_bounds = array<i64: 256, 64>}, {transform_indices = @transform_1, window_bounds = array<i64: 4096, 128>}, {transform_indices = @transform_2, window_bounds = array<i64: 256, 64>}, {transform_indices = @transform_3, window_bounds = array<i64: 4096, 128>}, {transform_indices = @transform_4, window_bounds = array<i64: 256, 64>}, {pipeline_mode = #tpu.pipeline_mode<synchronous>, transform_indices = @transform_5, window_bounds = array<i64: 64, 64>}, {pipeline_mode = #tpu.pipeline_mode<synchronous>, transform_indices = @transform_6, window_bounds = array<i64: 1, 64>}, {pipeline_mode = #tpu.pipeline_mode<synchronous>, transform_indices = @transform_7, window_bounds = array<i64: 64, 64>}, {pipeline_mode = #tpu.pipeline_mode<synchronous>, transform_indices = @transform_8, window_bounds = array<i64: 1, 64>}, {pipeline_mode = #tpu.pipeline_mode<synchronous>, transform_indices = @transform_9, window_bounds = array<i64: 64, 64>}, {pipeline_mode = #tpu.pipeline_mode<synchronous>, transform_indices = @transform_10, window_bounds = array<i64: 64, 64>}, {pipeline_mode = #tpu.pipeline_mode<synchronous>, transform_indices = @transform_11, window_bounds = array<i64: 1, 64>}, {pipeline_mode = #tpu.pipeline_mode<synchronous>, transform_indices = @transform_12, window_bounds = array<i64: 64, 64>}, {pipeline_mode = #tpu.pipeline_mode<synchronous>, transform_indices = @transform_13, window_bounds = array<i64: 1, 64>}, {pipeline_mode = #tpu.pipeline_mode<synchronous>, transform_indices = @transform_14, window_bounds = array<i64: 64, 64>}, {pipeline_mode = #tpu.pipeline_mode<synchronous>, transform_indices = @transform_15, window_bounds = array<i64: 1, 64>}, {pipeline_mode = #tpu.pipeline_mode<synchronous>, transform_indices = @transform_16, window_bounds = array<i64: 64, 64>}, {pipeline_mode = #tpu.pipeline_mode<synchronous>, transform_indices = @transform_17, window_bounds = array<i64: 1, 64>}, {pipeline_mode = #tpu.pipeline_mode<synchronous>, transform_indices = @transform_18, window_bounds = array<i64: 64, 64>}, {pipeline_mode = #tpu.pipeline_mode<synchronous>, transform_indices = @transform_19, window_bounds = array<i64: 1, 64>}, {pipeline_mode = #tpu.pipeline_mode<synchronous>, transform_indices = @transform_20, window_bounds = array<i64: 64, 64>}, {pipeline_mode = #tpu.pipeline_mode<synchronous>, transform_indices = @transform_21, window_bounds = array<i64: 64, 64>}, {pipeline_mode = #tpu.pipeline_mode<synchronous>, transform_indices = @transform_22, window_bounds = array<i64: 1, 64>}, {pipeline_mode = #tpu.pipeline_mode<synchronous>, transform_indices = @transform_23, window_bounds = array<i64: 64, 64>}, {pipeline_mode = #tpu.pipeline_mode<synchronous>, transform_indices = @transform_24, window_bounds = array<i64: 1, 64>}, {pipeline_mode = #tpu.pipeline_mode<synchronous>, transform_indices = @transform_25, window_bounds = array<i64: 64, 64>}, {pipeline_mode = #tpu.pipeline_mode<synchronous>, transform_indices = @transform_26, window_bounds = array<i64: 1, 64>}, {pipeline_mode = #tpu.pipeline_mode<synchronous>, transform_indices = @transform_27, window_bounds = array<i64: 1, 64>}, {pipeline_mode = #tpu.pipeline_mode<synchronous>, transform_indices = @transform_28, window_bounds = array<i64: 1, 1>}, {transform_indices = @transform_29, window_bounds = array<i64: 256, 1>}]} {
    %get3A = arith.constant 0 : index
    %get3A_0 = arith.constant 0 : index
    %get3A_1 = vector.load %arg2[%get3A, %get3A_0] : memref<4096x128xf32, #tpu.memory_space<vmem>>, vector<4096x128xf32>
    %get3A_2 = arith.constant 0 : index
    %get3A_3 = arith.constant 0 : index
    %get3A_4 = vector.load %arg6[%get3A_2, %get3A_3] : memref<64x64xf32, #tpu.memory_space<vmem>>, vector<64x64xf32>
    %broadcast_in_dim3A = arith.constant 0.000000e+00 : f32
    %broadcast_in_dim3A_5 = vector.broadcast %broadcast_in_dim3A : f32 to vector<64x64xf32>
    %concatenate3A = tpu.concatenate %get3A_4, %broadcast_in_dim3A_5 in 1 : vector<64x64xf32>, vector<64x64xf32> -> vector<64x128xf32>
    %concatenate3A_6 = tpu.concatenate %broadcast_in_dim3A_5, %get3A_4 in 1 : vector<64x64xf32>, vector<64x64xf32> -> vector<64x128xf32>
    %concatenate3A_7 = tpu.concatenate %concatenate3A, %concatenate3A_6 in 0 : vector<64x128xf32>, vector<64x128xf32> -> vector<128x128xf32>
    %convert_element_type3A = arith.truncf %get3A_1 : vector<4096x128xf32> to vector<4096x128xbf16>
    %convert_element_type3A_8 = arith.truncf %concatenate3A_7 : vector<128x128xf32> to vector<128x128xbf16>
    %dot_general3A = arith.constant dense<0.000000e+00> : vector<4096x128xf32>
    %dot_general3A_9 = tpu.matmul %convert_element_type3A, %convert_element_type3A_8, %dot_general3A {dimension_numbers = #tpu.dot_dimension_numbers<[1], [0], [0], [1], [0, 0, 1, 1], [], []>, transpose_lhs_hint = false} : vector<4096x128xbf16>, vector<128x128xbf16>, vector<4096x128xf32> -> vector<4096x128xf32>
    %get3A_10 = arith.constant 0 : index
    %get3A_11 = arith.constant 0 : index
    %get3A_12 = vector.load %arg3[%get3A_10, %get3A_11] : memref<256x64xf32, #tpu.memory_space<vmem>>, vector<256x64xf32>
    %get3A_13 = arith.constant 0 : index
    %get3A_14 = arith.constant 0 : index
    %get3A_15 = vector.load %arg7[%get3A_13, %get3A_14] : memref<1x64xf32, #tpu.memory_space<vmem>>, vector<1x64xf32>
    %reshape3A = vector.shape_cast %get3A_1 : vector<4096x128xf32> to vector<256x16x128xf32>
    %reshape3A_16 = vector.shape_cast %dot_general3A_9 : vector<4096x128xf32> to vector<256x16x128xf32>
    %concatenate3A_17 = tpu.concatenate %get3A_12, %get3A_12 in 1 : vector<256x64xf32>, vector<256x64xf32> -> vector<256x128xf32>
    %broadcast_in_dim3A_18 = vector.shape_cast %concatenate3A_17 : vector<256x128xf32> to vector<256x1x128xf32>
    %add3A = vector.broadcast %broadcast_in_dim3A_18 : vector<256x1x128xf32> to vector<256x16x128xf32>
    %add3A_19 = arith.addf %reshape3A_16, %add3A : vector<256x16x128xf32>
    %max3A = arith.constant 0.000000e+00 : f32
    %max3A_20 = vector.broadcast %max3A : f32 to vector<256x16x128xf32>
    %max3A_21 = arith.maximumf %add3A_19, %max3A_20 : vector<256x16x128xf32>
    %convert_element_type3A_22 = arith.truncf %max3A_21 : vector<256x16x128xf32> to vector<256x16x128xbf16>
    %convert_element_type3A_23 = arith.extf %convert_element_type3A_22 : vector<256x16x128xbf16> to vector<256x16x128xf32>
    %convert_element_type3A_24 = arith.truncf %get3A_15 : vector<1x64xf32> to vector<1x64xbf16>
    %convert_element_type3A_25 = arith.extf %convert_element_type3A_24 : vector<1x64xbf16> to vector<1x64xf32>
    %reshape3A_26 = vector.shape_cast %convert_element_type3A_25 : vector<1x64xf32> to vector<1x1x64xf32>
    %slice3A = vector.extract_strided_slice %convert_element_type3A_23 {offsets = [0, 0, 0], sizes = [256, 16, 64], strides = [1, 1, 1]} : vector<256x16x128xf32> to vector<256x16x64xf32>
    %mul3A = vector.broadcast %reshape3A_26 : vector<1x1x64xf32> to vector<256x16x64xf32>
    %mul3A_27 = arith.mulf %slice3A, %mul3A : vector<256x16x64xf32>
    %reduce_sum3A = arith.constant dense<0.000000e+00> : vector<256x16xf32>
    %reduce_sum3A_28 = vector.multi_reduction <add>, %mul3A_27, %reduce_sum3A [2] : vector<256x16x64xf32> to vector<256x16xf32>
    %slice3A_29 = vector.extract_strided_slice %convert_element_type3A_23 {offsets = [0, 0, 64], sizes = [256, 16, 64], strides = [1, 1, 1]} : vector<256x16x128xf32> to vector<256x16x64xf32>
    %mul3A_30 = vector.broadcast %reshape3A_26 : vector<1x1x64xf32> to vector<256x16x64xf32>
    %mul3A_31 = arith.mulf %slice3A_29, %mul3A_30 : vector<256x16x64xf32>
    %reduce_sum3A_32 = arith.constant dense<0.000000e+00> : vector<256x16xf32>
    %reduce_sum3A_33 = vector.multi_reduction <add>, %mul3A_31, %reduce_sum3A_32 [2] : vector<256x16x64xf32> to vector<256x16xf32>
    %exp3A = math.exp %reduce_sum3A_28 : vector<256x16xf32>
    %exp3A_34 = math.exp %reduce_sum3A_33 : vector<256x16xf32>
    %broadcast_in_dim3A_35 = vector.shape_cast %exp3A : vector<256x16xf32> to vector<256x16x1xf32>
    %slice3A_36 = vector.extract_strided_slice %reshape3A {offsets = [0, 0, 0], sizes = [256, 16, 64], strides = [1, 1, 1]} : vector<256x16x128xf32> to vector<256x16x64xf32>
    %mul3A_37 = vector.broadcast %broadcast_in_dim3A_35 : vector<256x16x1xf32> to vector<256x16x64xf32>
    %mul3A_38 = arith.mulf %mul3A_37, %slice3A_36 : vector<256x16x64xf32>
    %broadcast_in_dim3A_39 = vector.shape_cast %exp3A_34 : vector<256x16xf32> to vector<256x16x1xf32>
    %slice3A_40 = vector.extract_strided_slice %reshape3A {offsets = [0, 0, 64], sizes = [256, 16, 64], strides = [1, 1, 1]} : vector<256x16x128xf32> to vector<256x16x64xf32>
    %mul3A_41 = vector.broadcast %broadcast_in_dim3A_39 : vector<256x16x1xf32> to vector<256x16x64xf32>
    %mul3A_42 = arith.mulf %mul3A_41, %slice3A_40 : vector<256x16x64xf32>
    %add3A_43 = arith.addf %mul3A_38, %mul3A_42 : vector<256x16x64xf32>
    %reduce_sum3A_44 = arith.constant dense<0.000000e+00> : vector<256x64xf32>
    %reduce_sum3A_45 = vector.multi_reduction <add>, %add3A_43, %reduce_sum3A_44 [1] : vector<256x16x64xf32> to vector<256x64xf32>
    %add3A_46 = arith.addf %exp3A, %exp3A_34 : vector<256x16xf32>
    %reduce_sum3A_47 = arith.constant dense<0.000000e+00> : vector<256xf32>
    %reduce_sum3A_48 = vector.multi_reduction <add>, %add3A_46, %reduce_sum3A_47 [1] : vector<256x16xf32> to vector<256xf32>
    %broadcast_in_dim3A_49 = vector.shape_cast %reduce_sum3A_48 : vector<256xf32> to vector<256x1xf32>
    %div3A = vector.broadcast %broadcast_in_dim3A_49 : vector<256x1xf32> to vector<256x64xf32>
    %div3A_50 = arith.divf %reduce_sum3A_45, %div3A : vector<256x64xf32>
    %get3A_51 = arith.constant 0 : index
    %get3A_52 = arith.constant 0 : index
    %get3A_53 = vector.load %arg8[%get3A_51, %get3A_52] : memref<64x64xf32, #tpu.memory_space<vmem>>, vector<64x64xf32>
    %convert_element_type3A_54 = arith.truncf %div3A_50 : vector<256x64xf32> to vector<256x64xbf16>
    %convert_element_type3A_55 = arith.truncf %get3A_53 : vector<64x64xf32> to vector<64x64xbf16>
    %dot_general3A_56 = arith.constant dense<0.000000e+00> : vector<256x64xf32>
    %dot_general3A_57 = tpu.matmul %convert_element_type3A_54, %convert_element_type3A_55, %dot_general3A_56 {dimension_numbers = #tpu.dot_dimension_numbers<[1], [0], [0], [1], [0, 0, 1, 1], [], []>, transpose_lhs_hint = false} : vector<256x64xbf16>, vector<64x64xbf16>, vector<256x64xf32> -> vector<256x64xf32>
    %get3A_58 = arith.constant 0 : index
    %get3A_59 = arith.constant 0 : index
    %get3A_60 = vector.load %arg9[%get3A_58, %get3A_59] : memref<1x64xf32, #tpu.memory_space<vmem>>, vector<1x64xf32>
    %add3A_61 = vector.broadcast %get3A_60 : vector<1x64xf32> to vector<256x64xf32>
    %add3A_62 = arith.addf %dot_general3A_57, %add3A_61 : vector<256x64xf32>
    %max3A_63 = arith.constant 0.000000e+00 : f32
    %max3A_64 = vector.broadcast %max3A_63 : f32 to vector<256x64xf32>
    %max3A_65 = arith.maximumf %add3A_62, %max3A_64 : vector<256x64xf32>
    %get3A_66 = arith.constant 0 : index
    %get3A_67 = arith.constant 0 : index
    %get3A_68 = vector.load %arg1[%get3A_66, %get3A_67] : memref<256x64xf32, #tpu.memory_space<vmem>>, vector<256x64xf32>
    %get3A_69 = arith.constant 0 : index
    %get3A_70 = arith.constant 0 : index
    %get3A_71 = vector.load %arg10[%get3A_69, %get3A_70] : memref<64x64xf32, #tpu.memory_space<vmem>>, vector<64x64xf32>
    %convert_element_type3A_72 = arith.truncf %get3A_68 : vector<256x64xf32> to vector<256x64xbf16>
    %convert_element_type3A_73 = arith.truncf %get3A_71 : vector<64x64xf32> to vector<64x64xbf16>
    %dot_general3A_74 = arith.constant dense<0.000000e+00> : vector<256x64xf32>
    %dot_general3A_75 = tpu.matmul %convert_element_type3A_72, %convert_element_type3A_73, %dot_general3A_74 {dimension_numbers = #tpu.dot_dimension_numbers<[1], [0], [0], [1], [0, 0, 1, 1], [], []>, transpose_lhs_hint = false} : vector<256x64xbf16>, vector<64x64xbf16>, vector<256x64xf32> -> vector<256x64xf32>
    %get3A_76 = arith.constant 0 : index
    %get3A_77 = arith.constant 0 : index
    %get3A_78 = vector.load %arg11[%get3A_76, %get3A_77] : memref<64x64xf32, #tpu.memory_space<vmem>>, vector<64x64xf32>
    %convert_element_type3A_79 = arith.truncf %max3A_65 : vector<256x64xf32> to vector<256x64xbf16>
    %convert_element_type3A_80 = arith.truncf %get3A_78 : vector<64x64xf32> to vector<64x64xbf16>
    %dot_general3A_81 = arith.constant dense<0.000000e+00> : vector<256x64xf32>
    %dot_general3A_82 = tpu.matmul %convert_element_type3A_79, %convert_element_type3A_80, %dot_general3A_81 {dimension_numbers = #tpu.dot_dimension_numbers<[1], [0], [0], [1], [0, 0, 1, 1], [], []>, transpose_lhs_hint = false} : vector<256x64xbf16>, vector<64x64xbf16>, vector<256x64xf32> -> vector<256x64xf32>
    %add3A_83 = arith.addf %dot_general3A_75, %dot_general3A_82 : vector<256x64xf32>
    %get3A_84 = arith.constant 0 : index
    %get3A_85 = arith.constant 0 : index
    %get3A_86 = vector.load %arg12[%get3A_84, %get3A_85] : memref<1x64xf32, #tpu.memory_space<vmem>>, vector<1x64xf32>
    %add3A_87 = vector.broadcast %get3A_86 : vector<1x64xf32> to vector<256x64xf32>
    %add3A_88 = arith.addf %add3A_83, %add3A_87 : vector<256x64xf32>
    %max3A_89 = arith.constant 0.000000e+00 : f32
    %max3A_90 = vector.broadcast %max3A_89 : f32 to vector<256x64xf32>
    %max3A_91 = arith.maximumf %add3A_88, %max3A_90 : vector<256x64xf32>
    %get3A_92 = arith.constant 0 : index
    %get3A_93 = arith.constant 0 : index
    %get3A_94 = vector.load %arg13[%get3A_92, %get3A_93] : memref<64x64xf32, #tpu.memory_space<vmem>>, vector<64x64xf32>
    %convert_element_type3A_95 = arith.truncf %max3A_91 : vector<256x64xf32> to vector<256x64xbf16>
    %convert_element_type3A_96 = arith.truncf %get3A_94 : vector<64x64xf32> to vector<64x64xbf16>
    %dot_general3A_97 = arith.constant dense<0.000000e+00> : vector<256x64xf32>
    %dot_general3A_98 = tpu.matmul %convert_element_type3A_95, %convert_element_type3A_96, %dot_general3A_97 {dimension_numbers = #tpu.dot_dimension_numbers<[1], [0], [0], [1], [0, 0, 1, 1], [], []>, transpose_lhs_hint = false} : vector<256x64xbf16>, vector<64x64xbf16>, vector<256x64xf32> -> vector<256x64xf32>
    %get3A_99 = arith.constant 0 : index
    %get3A_100 = arith.constant 0 : index
    %get3A_101 = vector.load %arg14[%get3A_99, %get3A_100] : memref<1x64xf32, #tpu.memory_space<vmem>>, vector<1x64xf32>
    %add3A_102 = vector.broadcast %get3A_101 : vector<1x64xf32> to vector<256x64xf32>
    %add3A_103 = arith.addf %dot_general3A_98, %add3A_102 : vector<256x64xf32>
    %max3A_104 = arith.constant 0.000000e+00 : f32
    %max3A_105 = vector.broadcast %max3A_104 : f32 to vector<256x64xf32>
    %max3A_106 = arith.maximumf %add3A_103, %max3A_105 : vector<256x64xf32>
    %get3A_107 = arith.constant 0 : index
    %get3A_108 = arith.constant 0 : index
    %get3A_109 = vector.load %arg15[%get3A_107, %get3A_108] : memref<64x64xf32, #tpu.memory_space<vmem>>, vector<64x64xf32>
    %convert_element_type3A_110 = arith.truncf %max3A_106 : vector<256x64xf32> to vector<256x64xbf16>
    %convert_element_type3A_111 = arith.truncf %get3A_109 : vector<64x64xf32> to vector<64x64xbf16>
    %dot_general3A_112 = arith.constant dense<0.000000e+00> : vector<256x64xf32>
    %dot_general3A_113 = tpu.matmul %convert_element_type3A_110, %convert_element_type3A_111, %dot_general3A_112 {dimension_numbers = #tpu.dot_dimension_numbers<[1], [0], [0], [1], [0, 0, 1, 1], [], []>, transpose_lhs_hint = false} : vector<256x64xbf16>, vector<64x64xbf16>, vector<256x64xf32> -> vector<256x64xf32>
    %get3A_114 = arith.constant 0 : index
    %get3A_115 = arith.constant 0 : index
    %get3A_116 = vector.load %arg16[%get3A_114, %get3A_115] : memref<1x64xf32, #tpu.memory_space<vmem>>, vector<1x64xf32>
    %add3A_117 = vector.broadcast %get3A_116 : vector<1x64xf32> to vector<256x64xf32>
    %add3A_118 = arith.addf %dot_general3A_113, %add3A_117 : vector<256x64xf32>
    %max3A_119 = arith.constant 0.000000e+00 : f32
    %max3A_120 = vector.broadcast %max3A_119 : f32 to vector<256x64xf32>
    %max3A_121 = arith.maximumf %add3A_118, %max3A_120 : vector<256x64xf32>
    %get3A_122 = arith.constant 0 : index
    %get3A_123 = arith.constant 0 : index
    %get3A_124 = vector.load %arg4[%get3A_122, %get3A_123] : memref<4096x128xf32, #tpu.memory_space<vmem>>, vector<4096x128xf32>
    %get3A_125 = arith.constant 0 : index
    %get3A_126 = arith.constant 0 : index
    %get3A_127 = vector.load %arg17[%get3A_125, %get3A_126] : memref<64x64xf32, #tpu.memory_space<vmem>>, vector<64x64xf32>
    %broadcast_in_dim3A_128 = arith.constant 0.000000e+00 : f32
    %broadcast_in_dim3A_129 = vector.broadcast %broadcast_in_dim3A_128 : f32 to vector<64x64xf32>
    %concatenate3A_130 = tpu.concatenate %get3A_127, %broadcast_in_dim3A_129 in 1 : vector<64x64xf32>, vector<64x64xf32> -> vector<64x128xf32>
    %concatenate3A_131 = tpu.concatenate %broadcast_in_dim3A_129, %get3A_127 in 1 : vector<64x64xf32>, vector<64x64xf32> -> vector<64x128xf32>
    %concatenate3A_132 = tpu.concatenate %concatenate3A_130, %concatenate3A_131 in 0 : vector<64x128xf32>, vector<64x128xf32> -> vector<128x128xf32>
    %convert_element_type3A_133 = arith.truncf %get3A_124 : vector<4096x128xf32> to vector<4096x128xbf16>
    %convert_element_type3A_134 = arith.truncf %concatenate3A_132 : vector<128x128xf32> to vector<128x128xbf16>
    %dot_general3A_135 = arith.constant dense<0.000000e+00> : vector<4096x128xf32>
    %dot_general3A_136 = tpu.matmul %convert_element_type3A_133, %convert_element_type3A_134, %dot_general3A_135 {dimension_numbers = #tpu.dot_dimension_numbers<[1], [0], [0], [1], [0, 0, 1, 1], [], []>, transpose_lhs_hint = false} : vector<4096x128xbf16>, vector<128x128xbf16>, vector<4096x128xf32> -> vector<4096x128xf32>
    %get3A_137 = arith.constant 0 : index
    %get3A_138 = arith.constant 0 : index
    %get3A_139 = vector.load %arg5[%get3A_137, %get3A_138] : memref<256x64xf32, #tpu.memory_space<vmem>>, vector<256x64xf32>
    %get3A_140 = arith.constant 0 : index
    %get3A_141 = arith.constant 0 : index
    %get3A_142 = vector.load %arg18[%get3A_140, %get3A_141] : memref<1x64xf32, #tpu.memory_space<vmem>>, vector<1x64xf32>
    %reshape3A_143 = vector.shape_cast %get3A_124 : vector<4096x128xf32> to vector<256x16x128xf32>
    %reshape3A_144 = vector.shape_cast %dot_general3A_136 : vector<4096x128xf32> to vector<256x16x128xf32>
    %concatenate3A_145 = tpu.concatenate %get3A_139, %get3A_139 in 1 : vector<256x64xf32>, vector<256x64xf32> -> vector<256x128xf32>
    %broadcast_in_dim3A_146 = vector.shape_cast %concatenate3A_145 : vector<256x128xf32> to vector<256x1x128xf32>
    %add3A_147 = vector.broadcast %broadcast_in_dim3A_146 : vector<256x1x128xf32> to vector<256x16x128xf32>
    %add3A_148 = arith.addf %reshape3A_144, %add3A_147 : vector<256x16x128xf32>
    %max3A_149 = arith.constant 0.000000e+00 : f32
    %max3A_150 = vector.broadcast %max3A_149 : f32 to vector<256x16x128xf32>
    %max3A_151 = arith.maximumf %add3A_148, %max3A_150 : vector<256x16x128xf32>
    %convert_element_type3A_152 = arith.truncf %max3A_151 : vector<256x16x128xf32> to vector<256x16x128xbf16>
    %convert_element_type3A_153 = arith.extf %convert_element_type3A_152 : vector<256x16x128xbf16> to vector<256x16x128xf32>
    %convert_element_type3A_154 = arith.truncf %get3A_142 : vector<1x64xf32> to vector<1x64xbf16>
    %convert_element_type3A_155 = arith.extf %convert_element_type3A_154 : vector<1x64xbf16> to vector<1x64xf32>
    %reshape3A_156 = vector.shape_cast %convert_element_type3A_155 : vector<1x64xf32> to vector<1x1x64xf32>
    %slice3A_157 = vector.extract_strided_slice %convert_element_type3A_153 {offsets = [0, 0, 0], sizes = [256, 16, 64], strides = [1, 1, 1]} : vector<256x16x128xf32> to vector<256x16x64xf32>
    %mul3A_158 = vector.broadcast %reshape3A_156 : vector<1x1x64xf32> to vector<256x16x64xf32>
    %mul3A_159 = arith.mulf %slice3A_157, %mul3A_158 : vector<256x16x64xf32>
    %reduce_sum3A_160 = arith.constant dense<0.000000e+00> : vector<256x16xf32>
    %reduce_sum3A_161 = vector.multi_reduction <add>, %mul3A_159, %reduce_sum3A_160 [2] : vector<256x16x64xf32> to vector<256x16xf32>
    %slice3A_162 = vector.extract_strided_slice %convert_element_type3A_153 {offsets = [0, 0, 64], sizes = [256, 16, 64], strides = [1, 1, 1]} : vector<256x16x128xf32> to vector<256x16x64xf32>
    %mul3A_163 = vector.broadcast %reshape3A_156 : vector<1x1x64xf32> to vector<256x16x64xf32>
    %mul3A_164 = arith.mulf %slice3A_162, %mul3A_163 : vector<256x16x64xf32>
    %reduce_sum3A_165 = arith.constant dense<0.000000e+00> : vector<256x16xf32>
    %reduce_sum3A_166 = vector.multi_reduction <add>, %mul3A_164, %reduce_sum3A_165 [2] : vector<256x16x64xf32> to vector<256x16xf32>
    %exp3A_167 = math.exp %reduce_sum3A_161 : vector<256x16xf32>
    %exp3A_168 = math.exp %reduce_sum3A_166 : vector<256x16xf32>
    %broadcast_in_dim3A_169 = vector.shape_cast %exp3A_167 : vector<256x16xf32> to vector<256x16x1xf32>
    %slice3A_170 = vector.extract_strided_slice %reshape3A_143 {offsets = [0, 0, 0], sizes = [256, 16, 64], strides = [1, 1, 1]} : vector<256x16x128xf32> to vector<256x16x64xf32>
    %mul3A_171 = vector.broadcast %broadcast_in_dim3A_169 : vector<256x16x1xf32> to vector<256x16x64xf32>
    %mul3A_172 = arith.mulf %mul3A_171, %slice3A_170 : vector<256x16x64xf32>
    %broadcast_in_dim3A_173 = vector.shape_cast %exp3A_168 : vector<256x16xf32> to vector<256x16x1xf32>
    %slice3A_174 = vector.extract_strided_slice %reshape3A_143 {offsets = [0, 0, 64], sizes = [256, 16, 64], strides = [1, 1, 1]} : vector<256x16x128xf32> to vector<256x16x64xf32>
    %mul3A_175 = vector.broadcast %broadcast_in_dim3A_173 : vector<256x16x1xf32> to vector<256x16x64xf32>
    %mul3A_176 = arith.mulf %mul3A_175, %slice3A_174 : vector<256x16x64xf32>
    %add3A_177 = arith.addf %mul3A_172, %mul3A_176 : vector<256x16x64xf32>
    %reduce_sum3A_178 = arith.constant dense<0.000000e+00> : vector<256x64xf32>
    %reduce_sum3A_179 = vector.multi_reduction <add>, %add3A_177, %reduce_sum3A_178 [1] : vector<256x16x64xf32> to vector<256x64xf32>
    %add3A_180 = arith.addf %exp3A_167, %exp3A_168 : vector<256x16xf32>
    %reduce_sum3A_181 = arith.constant dense<0.000000e+00> : vector<256xf32>
    %reduce_sum3A_182 = vector.multi_reduction <add>, %add3A_180, %reduce_sum3A_181 [1] : vector<256x16xf32> to vector<256xf32>
    %broadcast_in_dim3A_183 = vector.shape_cast %reduce_sum3A_182 : vector<256xf32> to vector<256x1xf32>
    %div3A_184 = vector.broadcast %broadcast_in_dim3A_183 : vector<256x1xf32> to vector<256x64xf32>
    %div3A_185 = arith.divf %reduce_sum3A_179, %div3A_184 : vector<256x64xf32>
    %get3A_186 = arith.constant 0 : index
    %get3A_187 = arith.constant 0 : index
    %get3A_188 = vector.load %arg19[%get3A_186, %get3A_187] : memref<64x64xf32, #tpu.memory_space<vmem>>, vector<64x64xf32>
    %convert_element_type3A_189 = arith.truncf %div3A_185 : vector<256x64xf32> to vector<256x64xbf16>
    %convert_element_type3A_190 = arith.truncf %get3A_188 : vector<64x64xf32> to vector<64x64xbf16>
    %dot_general3A_191 = arith.constant dense<0.000000e+00> : vector<256x64xf32>
    %dot_general3A_192 = tpu.matmul %convert_element_type3A_189, %convert_element_type3A_190, %dot_general3A_191 {dimension_numbers = #tpu.dot_dimension_numbers<[1], [0], [0], [1], [0, 0, 1, 1], [], []>, transpose_lhs_hint = false} : vector<256x64xbf16>, vector<64x64xbf16>, vector<256x64xf32> -> vector<256x64xf32>
    %get3A_193 = arith.constant 0 : index
    %get3A_194 = arith.constant 0 : index
    %get3A_195 = vector.load %arg20[%get3A_193, %get3A_194] : memref<1x64xf32, #tpu.memory_space<vmem>>, vector<1x64xf32>
    %add3A_196 = vector.broadcast %get3A_195 : vector<1x64xf32> to vector<256x64xf32>
    %add3A_197 = arith.addf %dot_general3A_192, %add3A_196 : vector<256x64xf32>
    %max3A_198 = arith.constant 0.000000e+00 : f32
    %max3A_199 = vector.broadcast %max3A_198 : f32 to vector<256x64xf32>
    %max3A_200 = arith.maximumf %add3A_197, %max3A_199 : vector<256x64xf32>
    %get3A_201 = arith.constant 0 : index
    %get3A_202 = arith.constant 0 : index
    %get3A_203 = vector.load %arg21[%get3A_201, %get3A_202] : memref<64x64xf32, #tpu.memory_space<vmem>>, vector<64x64xf32>
    %convert_element_type3A_204 = arith.truncf %max3A_121 : vector<256x64xf32> to vector<256x64xbf16>
    %convert_element_type3A_205 = arith.truncf %get3A_203 : vector<64x64xf32> to vector<64x64xbf16>
    %dot_general3A_206 = arith.constant dense<0.000000e+00> : vector<256x64xf32>
    %dot_general3A_207 = tpu.matmul %convert_element_type3A_204, %convert_element_type3A_205, %dot_general3A_206 {dimension_numbers = #tpu.dot_dimension_numbers<[1], [0], [0], [1], [0, 0, 1, 1], [], []>, transpose_lhs_hint = false} : vector<256x64xbf16>, vector<64x64xbf16>, vector<256x64xf32> -> vector<256x64xf32>
    %get3A_208 = arith.constant 0 : index
    %get3A_209 = arith.constant 0 : index
    %get3A_210 = vector.load %arg22[%get3A_208, %get3A_209] : memref<64x64xf32, #tpu.memory_space<vmem>>, vector<64x64xf32>
    %convert_element_type3A_211 = arith.truncf %max3A_200 : vector<256x64xf32> to vector<256x64xbf16>
    %convert_element_type3A_212 = arith.truncf %get3A_210 : vector<64x64xf32> to vector<64x64xbf16>
    %dot_general3A_213 = arith.constant dense<0.000000e+00> : vector<256x64xf32>
    %dot_general3A_214 = tpu.matmul %convert_element_type3A_211, %convert_element_type3A_212, %dot_general3A_213 {dimension_numbers = #tpu.dot_dimension_numbers<[1], [0], [0], [1], [0, 0, 1, 1], [], []>, transpose_lhs_hint = false} : vector<256x64xbf16>, vector<64x64xbf16>, vector<256x64xf32> -> vector<256x64xf32>
    %add3A_215 = arith.addf %dot_general3A_207, %dot_general3A_214 : vector<256x64xf32>
    %get3A_216 = arith.constant 0 : index
    %get3A_217 = arith.constant 0 : index
    %get3A_218 = vector.load %arg23[%get3A_216, %get3A_217] : memref<1x64xf32, #tpu.memory_space<vmem>>, vector<1x64xf32>
    %add3A_219 = vector.broadcast %get3A_218 : vector<1x64xf32> to vector<256x64xf32>
    %add3A_220 = arith.addf %add3A_215, %add3A_219 : vector<256x64xf32>
    %max3A_221 = arith.constant 0.000000e+00 : f32
    %max3A_222 = vector.broadcast %max3A_221 : f32 to vector<256x64xf32>
    %max3A_223 = arith.maximumf %add3A_220, %max3A_222 : vector<256x64xf32>
    %get3A_224 = arith.constant 0 : index
    %get3A_225 = arith.constant 0 : index
    %get3A_226 = vector.load %arg24[%get3A_224, %get3A_225] : memref<64x64xf32, #tpu.memory_space<vmem>>, vector<64x64xf32>
    %convert_element_type3A_227 = arith.truncf %max3A_223 : vector<256x64xf32> to vector<256x64xbf16>
    %convert_element_type3A_228 = arith.truncf %get3A_226 : vector<64x64xf32> to vector<64x64xbf16>
    %dot_general3A_229 = arith.constant dense<0.000000e+00> : vector<256x64xf32>
    %dot_general3A_230 = tpu.matmul %convert_element_type3A_227, %convert_element_type3A_228, %dot_general3A_229 {dimension_numbers = #tpu.dot_dimension_numbers<[1], [0], [0], [1], [0, 0, 1, 1], [], []>, transpose_lhs_hint = false} : vector<256x64xbf16>, vector<64x64xbf16>, vector<256x64xf32> -> vector<256x64xf32>
    %get3A_231 = arith.constant 0 : index
    %get3A_232 = arith.constant 0 : index
    %get3A_233 = vector.load %arg25[%get3A_231, %get3A_232] : memref<1x64xf32, #tpu.memory_space<vmem>>, vector<1x64xf32>
    %add3A_234 = vector.broadcast %get3A_233 : vector<1x64xf32> to vector<256x64xf32>
    %add3A_235 = arith.addf %dot_general3A_230, %add3A_234 : vector<256x64xf32>
    %max3A_236 = arith.constant 0.000000e+00 : f32
    %max3A_237 = vector.broadcast %max3A_236 : f32 to vector<256x64xf32>
    %max3A_238 = arith.maximumf %add3A_235, %max3A_237 : vector<256x64xf32>
    %get3A_239 = arith.constant 0 : index
    %get3A_240 = arith.constant 0 : index
    %get3A_241 = vector.load %arg26[%get3A_239, %get3A_240] : memref<64x64xf32, #tpu.memory_space<vmem>>, vector<64x64xf32>
    %convert_element_type3A_242 = arith.truncf %max3A_238 : vector<256x64xf32> to vector<256x64xbf16>
    %convert_element_type3A_243 = arith.truncf %get3A_241 : vector<64x64xf32> to vector<64x64xbf16>
    %dot_general3A_244 = arith.constant dense<0.000000e+00> : vector<256x64xf32>
    %dot_general3A_245 = tpu.matmul %convert_element_type3A_242, %convert_element_type3A_243, %dot_general3A_244 {dimension_numbers = #tpu.dot_dimension_numbers<[1], [0], [0], [1], [0, 0, 1, 1], [], []>, transpose_lhs_hint = false} : vector<256x64xbf16>, vector<64x64xbf16>, vector<256x64xf32> -> vector<256x64xf32>
    %get3A_246 = arith.constant 0 : index
    %get3A_247 = arith.constant 0 : index
    %get3A_248 = vector.load %arg27[%get3A_246, %get3A_247] : memref<1x64xf32, #tpu.memory_space<vmem>>, vector<1x64xf32>
    %add3A_249 = vector.broadcast %get3A_248 : vector<1x64xf32> to vector<256x64xf32>
    %add3A_250 = arith.addf %dot_general3A_245, %add3A_249 : vector<256x64xf32>
    %max3A_251 = arith.constant 0.000000e+00 : f32
    %max3A_252 = vector.broadcast %max3A_251 : f32 to vector<256x64xf32>
    %max3A_253 = arith.maximumf %add3A_250, %max3A_252 : vector<256x64xf32>
    %convert_element_type3A_254 = arith.truncf %max3A_253 : vector<256x64xf32> to vector<256x64xbf16>
    %convert_element_type3A_255 = arith.extf %convert_element_type3A_254 : vector<256x64xbf16> to vector<256x64xf32>
    %get3A_256 = arith.constant 0 : index
    %get3A_257 = arith.constant 0 : index
    %get3A_258 = vector.load %arg28[%get3A_256, %get3A_257] : memref<1x64xf32, #tpu.memory_space<vmem>>, vector<1x64xf32>
    %convert_element_type3A_259 = arith.truncf %get3A_258 : vector<1x64xf32> to vector<1x64xbf16>
    %convert_element_type3A_260 = arith.extf %convert_element_type3A_259 : vector<1x64xbf16> to vector<1x64xf32>
    %mul3A_261 = vector.broadcast %convert_element_type3A_260 : vector<1x64xf32> to vector<256x64xf32>
    %mul3A_262 = arith.mulf %convert_element_type3A_255, %mul3A_261 : vector<256x64xf32>
    %reduce_sum3A_263 = arith.constant dense<0.000000e+00> : vector<256xf32>
    %reduce_sum3A_264 = vector.multi_reduction <add>, %mul3A_262, %reduce_sum3A_263 [1] : vector<256x64xf32> to vector<256xf32>
    %broadcast_in_dim3A_265 = vector.shape_cast %reduce_sum3A_264 : vector<256xf32> to vector<256x1xf32>
    %get3A_266 = arith.constant 0 : index
    %get3A_267 = arith.constant 0 : index
    %get3A_268 = vector.load %arg29[%get3A_266, %get3A_267] : memref<1x1xf32, #tpu.memory_space<vmem>>, vector<1x1xf32>
    %add3A_269 = vector.broadcast %get3A_268 : vector<1x1xf32> to vector<256x1xf32>
    %add3A_270 = arith.addf %broadcast_in_dim3A_265, %add3A_269 : vector<256x1xf32>
    %swap3A = arith.constant 0 : index
    %swap3A_271 = arith.constant 0 : index
    %swap3A_272 = vector.load %arg30[%swap3A, %swap3A_271] : memref<256x1xf32, #tpu.memory_space<vmem>>, vector<256x1xf32>
    tpu.vector_store %arg30[%swap3A, %swap3A_271], %add3A_270 {strides = array<i32>} : memref<256x1xf32, #tpu.memory_space<vmem>>, vector<256x1xf32>,
    return
  }
  func.func @transform_0(%arg0: i32) -> (i32, i32) {
    %c0_i32 = arith.constant 0 : i32
    %c0_i32_0 = arith.constant 0 : i32
    return %arg0, %c0_i32 : i32, i32
  }
  func.func @transform_1(%arg0: i32) -> (i32, i32) {
    %c0_i32 = arith.constant 0 : i32
    %c0_i32_0 = arith.constant 0 : i32
    return %arg0, %c0_i32 : i32, i32
  }
  func.func @transform_2(%arg0: i32) -> (i32, i32) {
    %c0_i32 = arith.constant 0 : i32
    %c0_i32_0 = arith.constant 0 : i32
    return %arg0, %c0_i32 : i32, i32
  }
  func.func @transform_3(%arg0: i32) -> (i32, i32) {
    %c0_i32 = arith.constant 0 : i32
    %c0_i32_0 = arith.constant 0 : i32
    return %arg0, %c0_i32 : i32, i32
  }
  func.func @transform_4(%arg0: i32) -> (i32, i32) {
    %c0_i32 = arith.constant 0 : i32
    %c0_i32_0 = arith.constant 0 : i32
    return %arg0, %c0_i32 : i32, i32
  }
  func.func @transform_5(%arg0: i32) -> (i32, i32) {
    %c0_i32 = arith.constant 0 : i32
    %c0_i32_0 = arith.constant 0 : i32
    %c0_i32_1 = arith.constant 0 : i32
    return %c0_i32, %c0_i32_0 : i32, i32
  }
  func.func @transform_6(%arg0: i32) -> (i32, i32) {
    %c0_i32 = arith.constant 0 : i32
    %c0_i32_0 = arith.constant 0 : i32
    %c0_i32_1 = arith.constant 0 : i32
    return %c0_i32, %c0_i32_0 : i32, i32
  }
  func.func @transform_7(%arg0: i32) -> (i32, i32) {
    %c0_i32 = arith.constant 0 : i32
    %c0_i32_0 = arith.constant 0 : i32
    %c0_i32_1 = arith.constant 0 : i32
    return %c0_i32, %c0_i32_0 : i32, i32
  }
  func.func @transform_8(%arg0: i32) -> (i32, i32) {
    %c0_i32 = arith.constant 0 : i32
    %c0_i32_0 = arith.constant 0 : i32
    %c0_i32_1 = arith.constant 0 : i32
    return %c0_i32, %c0_i32_0 : i32, i32
  }
  func.func @transform_9(%arg0: i32) -> (i32, i32) {
    %c0_i32 = arith.constant 0 : i32
    %c0_i32_0 = arith.constant 0 : i32
    %c0_i32_1 = arith.constant 0 : i32
    return %c0_i32, %c0_i32_0 : i32, i32
  }
  func.func @transform_10(%arg0: i32) -> (i32, i32) {
    %c0_i32 = arith.constant 0 : i32
    %c0_i32_0 = arith.constant 0 : i32
    %c0_i32_1 = arith.constant 0 : i32
    return %c0_i32, %c0_i32_0 : i32, i32
  }
  func.func @transform_11(%arg0: i32) -> (i32, i32) {
    %c0_i32 = arith.constant 0 : i32
    %c0_i32_0 = arith.constant 0 : i32
    %c0_i32_1 = arith.constant 0 : i32
    return %c0_i32, %c0_i32_0 : i32, i32
  }
  func.func @transform_12(%arg0: i32) -> (i32, i32) {
    %c0_i32 = arith.constant 0 : i32
    %c0_i32_0 = arith.constant 0 : i32
    %c0_i32_1 = arith.constant 0 : i32
    return %c0_i32, %c0_i32_0 : i32, i32
  }
  func.func @transform_13(%arg0: i32) -> (i32, i32) {
    %c0_i32 = arith.constant 0 : i32
    %c0_i32_0 = arith.constant 0 : i32
    %c0_i32_1 = arith.constant 0 : i32
    return %c0_i32, %c0_i32_0 : i32, i32
  }
  func.func @transform_14(%arg0: i32) -> (i32, i32) {
    %c0_i32 = arith.constant 0 : i32
    %c0_i32_0 = arith.constant 0 : i32
    %c0_i32_1 = arith.constant 0 : i32
    return %c0_i32, %c0_i32_0 : i32, i32
  }
  func.func @transform_15(%arg0: i32) -> (i32, i32) {
    %c0_i32 = arith.constant 0 : i32
    %c0_i32_0 = arith.constant 0 : i32
    %c0_i32_1 = arith.constant 0 : i32
    return %c0_i32, %c0_i32_0 : i32, i32
  }
  func.func @transform_16(%arg0: i32) -> (i32, i32) {
    %c0_i32 = arith.constant 0 : i32
    %c0_i32_0 = arith.constant 0 : i32
    %c0_i32_1 = arith.constant 0 : i32
    return %c0_i32, %c0_i32_0 : i32, i32
  }
  func.func @transform_17(%arg0: i32) -> (i32, i32) {
    %c0_i32 = arith.constant 0 : i32
    %c0_i32_0 = arith.constant 0 : i32
    %c0_i32_1 = arith.constant 0 : i32
    return %c0_i32, %c0_i32_0 : i32, i32
  }
  func.func @transform_18(%arg0: i32) -> (i32, i32) {
    %c0_i32 = arith.constant 0 : i32
    %c0_i32_0 = arith.constant 0 : i32
    %c0_i32_1 = arith.constant 0 : i32
    return %c0_i32, %c0_i32_0 : i32, i32
  }
  func.func @transform_19(%arg0: i32) -> (i32, i32) {
    %c0_i32 = arith.constant 0 : i32
    %c0_i32_0 = arith.constant 0 : i32
    %c0_i32_1 = arith.constant 0 : i32
    return %c0_i32, %c0_i32_0 : i32, i32
  }
  func.func @transform_20(%arg0: i32) -> (i32, i32) {
    %c0_i32 = arith.constant 0 : i32
    %c0_i32_0 = arith.constant 0 : i32
    %c0_i32_1 = arith.constant 0 : i32
    return %c0_i32, %c0_i32_0 : i32, i32
  }
  func.func @transform_21(%arg0: i32) -> (i32, i32) {
    %c0_i32 = arith.constant 0 : i32
    %c0_i32_0 = arith.constant 0 : i32
    %c0_i32_1 = arith.constant 0 : i32
    return %c0_i32, %c0_i32_0 : i32, i32
  }
  func.func @transform_22(%arg0: i32) -> (i32, i32) {
    %c0_i32 = arith.constant 0 : i32
    %c0_i32_0 = arith.constant 0 : i32
    %c0_i32_1 = arith.constant 0 : i32
    return %c0_i32, %c0_i32_0 : i32, i32
  }
  func.func @transform_23(%arg0: i32) -> (i32, i32) {
    %c0_i32 = arith.constant 0 : i32
    %c0_i32_0 = arith.constant 0 : i32
    %c0_i32_1 = arith.constant 0 : i32
    return %c0_i32, %c0_i32_0 : i32, i32
  }
  func.func @transform_24(%arg0: i32) -> (i32, i32) {
    %c0_i32 = arith.constant 0 : i32
    %c0_i32_0 = arith.constant 0 : i32
    %c0_i32_1 = arith.constant 0 : i32
    return %c0_i32, %c0_i32_0 : i32, i32
  }
  func.func @transform_25(%arg0: i32) -> (i32, i32) {
    %c0_i32 = arith.constant 0 : i32
    %c0_i32_0 = arith.constant 0 : i32
    %c0_i32_1 = arith.constant 0 : i32
    return %c0_i32, %c0_i32_0 : i32, i32
  }
  func.func @transform_26(%arg0: i32) -> (i32, i32) {
    %c0_i32 = arith.constant 0 : i32
    %c0_i32_0 = arith.constant 0 : i32
    %c0_i32_1 = arith.constant 0 : i32
    return %c0_i32, %c0_i32_0 : i32, i32
  }
  func.func @transform_27(%arg0: i32) -> (i32, i32) {
    %c0_i32 = arith.constant 0 : i32
    %c0_i32_0 = arith.constant 0 : i32
    %c0_i32_1 = arith.constant 0 : i32
    return %c0_i32, %c0_i32_0 : i32, i32
  }
  func.func @transform_28(%arg0: i32) -> (i32, i32) {
    %c0_i32 = arith.constant 0 : i32
    %c0_i32_0 = arith.constant 0 : i32
    %c0_i32_1 = arith.constant 0 : i32
    return %c0_i32, %c0_i32_0 : i32, i32
  }
  func.func @transform_29(%arg0: i32) -> (i32, i32) {
    %c0_i32 = arith.constant 0 : i32
    %c0_i32_0 = arith.constant 0 : i32
    return %arg0, %c0_i32 : i32, i32
  }
}

</mosaic_0001>

<sc_bundles>
// kernel: kernel.10.cloned.1.call-start
scs
__scs_entry_jumppad:
0x0: {  	(pc) =	sbr.rel $0x88, $3  }
0x1: {  	(tag) =	ssettag $0x0;
	lr =	simm.s32 $0x1  }
0x2: {  	[smem:$0x3F77] =	sst lr;
	_ =	strace $0xD0000000  }
0x3: {  	_ = 	snop  }
0x4: {  	_ = 	snop  }
0x5: {  	_ = 	snop  }
0x6: {  	_ = 	snop  }
0x7: {  	_ = 	snop  }
__scs_overlays_trampoline_lowered:
0x8: {  	[smem:$0x3F86] =	sst s0  }
0x9: {  	[smem:$0x3F87] =	sst s1  }
0xa: {  	[smem:$0x3F88] =	sst s2  }
0xb: {  	[smem:$0x3F89] =	sst s3  }
0xc: {  	[smem:$0x3F8A] =	sst s4  }
0xd: {  	[smem:$0x3F8B] =	sst s5  }
0xe: {  	[smem:$0x3F8C] =	sst s6  }
0xf: {  	[smem:$0x3F8D] =	sst s7  }
0x10: {  	[smem:$0x3F8E] =	sst s8  }
0x11: {  	[smem:$0x3F8F] =	sst s9;
	s0 =	simm.s32 @!p0 $0x0  }
0x12: {  	s1 =	sld [smem:$0x3F75];
	s0 =	simm.s32 @p0 $0x1  }
0x13: {  	[smem:$0x3F90] =	sst s0;
	s0 =	simm.s32 @!p1 $0x0  }
0x14: {  	s2 =	sld [smem:$0x3F74];
	s0 =	simm.s32 @p1 $0x1  }
0x15: {  	[smem:$0x3F91] =	sst s0;
	s0 =	simm.s32 @!p2 $0x0  }
0x16: {  	s3 =	sld [smem:$0x3FDB];
	s0 =	simm.s32 @p2 $0x1  }
0x17: {  	s4 =	simm.s32 $0x1BF5;
	[smem:$0x3F93] =	sst s0  }
0x18: {  	s0 =	sld [smem:$0x3F76];
	_ =	swait.ge [sflag:s4], $0x0  }
0x19: {  	s7 =	sld [smem:$0x3F77]  }
0x1a: {  	s8 =	sadd.s32 $0xFFFFE003, lr  }
0x1b: {  	s9 =	sadd.s32 $0xFFFFFEF7, lr;
	s5 =	simm.s32 $0xFFFFFFFF;
	p2 =	slt.u32 s8, $0xFFFFF086  }
0x1c: {  	p1 =	slt.u32 s9, $0xF7A;
	s5 =	simm.s32 @!p2 $0x0  }
0x1d: {  	s5 =	simm.s32 @p1 $0x1;
	p0 =	seq.s32 s7, s2  }
0x1e: {  	s7 =	smul.u32 @!p0 $0xF7A, s2;
	p2 =	seq.s32 @!p0 s5, $0x0  }
0x1f: {  	s9 =	smul.u32 $0xF7A, s1;
	s8 =	simm.s32 @!p0 $0x1BF5;
	p2 =	por !p2, p0  }
0x20: {  	[sflag:s8] =	ssyncset.s32 @!p0 $0xFFFFF086;
	s6 =	sadd.s32 @!p0 s3, s7;
	s7 =	simm.s32 @!p0 $0x108  }
0x21: {  	s3 =	sadd.s32 s3, s9;
	s6 =	sadd.s32 @!p0 $0x88, s6;
	s7 =	simm.s32 @p2 $0x1082  }
0x22: {  	[simem:s7], [sflag:s8] =	dma.local @!p0 [hbm:s6], $0xF7A  }
0x23: {  	s9 =	sor.u32 $0xD0000000, s2;
	s6 =	simm.s32 $0x108;
	_ =	swait.ge @!p0 [sflag:s8], $0x0  }
0x24: {  	s3 =	sadd.s32 $0x88, s3;
	s6 =	simm.s32 @!p1 $0x1082;
	[sflag:s4] =	ssyncset.s32 $0xFFFFF086  }
0x25: {  	[simem:s6], [sflag:s4] =	dma.local [hbm:s3], $0xF7A  }
0x26: {  	[smem:$0x3F77] =	sst s1;
	(tag) =	ssettag s2;
	_ =	strace s9  }
0x27: {  	s1 =	sld [smem:$0x3F87]  }
0x28: {  	s2 =	sld [smem:$0x3F88]  }
0x29: {  	s4 =	sld [smem:$0x3F8A]  }
0x2a: {  	p0 =	seq.s32 s5, $0x0;
	s5 =	sld [smem:$0x3F8B]  }
0x2b: {  	s6 =	sld [smem:$0x3F8C]  }
0x2c: {  	s7 =	sld [smem:$0x3F8D]  }
0x2d: {  	s3 =	simm.s32 $0x108;
	s8 =	sld [smem:$0x3F8E]  }
0x2e: {  	s3 =	simm.s32 @!p0 $0x1082;
	s9 =	sld [smem:$0x3F8F]  }
0x2f: {  	lr =	sadd.s32 s0, s3;
	s0 =	sld [smem:$0x3F86]  }
0x30: {  	s3 =	sld [smem:$0x3F89]  }
0x31: {  	[smem:$0x3F92] =	sst s10  }
0x32: {  	s10 =	sld [smem:$0x3F90];
	_ =	sdelay $0x3  }
0x33: {  	p0 =	seq.s32 s10, $0x1;
	s10 =	sld [smem:$0x3F92];
	_ =	sdelay $0x3  }
0x34: {  	[smem:$0x3F92] =	sst s10  }
0x35: {  	s10 =	sld [smem:$0x3F91];
	_ =	sdelay $0x3  }
0x36: {  	p1 =	seq.s32 s10, $0x1;
	s10 =	sld [smem:$0x3F92];
	_ =	sdelay $0x3  }
0x37: {  	[smem:$0x3F92] =	sst s10  }
0x38: {  	s10 =	sld [smem:$0x3F93]  }
0x39: {  	_ = 	snop;
	(pc) =	sbr.ind lr, $3  }
0x3a: {  	_ = 	snop  }
0x3b: {  	_ = 	snop  }
0x3c: {  	p2 =	seq.s32 s10, $0x1;
	s10 =	sld [smem:$0x3F92]  }
0x3d: {  	_ =	shalt  }
0x3e: {  	_ =	shalt  }
0x3f: {  	_ =	shalt  }
0x40: {  	_ =	shalt  }
0x41: {  	_ =	shalt  }
0x42: {  	_ =	shalt  }
0x43: {  	_ =	shalt  }
0x44: {  	_ =	shalt  }
0x45: {  	_ =	shalt  }
0x46: {  	_ =	shalt  }
0x47: {  	_ =	shalt  }
0x48: {  	_ =	shalt  }
0x49: {  	_ =	shalt  }
0x4a: {  	_ =	shalt  }
0x4b: {  	_ =	shalt  }
0x4c: {  	_ =	shalt  }
0x4d: {  	_ =	shalt  }
0x4e: {  	_ =	shalt  }
0x4f: {  	_ =	shalt  }
0x50: {  	_ =	shalt  }
0x51: {  	_ =	shalt  }
0x52: {  	_ =	shalt  }
0x53: {  	_ =	shalt  }
0x54: {  	_ =	shalt  }
0x55: {  	_ =	shalt  }
0x56: {  	_ =	shalt  }
0x57: {  	_ =	shalt  }
0x58: {  	_ =	shalt  }
0x59: {  	_ =	shalt  }
0x5a: {  	_ =	shalt  }
0x5b: {  	_ =	shalt  }
0x5c: {  	_ =	shalt  }
0x5d: {  	_ =	shalt  }
0x5e: {  	_ =	shalt  }
0x5f: {  	_ =	shalt  }
0x60: {  	_ =	shalt  }
0x61: {  	_ =	shalt  }
0x62: {  	_ =	shalt  }
0x63: {  	_ =	shalt  }
0x64: {  	_ =	shalt  }
0x65: {  	_ =	shalt  }
0x66: {  	_ =	shalt  }
0x67: {  	_ =	shalt  }
0x68: {  	_ =	shalt  }
0x69: {  	_ =	shalt  }
0x6a: {  	_ =	shalt  }
0x6b: {  	_ =	shalt  }
0x6c: {  	_ =	shalt  }
0x6d: {  	_ =	shalt  }
0x6e: {  	_ =	shalt  }
0x6f: {  	_ =	shalt  }
0x70: {  	_ =	shalt  }
0x71: {  	_ =	shalt  }
0x72: {  	_ =	shalt  }
0x73: {  	_ =	shalt  }
0x74: {  	_ =	shalt  }
0x75: {  	_ =	shalt  }
0x76: {  	_ =	shalt  }
0x77: {  	_ =	shalt  }
0x78: {  	_ =	shalt  }
0x79: {  	_ =	shalt  }
0x7a: {  	_ =	shalt  }
0x7b: {  	_ =	shalt  }
0x7c: {  	_ =	shalt  }
0x7d: {  	_ =	shalt  }
0x7e: {  	_ =	shalt  }
0x7f: {  	_ =	shalt  }
0x80: {  	_ =	shalt  }
0x81: {  	_ =	shalt  }
0x82: {  	_ =	shalt  }
0x83: {  	_ =	shalt  }
0x84: {  	_ =	shalt  }
0x85: {  	_ =	shalt  }
0x86: {  	_ =	shalt  }
0x87: {  	_ =	shalt  }
.Lfunc_end0:
.L_simem_size_0:
called_computation.1_lowered:
.L_overlay_start_0:
0x88: {  	s2 =	sld [smem:$0x3FD9]  }
0x89: {  	s3 =	sld [smem:$0x3FFE];
	_ =	sdelay $0x1  }
0x8a: {  	s1 =	srdreg.scid  }
0x8b: {  	s0 =	sand.u32 $0x1, s1  }
0x8c: {  	s17 =	sshll.u32 s0, $0xA;
	s2 =	sadd.s32 s3, s2  }
0x8d: {  	s2 =	sadd.s32 s2, s17  }
0x8e: {  	[smem:$0x3F9E] =	sst s2  }
0x8f: {  	_ = 	snop  }
0x90: {  	s2 =	sld [smem:$0x3FC9];
	(tm) =	ssettm $0x1  }
0x91: {  	s18 =	sld [smem:$0x3FFB];
	_ =	sdelay $0x3  }
0x92: {  	_ =	strace s18  }
0x93: {  	s3 =	sld [smem:$0x3FFC];
	_ =	sdelay $0x3  }
0x94: {  	_ =	strace s3  }
0x95: {  	s3 =	sld [smem:$0x3FFD];
	_ =	sdelay $0x3  }
0x96: {  	_ =	strace s3  }
0x97: {  	_ =	strace $0x8FFFFFFF  }
0x98: {  	s19 =	sld [smem:$0x3FDB];
	_ =	sdelay $0x1  }
0x99: {  	s4 =	simm.s32 $_scs_section_size  }
0x9a: {  	s5 =	simm.s32 $_size__tile_overlayer_lowered;
	s6 =	simm.s32 $_tile_overlayer_lowered  }
0x9b: {  	s22 =	simm.s32 $0x1BFF;
	s21 =	sshll.u32 s6, $0x1;
	s3 =	sadd.s32 s4, s19  }
0x9c: {  	s7 =	simm.s32 $0x0;
	s20 =	sshll.u32 s5, $0x1;
	s5 =	sadd.s32 s21, s3  }
0x9d: {  	[timem:s7], [sflag:s22] =	dma.local [hbm:s5], s20  }
0x9e: {  	_ =	swait.ge [sflag:s22], s20  }
0x9f: {  	s4 =	ssub.s32 $0x0, s20;
	[sflag:s22] =	ssyncset.done $0x0  }
0xa0: {  	[sflag:s22] =	ssyncadd.s32 s4;
	_ =	sdelay $0x1  }
0xa1: {  	s23 =	simm.s32 $0x1B8B  }
0xa2: {  	_ =	swait.ge [sflag:s23], $0x1  }
0xa3: {  	[sflag:s23] =	ssyncset.done $0x0  }
0xa4: {  	s25 =	simm.s32 $0x1B8E;
	s24 =	sld [smem:$0x3FFE];
	[sflag:s23] =	ssyncadd.s32 $0xFFFFFFFF  }
0xa5: {  	s26 =	simm.s32 $execute0_lowered;
	[smem:$0x3FD2] =	sst s25  }
0xa6: {  	s5 =	sshll.u32 s26, $0x1;
	_ =	strace $0x80000049;
	[dreg:$0x1] =	wrdreg $0xFFFFFFFF  }
0xa7: {  	s28 =	simm.s32 $_size_execute0_lowered;
	s3 =	sadd.s32 s3, s5;
	[dreg:$0x0] =	wrdreg $0x0  }
0xa8: {  	s5 =	sshll.u32 s28, $0x1;
	[dreg:$0x2] =	wrdreg s3  }
0xa9: {  	[dreg:$0x3] =	wrdreg s5  }
0xaa: {  	[dreg:$0x4] =	wrdreg $0xC0  }
0xab: {  	_ =	task [dreg:s7], $0x5FFFF  }
0xac: {  	[dreg:$0x1] =	wrdreg $0xFFFFFFFF  }
0xad: {  	[dreg:$0x0] =	wrdreg $0x60  }
0xae: {  	[dreg:$0x2] =	wrdreg s24  }
0xaf: {  	[dreg:$0x3] =	wrdreg s2  }
0xb0: {  	[dreg:$0x4] =	wrdreg $0x9  }
0xb1: {  	_ =	task.clear_ibuf [dreg:s7], $0x5FFFF;
	_ =	strace $0x90000049  }
0xb2: {  	s29 =	simm.s32 $0x9;
	_ =	strace $0x8000004B  }
0xb3: {  	_ =	swait.ge [sflag:s29], $0x1  }
0xb4: {  	[sflag:s29] =	ssyncadd.s32 $0xFFFFFFFF  }
0xb5: {  	_ =	strace $0x9000004B  }
0xb6: {  	_ =	sfence  }
0xb7: {  	s30 =	sld [smem:$0x0];
	_ =	sdelay $0x2  }
0xb8: {  	s31 =	sshll.u32 s1, $0xD;
	s1 =	sshrl.u32 s1, $0x2  }
0xb9: {  	s3 =	sand.u32 $0x4000, s31;
	s1 =	sadd.s32 s1, s30  }
0xba: {  	s0 =	sor.u32 s3, s0;
	s1 =	sshll.u32 s1, $0x11  }
0xbb: {  	s0 =	sor.u32 s1, s0  }
0xbc: {  	s0 =	sadd.s32 $0x8F2B, s0  }
0xbd: {  	[sflag:s0] =	ssyncadd.remote.s32 $0x1  }
0xbe: {  	_ =	sfence.sel $0xFFFF  }
0xbf: {  	[dreg:$0x0] =	wrdreg $0xFFFFFFFF;
	(pc) =	sbr.abs _section_cstart, $3  }
0xc0: {  	[dreg:$0x1] =	wrdreg $0xFFFFFFFF  }
0xc1: {  	_ =	task.clear_ibuf [dreg:s7], $0x2FFFF;
	_ =	strace $0x9FFFFFFF  }
0xc2: {  	(tm) =	ssettm $0x7FFFFFFF  }
0xc3: {  	_ =	shalt  }
tec
execute0_lowered:
.L_overlay_start_1:
0x0: {  	(tag) =	ssettag $0x1  }
0x1: {  	s0 =	srdreg.scid;
	s1 =	rddreg [dreg:$0x0]  }
0x2: {  	s2 =	stileid.u32;
	s3 =	rddreg [dreg:$0x1]  }
0x3: {  	s22 =	simm.s32 $0x2400;
	s0 =	sand.u32 $0x1, s0;
	s2 =	sshll.u32 s2, $0x1  }
0x4: {  	s21 =	simm.s32 $0x100;
	s4 =	sor.u32 s0, s2;
	s2 =	simm.s32 $0x0  }
0x5: {  	s5 =	sshll.u32 s4, $0x7;
	[smem:$0x7FF] =	sst s2;
	s6 =	sshll.u32 s4, $0xD  }
0x6: {  	s8 =	sshll.u32 s4, $0x8;
	s4 =	sshll.u32 s4, $0x2;
	s5 =	sadd.s32 s5, s1  }
0x7: {  	_ =	strace $0x8000004A;
	s3 =	sadd.s32 s3, s4;
	[dreg:$0x17] =	wrdreg s21  }
0x8: {  	s6 =	sadd.s32 s6, s1;
	s7 =	sadd.s32 $0xB4E00, s5;
	[dreg:$0x7] =	wrdreg s3  }
0x9: {  	s28 =	simm.s32 $0x1;
	s23 =	sadd.s32 $0x1EE00, s6;
	[dreg:$0x3] =	wrdreg s7  }
0xa: {  	s31 =	simm.s32 $0x280;
	s5 =	sadd.s32 $0xB3E00, s5;
	[dreg:$0x4] =	wrdreg s23  }
0xb: {  	s25 =	sadd.s32 s8, s1;
	s24 =	sadd.s32 $0x5EE00, s6;
	[dreg:$0x5] =	wrdreg s5  }
0xc: {  	s30 =	simm.s32 $0x300;
	s26 =	sadd.s32 $0x1CE00, s25;
	[dreg:$0x6] =	wrdreg s24  }
0xd: {  	s29 =	simm.s32 $0x380;
	s4 =	sadd.s32 $0x1F200, s6;
	[dreg:$0x8] =	wrdreg s26  }
0xe: {  	p0 =	por $0x0, $0x0;
	s8 =	sadd.s32 $0x1FE00, s6;
	[dreg:$0x9] =	wrdreg s4  }
0xf: {  	s20 =	sadd.s32 $0xB5E00, s1;
	s9 =	sadd.s32 $0x20200, s6;
	[dreg:$0xc] =	wrdreg s8  }
0x10: {  	s0 =	ssub.s32 $0x2, s0;
	s10 =	sadd.s32 $0x20600, s6;
	[dreg:$0xd] =	wrdreg s9  }
0x11: {  	s17 =	sshrl.u32 s0, $0x1;
	s11 =	sadd.s32 $0x20A00, s6;
	[dreg:$0xe] =	wrdreg s10  }
0x12: {  	s0 =	ssub.s32 s0, s17;
	s12 =	sadd.s32 $0x5F200, s6;
	[dreg:$0xf] =	wrdreg s11  }
0x13: {  	s21 =	simm.s32 $0x4500;
	s13 =	sadd.s32 $0x5F600, s6;
	[dreg:$0x10] =	wrdreg s12  }
0x14: {  	s17 =	simm.s32 $0x4680;
	s14 =	sadd.s32 $0x5FA00, s6;
	[dreg:$0x11] =	wrdreg s13  }
0x15: {  	s15 =	sadd.s32 $0x5FE00, s6;
	s16 =	sadd.s32 $0x60200, s6;
	[dreg:$0x12] =	wrdreg s14  }
0x16: {  	s18 =	sadd.s32 $0x60600, s6;
	s19 =	sadd.s32 $0x60A00, s6;
	[dreg:$0x13] =	wrdreg s15  }
0x17: {  	s0 =	smax.u32 s0, $0x1;
	s3 =	simm.s32 $0x6;
	[dreg:$0x14] =	wrdreg s16  }
0x18: {  	s25 =	simm.s32 $0x400;
	s5 =	sadd.s32 $0x1F600, s6;
	[dreg:$0x15] =	wrdreg s18  }
0x19: {  	s7 =	sadd.s32 $0x1FA00, s6;
	s4 =	sadd.s32 $0x9400, s1;
	[dreg:$0x16] =	wrdreg s19  }
0x1a: {  	s6 =	simm.s32 $0x80;
	s23 =	simm.s32 $0x180;
	s26 =	simm.s32 $0x2  }
0x1b: {  	s24 =	simm.s32 $0x200;
	s13 =	simm.s32 $0x4800;
	s14 =	simm.s32 $0x3  }
0x1c: {  	s11 =	simm.s32 $0x4;
	s19 =	simm.s32 $0x4580;
	s18 =	simm.s32 $0x4600  }
0x1d: {  	p1 =	sne.s32 s0, $0x1;
	s1 =	sadd.s32 $0xFFFFFFFF, s0;
	s16 =	simm.s32 $0x4700  }
.Ltmp0:
0x1e: {  	s15 =	simm.s32 $0x4780;
	[dreg:$0xa] =	wrdreg s5;
	(pc) =	sbr.rel @!p1 .LBB2_3-.Ltmp0, $4  }
0x1f: {  	s10 =	simm.s32 $0x8800;
	s12 =	simm.s32 $0x20;
	[dreg:$0xb] =	wrdreg s7  }
0x20: {  	s8 =	simm.s32 $0x8820;
	s9 =	simm.s32 $0x5;
	[dreg:$0x18] =	wrdreg s23  }
0x21: {  	s5 =	simm.s32 $0x7;
	[dreg:$0x19] =	wrdreg s24;
	s23 =	simm.s32 $0x4400  }
0x22: {  	s24 =	simm.s32 $0x4480;
	s7 =	simm.s32 $0x6800;
	s0 =	rddreg [dreg:$0x3]  }
0x23: {  	[tilespmem:s2], [sflag:$0x6] =	stream.linear.gather [hbm4b:s0+s2], $0x400, $0x38;
	[tilespmem:$0x9820] =	vst v63  }
0x24: {  	_ =	swait.ge [sflag:s3], $0x400  }
0x25: {  	[sflag:s3] =	ssyncset.done $0x0  }
0x26: {  	[sflag:s3] =	ssyncadd.s32 $0xFFFFFC00  }
0x27: {  	[tilespmem:s25], [sflag:$0x1] =	stream.indirect.gather [hbm4b:s20+s6], $0x40, s2, s6, $0xb8;
	[tilespmem:$0x9820] =	vst v63  }
0x28: {  	_ = 	snop  }
0x29: {  	[tilespmem:s22], [sflag:$0x2] =	stream.indirect.gather [hbm4b:s20+s6], $0x40, s6, s6, $0xb8;
	[tilespmem:$0x9820] =	vst v63  }
0x2a: {  	_ =	swait.ge [sflag:s28], $0x2000  }
0x2b: {  	[sflag:s28] =	ssyncset.done $0x0  }
0x2c: {  	s0 =	rddreg [dreg:$0x4];
	[sflag:s28] =	ssyncadd.s32 $0xFFFFE000  }
0x2d: {  	[hbm4b:s0+s2] =	stream.linear.scatter [tilespmem:s25], [sflag:$0x7], $0x2000, $0x38;
	[tilespmem:$0x9820] =	vst v63  }
0x2e: {  	_ =	swait.ge [sflag:s5], $0x2000  }
0x2f: {  	[sflag:s5] =	ssyncset.done $0x0  }
0x30: {  	s0 =	rddreg [dreg:$0x17];
	[sflag:s5] =	ssyncadd.s32 $0xFFFFE000  }
0x31: {  	[tilespmem:s25], [sflag:$0x1] =	stream.indirect.gather [hbm4b:s20+s6], $0x40, s0, s6, $0xb8;
	[tilespmem:$0x9820] =	vst v63  }
0x32: {  	_ =	swait.ge [sflag:s26], $0x2000  }
0x33: {  	[sflag:s26] =	ssyncset.done $0x0  }
0x34: {  	s0 =	rddreg [dreg:$0x9];
	[sflag:s26] =	ssyncadd.s32 $0xFFFFE000  }
0x35: {  	[hbm4b:s0+s2] =	stream.linear.scatter [tilespmem:s22], [sflag:$0x6], $0x2000, $0x38;
	[tilespmem:$0x9820] =	vst v63  }
0x36: {  	_ =	swait.ge [sflag:s3], $0x2000  }
0x37: {  	[sflag:s3] =	ssyncset.done $0x0  }
0x38: {  	s0 =	rddreg [dreg:$0x18];
	[sflag:s3] =	ssyncadd.s32 $0xFFFFE000  }
0x39: {  	[tilespmem:s22], [sflag:$0x2] =	stream.indirect.gather [hbm4b:s20+s6], $0x40, s0, s6, $0xb8;
	[tilespmem:$0x9820] =	vst v63  }
0x3a: {  	_ =	swait.ge [sflag:s28], $0x2000  }
0x3b: {  	[sflag:s28] =	ssyncset.done $0x0  }
0x3c: {  	s0 =	rddreg [dreg:$0xa];
	[sflag:s28] =	ssyncadd.s32 $0xFFFFE000  }
0x3d: {  	[hbm4b:s0+s2] =	stream.linear.scatter [tilespmem:s25], [sflag:$0x7], $0x2000, $0x38;
	[tilespmem:$0x9820] =	vst v63  }
0x3e: {  	_ =	swait.ge [sflag:s5], $0x2000  }
0x3f: {  	[sflag:s5] =	ssyncset.done $0x0  }
0x40: {  	s0 =	rddreg [dreg:$0x19];
	[sflag:s5] =	ssyncadd.s32 $0xFFFFE000  }
0x41: {  	[tilespmem:s25], [sflag:$0x1] =	stream.indirect.gather [hbm4b:s20+s6], $0x40, s0, s6, $0xb8;
	[tilespmem:$0x9820] =	vst v63  }
0x42: {  	_ =	swait.ge [sflag:s26], $0x2000  }
0x43: {  	[sflag:s26] =	ssyncset.done $0x0  }
0x44: {  	s0 =	rddreg [dreg:$0xb];
	[sflag:s26] =	ssyncadd.s32 $0xFFFFE000  }
0x45: {  	[hbm4b:s0+s2] =	stream.linear.scatter [tilespmem:s22], [sflag:$0x6], $0x2000, $0x38;
	[tilespmem:$0x9820] =	vst v63  }
0x46: {  	_ =	swait.ge [sflag:s3], $0x2000  }
0x47: {  	[sflag:s3] =	ssyncset.done $0x0  }
0x48: {  	[sflag:s3] =	ssyncadd.s32 $0xFFFFE000  }
0x49: {  	[tilespmem:s22], [sflag:$0x2] =	stream.indirect.gather [hbm4b:s20+s6], $0x40, s31, s6, $0xb8;
	[tilespmem:$0x9820] =	vst v63  }
0x4a: {  	_ =	swait.ge [sflag:s28], $0x2000  }
0x4b: {  	[sflag:s28] =	ssyncset.done $0x0  }
0x4c: {  	s0 =	rddreg [dreg:$0xc];
	[sflag:s28] =	ssyncadd.s32 $0xFFFFE000  }
0x4d: {  	[hbm4b:s0+s2] =	stream.linear.scatter [tilespmem:s25], [sflag:$0x7], $0x2000, $0x38;
	[tilespmem:$0x9820] =	vst v63  }
0x4e: {  	_ =	swait.ge [sflag:s5], $0x2000  }
0x4f: {  	[sflag:s5] =	ssyncset.done $0x0  }
0x50: {  	[sflag:s5] =	ssyncadd.s32 $0xFFFFE000  }
0x51: {  	[tilespmem:s25], [sflag:$0x1] =	stream.indirect.gather [hbm4b:s20+s6], $0x40, s30, s6, $0xb8;
	[tilespmem:$0x9820] =	vst v63  }
0x52: {  	_ =	swait.ge [sflag:s26], $0x2000  }
0x53: {  	[sflag:s26] =	ssyncset.done $0x0  }
0x54: {  	s0 =	rddreg [dreg:$0xd];
	[sflag:s26] =	ssyncadd.s32 $0xFFFFE000  }
0x55: {  	[hbm4b:s0+s2] =	stream.linear.scatter [tilespmem:s22], [sflag:$0x6], $0x2000, $0x38;
	[tilespmem:$0x9820] =	vst v63  }
0x56: {  	_ =	swait.ge [sflag:s3], $0x2000  }
0x57: {  	[sflag:s3] =	ssyncset.done $0x0  }
0x58: {  	[sflag:s3] =	ssyncadd.s32 $0xFFFFE000  }
0x59: {  	[tilespmem:s22], [sflag:$0x2] =	stream.indirect.gather [hbm4b:s20+s6], $0x40, s29, s6, $0xb8;
	[tilespmem:$0x9820] =	vst v63  }
0x5a: {  	_ =	swait.ge [sflag:s28], $0x2000  }
0x5b: {  	[sflag:s28] =	ssyncset.done $0x0  }
0x5c: {  	s0 =	rddreg [dreg:$0xe];
	[sflag:s28] =	ssyncadd.s32 $0xFFFFE000  }
0x5d: {  	[hbm4b:s0+s2] =	stream.linear.scatter [tilespmem:s25], [sflag:$0x7], $0x2000, $0x38;
	[tilespmem:$0x9820] =	vst v63  }
0x5e: {  	_ =	swait.ge [sflag:s5], $0x2000  }
0x5f: {  	[sflag:s5] =	ssyncset.done $0x0  }
0x60: {  	[sflag:s5] =	ssyncadd.s32 $0xFFFFE000  }
0x61: {  	_ =	swait.ge [sflag:s26], $0x2000  }
0x62: {  	[sflag:s26] =	ssyncset.done $0x0  }
0x63: {  	s0 =	rddreg [dreg:$0xf];
	[sflag:s26] =	ssyncadd.s32 $0xFFFFE000  }
0x64: {  	[hbm4b:s0+s2] =	stream.linear.scatter [tilespmem:s22], [sflag:$0x6], $0x2000, $0x38;
	[tilespmem:$0x9820] =	vst v63  }
0x65: {  	_ =	swait.ge [sflag:s3], $0x2000  }
0x66: {  	[sflag:s3] =	ssyncset.done $0x0  }
0x67: {  	s0 =	rddreg [dreg:$0x5];
	[sflag:s3] =	ssyncadd.s32 $0xFFFFE000  }
0x68: {  	[tilespmem:s23], [sflag:$0x6] =	stream.linear.gather [hbm4b:s0+s2], $0x400, $0x38;
	[tilespmem:$0x9820] =	vst v63  }
0x69: {  	_ =	swait.ge [sflag:s3], $0x400  }
0x6a: {  	[sflag:s3] =	ssyncset.done $0x0  }
0x6b: {  	[sflag:s3] =	ssyncadd.s32 $0xFFFFFC00  }
0x6c: {  	[tilespmem:s13], [sflag:$0x3] =	stream.indirect.gather [hbm4b:s4+s6], $0x40, s23, s6, $0xb8;
	[tilespmem:$0x9820] =	vst v63  }
0x6d: {  	_ = 	snop  }
0x6e: {  	[tilespmem:s7], [sflag:$0x4] =	stream.indirect.gather [hbm4b:s4+s6], $0x40, s24, s6, $0xb8;
	[tilespmem:$0x9820] =	vst v63  }
0x6f: {  	_ =	swait.ge [sflag:s14], $0x2000  }
0x70: {  	[sflag:s14] =	ssyncset.done $0x0  }
0x71: {  	s0 =	rddreg [dreg:$0x6];
	[sflag:s14] =	ssyncadd.s32 $0xFFFFE000  }
0x72: {  	[hbm4b:s0+s2] =	stream.linear.scatter [tilespmem:s13], [sflag:$0x7], $0x2000, $0x38;
	[tilespmem:$0x9820] =	vst v63  }
0x73: {  	_ =	swait.ge [sflag:s5], $0x2000  }
0x74: {  	[sflag:s5] =	ssyncset.done $0x0  }
0x75: {  	[sflag:s5] =	ssyncadd.s32 $0xFFFFE000  }
0x76: {  	[tilespmem:s13], [sflag:$0x3] =	stream.indirect.gather [hbm4b:s4+s6], $0x40, s21, s6, $0xb8;
	[tilespmem:$0x9820] =	vst v63  }
0x77: {  	_ =	swait.ge [sflag:s11], $0x2000  }
0x78: {  	[sflag:s11] =	ssyncset.done $0x0  }
0x79: {  	s0 =	rddreg [dreg:$0x10];
	[sflag:s11] =	ssyncadd.s32 $0xFFFFE000  }
0x7a: {  	[hbm4b:s0+s2] =	stream.linear.scatter [tilespmem:s7], [sflag:$0x6], $0x2000, $0x38;
	[tilespmem:$0x9820] =	vst v63  }
0x7b: {  	_ =	swait.ge [sflag:s3], $0x2000  }
0x7c: {  	[sflag:s3] =	ssyncset.done $0x0  }
0x7d: {  	[sflag:s3] =	ssyncadd.s32 $0xFFFFE000  }
0x7e: {  	[tilespmem:s7], [sflag:$0x4] =	stream.indirect.gather [hbm4b:s4+s6], $0x40, s19, s6, $0xb8;
	[tilespmem:$0x9820] =	vst v63  }
0x7f: {  	_ =	swait.ge [sflag:s14], $0x2000  }
0x80: {  	[sflag:s14] =	ssyncset.done $0x0  }
0x81: {  	s0 =	rddreg [dreg:$0x11];
	[sflag:s14] =	ssyncadd.s32 $0xFFFFE000  }
0x82: {  	[hbm4b:s0+s2] =	stream.linear.scatter [tilespmem:s13], [sflag:$0x7], $0x2000, $0x38;
	[tilespmem:$0x9820] =	vst v63  }
0x83: {  	_ =	swait.ge [sflag:s5], $0x2000  }
0x84: {  	[sflag:s5] =	ssyncset.done $0x0  }
0x85: {  	[sflag:s5] =	ssyncadd.s32 $0xFFFFE000  }
0x86: {  	[tilespmem:s13], [sflag:$0x3] =	stream.indirect.gather [hbm4b:s4+s6], $0x40, s18, s6, $0xb8;
	[tilespmem:$0x9820] =	vst v63  }
0x87: {  	_ =	swait.ge [sflag:s11], $0x2000  }
0x88: {  	[sflag:s11] =	ssyncset.done $0x0  }
0x89: {  	s0 =	rddreg [dreg:$0x12];
	[sflag:s11] =	ssyncadd.s32 $0xFFFFE000  }
0x8a: {  	[hbm4b:s0+s2] =	stream.linear.scatter [tilespmem:s7], [sflag:$0x6], $0x2000, $0x38;
	[tilespmem:$0x9820] =	vst v63  }
0x8b: {  	_ =	swait.ge [sflag:s3], $0x2000  }
0x8c: {  	[sflag:s3] =	ssyncset.done $0x0  }
0x8d: {  	[sflag:s3] =	ssyncadd.s32 $0xFFFFE000  }
0x8e: {  	[tilespmem:s7], [sflag:$0x4] =	stream.indirect.gather [hbm4b:s4+s6], $0x40, s17, s6, $0xb8;
	[tilespmem:$0x9820] =	vst v63  }
0x8f: {  	_ =	swait.ge [sflag:s14], $0x2000  }
0x90: {  	[sflag:s14] =	ssyncset.done $0x0  }
0x91: {  	s0 =	rddreg [dreg:$0x13];
	[sflag:s14] =	ssyncadd.s32 $0xFFFFE000  }
0x92: {  	[hbm4b:s0+s2] =	stream.linear.scatter [tilespmem:s13], [sflag:$0x7], $0x2000, $0x38;
	[tilespmem:$0x9820] =	vst v63  }
0x93: {  	_ =	swait.ge [sflag:s5], $0x2000  }
0x94: {  	[sflag:s5] =	ssyncset.done $0x0  }
0x95: {  	[sflag:s5] =	ssyncadd.s32 $0xFFFFE000  }
0x96: {  	[tilespmem:s13], [sflag:$0x3] =	stream.indirect.gather [hbm4b:s4+s6], $0x40, s16, s6, $0xb8;
	[tilespmem:$0x9820] =	vst v63  }
0x97: {  	_ =	swait.ge [sflag:s11], $0x2000  }
0x98: {  	[sflag:s11] =	ssyncset.done $0x0  }
0x99: {  	s0 =	rddreg [dreg:$0x14];
	[sflag:s11] =	ssyncadd.s32 $0xFFFFE000  }
0x9a: {  	[hbm4b:s0+s2] =	stream.linear.scatter [tilespmem:s7], [sflag:$0x6], $0x2000, $0x38;
	[tilespmem:$0x9820] =	vst v63  }
0x9b: {  	_ =	swait.ge [sflag:s3], $0x2000  }
0x9c: {  	[sflag:s3] =	ssyncset.done $0x0  }
0x9d: {  	[sflag:s3] =	ssyncadd.s32 $0xFFFFE000  }
0x9e: {  	[tilespmem:s7], [sflag:$0x4] =	stream.indirect.gather [hbm4b:s4+s6], $0x40, s15, s6, $0xb8;
	[tilespmem:$0x9820] =	vst v63  }
0x9f: {  	_ =	swait.ge [sflag:s14], $0x2000  }
0xa0: {  	[sflag:s14] =	ssyncset.done $0x0  }
0xa1: {  	s0 =	rddreg [dreg:$0x15];
	[sflag:s14] =	ssyncadd.s32 $0xFFFFE000  }
0xa2: {  	[hbm4b:s0+s2] =	stream.linear.scatter [tilespmem:s13], [sflag:$0x7], $0x2000, $0x38;
	[tilespmem:$0x9820] =	vst v63  }
0xa3: {  	_ =	swait.ge [sflag:s5], $0x2000  }
0xa4: {  	[sflag:s5] =	ssyncset.done $0x0  }
0xa5: {  	[sflag:s5] =	ssyncadd.s32 $0xFFFFE000  }
0xa6: {  	_ =	swait.ge [sflag:s11], $0x2000  }
0xa7: {  	[sflag:s11] =	ssyncset.done $0x0  }
0xa8: {  	s0 =	rddreg [dreg:$0x16];
	[sflag:s11] =	ssyncadd.s32 $0xFFFFE000  }
0xa9: {  	[hbm4b:s0+s2] =	stream.linear.scatter [tilespmem:s7], [sflag:$0x6], $0x2000, $0x38;
	[tilespmem:$0x9820] =	vst v63  }
0xaa: {  	_ =	swait.ge [sflag:s3], $0x2000  }
0xab: {  	[sflag:s3] =	ssyncset.done $0x0  }
0xac: {  	s0 =	rddreg [dreg:$0x7];
	[sflag:s3] =	ssyncadd.s32 $0xFFFFE000  }
0xad: {  	[tilespmem:s10], [sflag:$0x6] =	stream.linear.gather [hbm4b:s0+s2], $0x20, $0x38;
	[tilespmem:$0x9820] =	vst v63  }
0xae: {  	_ =	swait.ge [sflag:s3], $0x20  }
0xaf: {  	[sflag:s3] =	ssyncset.done $0x0  }
0xb0: {  	[sflag:s3] =	ssyncadd.s32 $0xFFFFFFE0  }
0xb1: {  	[tilespmem:s8], [sflag:$0x5] =	stream.indirect.gather [hbm4b:s4+s12], $0x40, s10, s12, $0xb8;
	[tilespmem:$0x9820] =	vst v63  }
0xb2: {  	p1 =	sne.s32 s1, $0x1;
	_ =	swait.ge [sflag:s9], $0x800  }
.Ltmp1:
0xb3: {  	[sflag:s9] =	ssyncset.done $0x0;
	(pc) =	sbr.rel @!p1 .LBB2_3-.Ltmp1, $4  }
0xb4: {  	s0 =	rddreg [dreg:$0x8];
	[sflag:s9] =	ssyncadd.s32 $0xFFFFF800  }
0xb5: {  	[hbm4b:s0+s2] =	stream.linear.scatter [tilespmem:s8], [sflag:$0x6], $0x800, $0x38;
	[tilespmem:$0x9820] =	vst v63  }
0xb6: {  	s1 =	sadd.s32 $0xFFFFFFFF, s1;
	_ =	swait.ge [sflag:s3], $0x800  }
0xb7: {  	p0 =	por $0x1, $0x1;
	s0 =	rddreg [dreg:$0x3];
	[sflag:s3] =	ssyncset.done $0x0  }
.LBB2_2:
0xb8: {  	[sflag:s3] =	ssyncadd.s32 $0xFFFFF800  }
0xb9: {  	[tilespmem:s2], [sflag:$0x6] =	stream.linear.gather [hbm4b:s0+s2], $0x400, $0x38;
	[tilespmem:$0x9820] =	vst v63  }
0xba: {  	_ =	swait.ge [sflag:s3], $0x400  }
0xbb: {  	[sflag:s3] =	ssyncset.done $0x0  }
0xbc: {  	[sflag:s3] =	ssyncadd.s32 $0xFFFFFC00  }
0xbd: {  	[tilespmem:s25], [sflag:$0x1] =	stream.indirect.gather [hbm4b:s20+s6], $0x40, s2, s6, $0xb8;
	[tilespmem:$0x9820] =	vst v63  }
0xbe: {  	_ = 	snop  }
0xbf: {  	[tilespmem:s22], [sflag:$0x2] =	stream.indirect.gather [hbm4b:s20+s6], $0x40, s6, s6, $0xb8;
	[tilespmem:$0x9820] =	vst v63  }
0xc0: {  	_ =	swait.ge [sflag:s28], $0x2000  }
0xc1: {  	[sflag:s28] =	ssyncset.done $0x0  }
0xc2: {  	s0 =	rddreg [dreg:$0x4];
	[sflag:s28] =	ssyncadd.s32 $0xFFFFE000  }
0xc3: {  	[hbm4b:s0+s2] =	stream.linear.scatter [tilespmem:s25], [sflag:$0x7], $0x2000, $0x38;
	[tilespmem:$0x9820] =	vst v63  }
0xc4: {  	_ =	swait.ge [sflag:s5], $0x2000  }
0xc5: {  	[sflag:s5] =	ssyncset.done $0x0  }
0xc6: {  	s0 =	rddreg [dreg:$0x17];
	[sflag:s5] =	ssyncadd.s32 $0xFFFFE000  }
0xc7: {  	[tilespmem:s25], [sflag:$0x1] =	stream.indirect.gather [hbm4b:s20+s6], $0x40, s0, s6, $0xb8;
	[tilespmem:$0x9820] =	vst v63  }
0xc8: {  	_ =	swait.ge [sflag:s26], $0x2000  }
0xc9: {  	[sflag:s26] =	ssyncset.done $0x0  }
0xca: {  	s0 =	rddreg [dreg:$0x9];
	[sflag:s26] =	ssyncadd.s32 $0xFFFFE000  }
0xcb: {  	[hbm4b:s0+s2] =	stream.linear.scatter [tilespmem:s22], [sflag:$0x6], $0x2000, $0x38;
	[tilespmem:$0x9820] =	vst v63  }
0xcc: {  	_ =	swait.ge [sflag:s3], $0x2000  }
0xcd: {  	[sflag:s3] =	ssyncset.done $0x0  }
0xce: {  	s0 =	rddreg [dreg:$0x18];
	[sflag:s3] =	ssyncadd.s32 $0xFFFFE000  }
0xcf: {  	[tilespmem:s22], [sflag:$0x2] =	stream.indirect.gather [hbm4b:s20+s6], $0x40, s0, s6, $0xb8;
	[tilespmem:$0x9820] =	vst v63  }
0xd0: {  	_ =	swait.ge [sflag:s28], $0x2000  }
0xd1: {  	[sflag:s28] =	ssyncset.done $0x0  }
0xd2: {  	s0 =	rddreg [dreg:$0xa];
	[sflag:s28] =	ssyncadd.s32 $0xFFFFE000  }
0xd3: {  	[hbm4b:s0+s2] =	stream.linear.scatter [tilespmem:s25], [sflag:$0x7], $0x2000, $0x38;
	[tilespmem:$0x9820] =	vst v63  }
0xd4: {  	_ =	swait.ge [sflag:s5], $0x2000  }
0xd5: {  	[sflag:s5] =	ssyncset.done $0x0  }
0xd6: {  	s0 =	rddreg [dreg:$0x19];
	[sflag:s5] =	ssyncadd.s32 $0xFFFFE000  }
0xd7: {  	[tilespmem:s25], [sflag:$0x1] =	stream.indirect.gather [hbm4b:s20+s6], $0x40, s0, s6, $0xb8;
	[tilespmem:$0x9820] =	vst v63  }
0xd8: {  	_ =	swait.ge [sflag:s26], $0x2000  }
0xd9: {  	[sflag:s26] =	ssyncset.done $0x0  }
0xda: {  	s0 =	rddreg [dreg:$0xb];
	[sflag:s26] =	ssyncadd.s32 $0xFFFFE000  }
0xdb: {  	[hbm4b:s0+s2] =	stream.linear.scatter [tilespmem:s22], [sflag:$0x6], $0x2000, $0x38;
	[tilespmem:$0x9820] =	vst v63  }
0xdc: {  	_ =	swait.ge [sflag:s3], $0x2000  }
0xdd: {  	[sflag:s3] =	ssyncset.done $0x0  }
0xde: {  	[sflag:s3] =	ssyncadd.s32 $0xFFFFE000  }
0xdf: {  	[tilespmem:s22], [sflag:$0x2] =	stream.indirect.gather [hbm4b:s20+s6], $0x40, s31, s6, $0xb8;
	[tilespmem:$0x9820] =	vst v63  }
0xe0: {  	_ =	swait.ge [sflag:s28], $0x2000  }
0xe1: {  	[sflag:s28] =	ssyncset.done $0x0  }
0xe2: {  	s0 =	rddreg [dreg:$0xc];
	[sflag:s28] =	ssyncadd.s32 $0xFFFFE000  }
0xe3: {  	[hbm4b:s0+s2] =	stream.linear.scatter [tilespmem:s25], [sflag:$0x7], $0x2000, $0x38;
	[tilespmem:$0x9820] =	vst v63  }
0xe4: {  	_ =	swait.ge [sflag:s5], $0x2000  }
0xe5: {  	[sflag:s5] =	ssyncset.done $0x0  }
0xe6: {  	[sflag:s5] =	ssyncadd.s32 $0xFFFFE000  }
0xe7: {  	[tilespmem:s25], [sflag:$0x1] =	stream.indirect.gather [hbm4b:s20+s6], $0x40, s30, s6, $0xb8;
	[tilespmem:$0x9820] =	vst v63  }
0xe8: {  	_ =	swait.ge [sflag:s26], $0x2000  }
0xe9: {  	[sflag:s26] =	ssyncset.done $0x0  }
0xea: {  	s0 =	rddreg [dreg:$0xd];
	[sflag:s26] =	ssyncadd.s32 $0xFFFFE000  }
0xeb: {  	[hbm4b:s0+s2] =	stream.linear.scatter [tilespmem:s22], [sflag:$0x6], $0x2000, $0x38;
	[tilespmem:$0x9820] =	vst v63  }
0xec: {  	_ =	swait.ge [sflag:s3], $0x2000  }
0xed: {  	[sflag:s3] =	ssyncset.done $0x0  }
0xee: {  	[sflag:s3] =	ssyncadd.s32 $0xFFFFE000  }
0xef: {  	[tilespmem:s22], [sflag:$0x2] =	stream.indirect.gather [hbm4b:s20+s6], $0x40, s29, s6, $0xb8;
	[tilespmem:$0x9820] =	vst v63  }
0xf0: {  	_ =	swait.ge [sflag:s28], $0x2000  }
0xf1: {  	[sflag:s28] =	ssyncset.done $0x0  }
0xf2: {  	s0 =	rddreg [dreg:$0xe];
	[sflag:s28] =	ssyncadd.s32 $0xFFFFE000  }
0xf3: {  	[hbm4b:s0+s2] =	stream.linear.scatter [tilespmem:s25], [sflag:$0x7], $0x2000, $0x38;
	[tilespmem:$0x9820] =	vst v63  }
0xf4: {  	_ =	swait.ge [sflag:s5], $0x2000  }
0xf5: {  	[sflag:s5] =	ssyncset.done $0x0  }
0xf6: {  	[sflag:s5] =	ssyncadd.s32 $0xFFFFE000  }
0xf7: {  	_ =	swait.ge [sflag:s26], $0x2000  }
0xf8: {  	[sflag:s26] =	ssyncset.done $0x0  }
0xf9: {  	s0 =	rddreg [dreg:$0xf];
	[sflag:s26] =	ssyncadd.s32 $0xFFFFE000  }
0xfa: {  	[hbm4b:s0+s2] =	stream.linear.scatter [tilespmem:s22], [sflag:$0x6], $0x2000, $0x38;
	[tilespmem:$0x9820] =	vst v63  }
0xfb: {  	_ =	swait.ge [sflag:s3], $0x2000  }
0xfc: {  	[sflag:s3] =	ssyncset.done $0x0  }
0xfd: {  	s0 =	rddreg [dreg:$0x5];
	[sflag:s3] =	ssyncadd.s32 $0xFFFFE000  }
0xfe: {  	[tilespmem:s23], [sflag:$0x6] =	stream.linear.gather [hbm4b:s0+s2], $0x400, $0x38;
	[tilespmem:$0x9820] =	vst v63  }
0xff: {  	_ =	swait.ge [sflag:s3], $0x400  }
0x100: {  	[sflag:s3] =	ssyncset.done $0x0  }
0x101: {  	[sflag:s3] =	ssyncadd.s32 $0xFFFFFC00  }
0x102: {  	[tilespmem:s13], [sflag:$0x3] =	stream.indirect.gather [hbm4b:s4+s6], $0x40, s23, s6, $0xb8;
	[tilespmem:$0x9820] =	vst v63  }
0x103: {  	_ = 	snop  }
0x104: {  	[tilespmem:s7], [sflag:$0x4] =	stream.indirect.gather [hbm4b:s4+s6], $0x40, s24, s6, $0xb8;
	[tilespmem:$0x9820] =	vst v63  }
0x105: {  	_ =	swait.ge [sflag:s14], $0x2000  }
0x106: {  	[sflag:s14] =	ssyncset.done $0x0  }
0x107: {  	s0 =	rddreg [dreg:$0x6];
	[sflag:s14] =	ssyncadd.s32 $0xFFFFE000  }
0x108: {  	[hbm4b:s0+s2] =	stream.linear.scatter [tilespmem:s13], [sflag:$0x7], $0x2000, $0x38;
	[tilespmem:$0x9820] =	vst v63  }
0x109: {  	_ =	swait.ge [sflag:s5], $0x2000  }
0x10a: {  	[sflag:s5] =	ssyncset.done $0x0  }
0x10b: {  	[sflag:s5] =	ssyncadd.s32 $0xFFFFE000  }
0x10c: {  	[tilespmem:s13], [sflag:$0x3] =	stream.indirect.gather [hbm4b:s4+s6], $0x40, s21, s6, $0xb8;
	[tilespmem:$0x9820] =	vst v63  }
0x10d: {  	_ =	swait.ge [sflag:s11], $0x2000  }
0x10e: {  	[sflag:s11] =	ssyncset.done $0x0  }
0x10f: {  	s0 =	rddreg [dreg:$0x10];
	[sflag:s11] =	ssyncadd.s32 $0xFFFFE000  }
0x110: {  	[hbm4b:s0+s2] =	stream.linear.scatter [tilespmem:s7], [sflag:$0x6], $0x2000, $0x38;
	[tilespmem:$0x9820] =	vst v63  }
0x111: {  	_ =	swait.ge [sflag:s3], $0x2000  }
0x112: {  	[sflag:s3] =	ssyncset.done $0x0  }
0x113: {  	[sflag:s3] =	ssyncadd.s32 $0xFFFFE000  }
0x114: {  	[tilespmem:s7], [sflag:$0x4] =	stream.indirect.gather [hbm4b:s4+s6], $0x40, s19, s6, $0xb8;
	[tilespmem:$0x9820] =	vst v63  }
0x115: {  	_ =	swait.ge [sflag:s14], $0x2000  }
0x116: {  	[sflag:s14] =	ssyncset.done $0x0  }
0x117: {  	s0 =	rddreg [dreg:$0x11];
	[sflag:s14] =	ssyncadd.s32 $0xFFFFE000  }
0x118: {  	[hbm4b:s0+s2] =	stream.linear.scatter [tilespmem:s13], [sflag:$0x7], $0x2000, $0x38;
	[tilespmem:$0x9820] =	vst v63  }
0x119: {  	_ =	swait.ge [sflag:s5], $0x2000  }
0x11a: {  	[sflag:s5] =	ssyncset.done $0x0  }
0x11b: {  	[sflag:s5] =	ssyncadd.s32 $0xFFFFE000  }
0x11c: {  	[tilespmem:s13], [sflag:$0x3] =	stream.indirect.gather [hbm4b:s4+s6], $0x40, s18, s6, $0xb8;
	[tilespmem:$0x9820] =	vst v63  }
0x11d: {  	_ =	swait.ge [sflag:s11], $0x2000  }
0x11e: {  	[sflag:s11] =	ssyncset.done $0x0  }
0x11f: {  	s0 =	rddreg [dreg:$0x12];
	[sflag:s11] =	ssyncadd.s32 $0xFFFFE000  }
0x120: {  	[hbm4b:s0+s2] =	stream.linear.scatter [tilespmem:s7], [sflag:$0x6], $0x2000, $0x38;
	[tilespmem:$0x9820] =	vst v63  }
0x121: {  	_ =	swait.ge [sflag:s3], $0x2000  }
0x122: {  	[sflag:s3] =	ssyncset.done $0x0  }
0x123: {  	[sflag:s3] =	ssyncadd.s32 $0xFFFFE000  }
0x124: {  	[tilespmem:s7], [sflag:$0x4] =	stream.indirect.gather [hbm4b:s4+s6], $0x40, s17, s6, $0xb8;
	[tilespmem:$0x9820] =	vst v63  }
0x125: {  	_ =	swait.ge [sflag:s14], $0x2000  }
0x126: {  	[sflag:s14] =	ssyncset.done $0x0  }
0x127: {  	s0 =	rddreg [dreg:$0x13];
	[sflag:s14] =	ssyncadd.s32 $0xFFFFE000  }
0x128: {  	[hbm4b:s0+s2] =	stream.linear.scatter [tilespmem:s13], [sflag:$0x7], $0x2000, $0x38;
	[tilespmem:$0x9820] =	vst v63  }
0x129: {  	_ =	swait.ge [sflag:s5], $0x2000  }
0x12a: {  	[sflag:s5] =	ssyncset.done $0x0  }
0x12b: {  	[sflag:s5] =	ssyncadd.s32 $0xFFFFE000  }
0x12c: {  	[tilespmem:s13], [sflag:$0x3] =	stream.indirect.gather [hbm4b:s4+s6], $0x40, s16, s6, $0xb8;
	[tilespmem:$0x9820] =	vst v63  }
0x12d: {  	_ =	swait.ge [sflag:s11], $0x2000  }
0x12e: {  	[sflag:s11] =	ssyncset.done $0x0  }
0x12f: {  	s0 =	rddreg [dreg:$0x14];
	[sflag:s11] =	ssyncadd.s32 $0xFFFFE000  }
0x130: {  	[hbm4b:s0+s2] =	stream.linear.scatter [tilespmem:s7], [sflag:$0x6], $0x2000, $0x38;
	[tilespmem:$0x9820] =	vst v63  }
0x131: {  	_ =	swait.ge [sflag:s3], $0x2000  }
0x132: {  	[sflag:s3] =	ssyncset.done $0x0  }
0x133: {  	[sflag:s3] =	ssyncadd.s32 $0xFFFFE000  }
0x134: {  	[tilespmem:s7], [sflag:$0x4] =	stream.indirect.gather [hbm4b:s4+s6], $0x40, s15, s6, $0xb8;
	[tilespmem:$0x9820] =	vst v63  }
0x135: {  	_ =	swait.ge [sflag:s14], $0x2000  }
0x136: {  	[sflag:s14] =	ssyncset.done $0x0  }
0x137: {  	s0 =	rddreg [dreg:$0x15];
	[sflag:s14] =	ssyncadd.s32 $0xFFFFE000  }
0x138: {  	[hbm4b:s0+s2] =	stream.linear.scatter [tilespmem:s13], [sflag:$0x7], $0x2000, $0x38;
	[tilespmem:$0x9820] =	vst v63  }
0x139: {  	_ =	swait.ge [sflag:s5], $0x2000  }
0x13a: {  	[sflag:s5] =	ssyncset.done $0x0  }
0x13b: {  	[sflag:s5] =	ssyncadd.s32 $0xFFFFE000  }
0x13c: {  	_ =	swait.ge [sflag:s11], $0x2000  }
0x13d: {  	[sflag:s11] =	ssyncset.done $0x0  }
0x13e: {  	s0 =	rddreg [dreg:$0x16];
	[sflag:s11] =	ssyncadd.s32 $0xFFFFE000  }
0x13f: {  	[hbm4b:s0+s2] =	stream.linear.scatter [tilespmem:s7], [sflag:$0x6], $0x2000, $0x38;
	[tilespmem:$0x9820] =	vst v63  }
0x140: {  	_ =	swait.ge [sflag:s3], $0x2000  }
0x141: {  	[sflag:s3] =	ssyncset.done $0x0  }
0x142: {  	s0 =	rddreg [dreg:$0x7];
	[sflag:s3] =	ssyncadd.s32 $0xFFFFE000  }
0x143: {  	[tilespmem:s10], [sflag:$0x6] =	stream.linear.gather [hbm4b:s0+s2], $0x20, $0x38;
	[tilespmem:$0x9820] =	vst v63  }
0x144: {  	_ =	swait.ge [sflag:s3], $0x20  }
0x145: {  	[sflag:s3] =	ssyncset.done $0x0  }
0x146: {  	[sflag:s3] =	ssyncadd.s32 $0xFFFFFFE0  }
0x147: {  	[tilespmem:s8], [sflag:$0x5] =	stream.indirect.gather [hbm4b:s4+s12], $0x40, s10, s12, $0xb8;
	[tilespmem:$0x9820] =	vst v63  }
0x148: {  	p1 =	sne.s32 s1, $0x1;
	_ =	swait.ge [sflag:s9], $0x800  }
.Ltmp2:
0x149: {  	[sflag:s9] =	ssyncset.done $0x0;
	(pc) =	sbr.rel @p1 .LBB2_2-.Ltmp2, $4  }
0x14a: {  	s0 =	rddreg [dreg:$0x8];
	[sflag:s9] =	ssyncadd.s32 $0xFFFFF800  }
0x14b: {  	[hbm4b:s0+s2] =	stream.linear.scatter [tilespmem:s8], [sflag:$0x6], $0x800, $0x38;
	[tilespmem:$0x9820] =	vst v63  }
0x14c: {  	_ =	swait.ge [sflag:s3], $0x800  }
0x14d: {  	s1 =	sadd.s32 $0xFFFFFFFF, s1;
	s0 =	rddreg [dreg:$0x3];
	[sflag:s3] =	ssyncset.done $0x0  }
.LBB2_3:
0x14e: {  	[sflag:s3] =	ssyncadd.s32 @p0 $0xFFFFF800  }
0x14f: {  	[tilespmem:s2], [sflag:$0x6] =	stream.linear.gather [hbm4b:s0+s2], $0x400, $0x38;
	[tilespmem:$0x9820] =	vst v63  }
0x150: {  	_ =	swait.ge [sflag:s3], $0x400  }
0x151: {  	[sflag:s3] =	ssyncset.done $0x0  }
0x152: {  	[sflag:s3] =	ssyncadd.s32 $0xFFFFFC00  }
0x153: {  	[tilespmem:s25], [sflag:$0x1] =	stream.indirect.gather [hbm4b:s20+s6], $0x40, s2, s6, $0xb8;
	[tilespmem:$0x9820] =	vst v63  }
0x154: {  	_ = 	snop  }
0x155: {  	[tilespmem:s22], [sflag:$0x2] =	stream.indirect.gather [hbm4b:s20+s6], $0x40, s6, s6, $0xb8;
	[tilespmem:$0x9820] =	vst v63  }
0x156: {  	_ =	swait.ge [sflag:s28], $0x2000  }
0x157: {  	[sflag:s28] =	ssyncset.done $0x0  }
0x158: {  	s1 =	rddreg [dreg:$0x4];
	[sflag:s28] =	ssyncadd.s32 $0xFFFFE000  }
0x159: {  	[hbm4b:s1+s2] =	stream.linear.scatter [tilespmem:s25], [sflag:$0x7], $0x2000, $0x38;
	[tilespmem:$0x9820] =	vst v63  }
0x15a: {  	_ =	swait.ge [sflag:s5], $0x2000  }
0x15b: {  	[sflag:s5] =	ssyncset.done $0x0  }
0x15c: {  	s1 =	rddreg [dreg:$0x17];
	[sflag:s5] =	ssyncadd.s32 $0xFFFFE000  }
0x15d: {  	[tilespmem:s25], [sflag:$0x1] =	stream.indirect.gather [hbm4b:s20+s6], $0x40, s1, s6, $0xb8;
	[tilespmem:$0x9820] =	vst v63  }
0x15e: {  	_ =	swait.ge [sflag:s26], $0x2000  }
0x15f: {  	[sflag:s26] =	ssyncset.done $0x0  }
0x160: {  	s1 =	rddreg [dreg:$0x9];
	[sflag:s26] =	ssyncadd.s32 $0xFFFFE000  }
0x161: {  	[hbm4b:s1+s2] =	stream.linear.scatter [tilespmem:s22], [sflag:$0x6], $0x2000, $0x38;
	[tilespmem:$0x9820] =	vst v63  }
0x162: {  	_ =	swait.ge [sflag:s3], $0x2000  }
0x163: {  	[sflag:s3] =	ssyncset.done $0x0  }
0x164: {  	s1 =	rddreg [dreg:$0x18];
	[sflag:s3] =	ssyncadd.s32 $0xFFFFE000  }
0x165: {  	[tilespmem:s22], [sflag:$0x2] =	stream.indirect.gather [hbm4b:s20+s6], $0x40, s1, s6, $0xb8;
	[tilespmem:$0x9820] =	vst v63  }
0x166: {  	_ =	swait.ge [sflag:s28], $0x2000  }
0x167: {  	[sflag:s28] =	ssyncset.done $0x0  }
0x168: {  	s1 =	rddreg [dreg:$0xa];
	[sflag:s28] =	ssyncadd.s32 $0xFFFFE000  }
0x169: {  	[hbm4b:s1+s2] =	stream.linear.scatter [tilespmem:s25], [sflag:$0x7], $0x2000, $0x38;
	[tilespmem:$0x9820] =	vst v63  }
0x16a: {  	_ =	swait.ge [sflag:s5], $0x2000  }
0x16b: {  	[sflag:s5] =	ssyncset.done $0x0  }
0x16c: {  	s1 =	rddreg [dreg:$0x19];
	[sflag:s5] =	ssyncadd.s32 $0xFFFFE000  }
0x16d: {  	[tilespmem:s25], [sflag:$0x1] =	stream.indirect.gather [hbm4b:s20+s6], $0x40, s1, s6, $0xb8;
	[tilespmem:$0x9820] =	vst v63  }
0x16e: {  	_ =	swait.ge [sflag:s26], $0x2000  }
0x16f: {  	[sflag:s26] =	ssyncset.done $0x0  }
0x170: {  	s1 =	rddreg [dreg:$0xb];
	[sflag:s26] =	ssyncadd.s32 $0xFFFFE000  }
0x171: {  	[hbm4b:s1+s2] =	stream.linear.scatter [tilespmem:s22], [sflag:$0x6], $0x2000, $0x38;
	[tilespmem:$0x9820] =	vst v63  }
0x172: {  	_ =	swait.ge [sflag:s3], $0x2000  }
0x173: {  	[sflag:s3] =	ssyncset.done $0x0  }
0x174: {  	[sflag:s3] =	ssyncadd.s32 $0xFFFFE000  }
0x175: {  	[tilespmem:s22], [sflag:$0x2] =	stream.indirect.gather [hbm4b:s20+s6], $0x40, s31, s6, $0xb8;
	[tilespmem:$0x9820] =	vst v63  }
0x176: {  	_ =	swait.ge [sflag:s28], $0x2000  }
0x177: {  	[sflag:s28] =	ssyncset.done $0x0  }
0x178: {  	s31 =	rddreg [dreg:$0xc];
	[sflag:s28] =	ssyncadd.s32 $0xFFFFE000  }
0x179: {  	[hbm4b:s31+s2] =	stream.linear.scatter [tilespmem:s25], [sflag:$0x7], $0x2000, $0x38;
	[tilespmem:$0x9820] =	vst v63  }
0x17a: {  	_ =	swait.ge [sflag:s5], $0x2000  }
0x17b: {  	[sflag:s5] =	ssyncset.done $0x0  }
0x17c: {  	[sflag:s5] =	ssyncadd.s32 $0xFFFFE000  }
0x17d: {  	[tilespmem:s25], [sflag:$0x1] =	stream.indirect.gather [hbm4b:s20+s6], $0x40, s30, s6, $0xb8;
	[tilespmem:$0x9820] =	vst v63  }
0x17e: {  	_ =	swait.ge [sflag:s26], $0x2000  }
0x17f: {  	[sflag:s26] =	ssyncset.done $0x0  }
0x180: {  	s1 =	rddreg [dreg:$0xd];
	[sflag:s26] =	ssyncadd.s32 $0xFFFFE000  }
0x181: {  	[hbm4b:s1+s2] =	stream.linear.scatter [tilespmem:s22], [sflag:$0x6], $0x2000, $0x38;
	[tilespmem:$0x9820] =	vst v63  }
0x182: {  	_ =	swait.ge [sflag:s3], $0x2000  }
0x183: {  	[sflag:s3] =	ssyncset.done $0x0  }
0x184: {  	[sflag:s3] =	ssyncadd.s32 $0xFFFFE000  }
0x185: {  	[tilespmem:s22], [sflag:$0x2] =	stream.indirect.gather [hbm4b:s20+s6], $0x40, s29, s6, $0xb8;
	[tilespmem:$0x9820] =	vst v63  }
0x186: {  	_ =	swait.ge [sflag:s28], $0x2000  }
0x187: {  	[sflag:s28] =	ssyncset.done $0x0  }
0x188: {  	s30 =	rddreg [dreg:$0xe];
	[sflag:s28] =	ssyncadd.s32 $0xFFFFE000  }
0x189: {  	[hbm4b:s30+s2] =	stream.linear.scatter [tilespmem:s25], [sflag:$0x7], $0x2000, $0x38;
	[tilespmem:$0x9820] =	vst v63  }
0x18a: {  	_ =	swait.ge [sflag:s5], $0x2000  }
0x18b: {  	[sflag:s5] =	ssyncset.done $0x0  }
0x18c: {  	[sflag:s5] =	ssyncadd.s32 $0xFFFFE000  }
0x18d: {  	_ =	swait.ge [sflag:s26], $0x2000  }
0x18e: {  	[sflag:s26] =	ssyncset.done $0x0  }
0x18f: {  	s31 =	rddreg [dreg:$0xf];
	[sflag:s26] =	ssyncadd.s32 $0xFFFFE000  }
0x190: {  	[hbm4b:s31+s2] =	stream.linear.scatter [tilespmem:s22], [sflag:$0x6], $0x2000, $0x38;
	[tilespmem:$0x9820] =	vst v63  }
0x191: {  	_ =	swait.ge [sflag:s3], $0x2000  }
0x192: {  	[sflag:s3] =	ssyncset.done $0x0  }
0x193: {  	s1 =	rddreg [dreg:$0x5];
	[sflag:s3] =	ssyncadd.s32 $0xFFFFE000  }
0x194: {  	[tilespmem:s23], [sflag:$0x6] =	stream.linear.gather [hbm4b:s1+s2], $0x400, $0x38;
	[tilespmem:$0x9820] =	vst v63  }
0x195: {  	_ =	swait.ge [sflag:s3], $0x400  }
0x196: {  	[sflag:s3] =	ssyncset.done $0x0  }
0x197: {  	[sflag:s3] =	ssyncadd.s32 $0xFFFFFC00  }
0x198: {  	[tilespmem:s13], [sflag:$0x3] =	stream.indirect.gather [hbm4b:s4+s6], $0x40, s23, s6, $0xb8;
	[tilespmem:$0x9820] =	vst v63  }
0x199: {  	_ = 	snop  }
0x19a: {  	[tilespmem:s7], [sflag:$0x4] =	stream.indirect.gather [hbm4b:s4+s6], $0x40, s24, s6, $0xb8;
	[tilespmem:$0x9820] =	vst v63  }
0x19b: {  	_ =	swait.ge [sflag:s14], $0x2000  }
0x19c: {  	[sflag:s14] =	ssyncset.done $0x0  }
0x19d: {  	s20 =	rddreg [dreg:$0x6];
	[sflag:s14] =	ssyncadd.s32 $0xFFFFE000  }
0x19e: {  	[hbm4b:s20+s2] =	stream.linear.scatter [tilespmem:s13], [sflag:$0x7], $0x2000, $0x38;
	[tilespmem:$0x9820] =	vst v63  }
0x19f: {  	_ =	swait.ge [sflag:s5], $0x2000  }
0x1a0: {  	[sflag:s5] =	ssyncset.done $0x0  }
0x1a1: {  	[sflag:s5] =	ssyncadd.s32 $0xFFFFE000  }
0x1a2: {  	[tilespmem:s13], [sflag:$0x3] =	stream.indirect.gather [hbm4b:s4+s6], $0x40, s21, s6, $0xb8;
	[tilespmem:$0x9820] =	vst v63  }
0x1a3: {  	_ =	swait.ge [sflag:s11], $0x2000  }
0x1a4: {  	[sflag:s11] =	ssyncset.done $0x0  }
0x1a5: {  	s21 =	rddreg [dreg:$0x10];
	[sflag:s11] =	ssyncadd.s32 $0xFFFFE000  }
0x1a6: {  	[hbm4b:s21+s2] =	stream.linear.scatter [tilespmem:s7], [sflag:$0x6], $0x2000, $0x38;
	[tilespmem:$0x9820] =	vst v63  }
0x1a7: {  	_ =	swait.ge [sflag:s3], $0x2000  }
0x1a8: {  	[sflag:s3] =	ssyncset.done $0x0  }
0x1a9: {  	[sflag:s3] =	ssyncadd.s32 $0xFFFFE000  }
0x1aa: {  	[tilespmem:s7], [sflag:$0x4] =	stream.indirect.gather [hbm4b:s4+s6], $0x40, s19, s6, $0xb8;
	[tilespmem:$0x9820] =	vst v63  }
0x1ab: {  	_ =	swait.ge [sflag:s14], $0x2000  }
0x1ac: {  	[sflag:s14] =	ssyncset.done $0x0  }
0x1ad: {  	s22 =	rddreg [dreg:$0x11];
	[sflag:s14] =	ssyncadd.s32 $0xFFFFE000  }
0x1ae: {  	[hbm4b:s22+s2] =	stream.linear.scatter [tilespmem:s13], [sflag:$0x7], $0x2000, $0x38;
	[tilespmem:$0x9820] =	vst v63  }
0x1af: {  	_ =	swait.ge [sflag:s5], $0x2000  }
0x1b0: {  	[sflag:s5] =	ssyncset.done $0x0  }
0x1b1: {  	[sflag:s5] =	ssyncadd.s32 $0xFFFFE000  }
0x1b2: {  	[tilespmem:s13], [sflag:$0x3] =	stream.indirect.gather [hbm4b:s4+s6], $0x40, s18, s6, $0xb8;
	[tilespmem:$0x9820] =	vst v63  }
0x1b3: {  	_ =	swait.ge [sflag:s11], $0x2000  }
0x1b4: {  	[sflag:s11] =	ssyncset.done $0x0  }
0x1b5: {  	s23 =	rddreg [dreg:$0x12];
	[sflag:s11] =	ssyncadd.s32 $0xFFFFE000  }
0x1b6: {  	[hbm4b:s23+s2] =	stream.linear.scatter [tilespmem:s7], [sflag:$0x6], $0x2000, $0x38;
	[tilespmem:$0x9820] =	vst v63  }
0x1b7: {  	_ =	swait.ge [sflag:s3], $0x2000  }
0x1b8: {  	[sflag:s3] =	ssyncset.done $0x0  }
0x1b9: {  	[sflag:s3] =	ssyncadd.s32 $0xFFFFE000  }
0x1ba: {  	[tilespmem:s7], [sflag:$0x4] =	stream.indirect.gather [hbm4b:s4+s6], $0x40, s17, s6, $0xb8;
	[tilespmem:$0x9820] =	vst v63  }
0x1bb: {  	_ =	swait.ge [sflag:s14], $0x2000  }
0x1bc: {  	[sflag:s14] =	ssyncset.done $0x0  }
0x1bd: {  	s24 =	rddreg [dreg:$0x13];
	[sflag:s14] =	ssyncadd.s32 $0xFFFFE000  }
0x1be: {  	[hbm4b:s24+s2] =	stream.linear.scatter [tilespmem:s13], [sflag:$0x7], $0x2000, $0x38;
	[tilespmem:$0x9820] =	vst v63  }
0x1bf: {  	_ =	swait.ge [sflag:s5], $0x2000  }
0x1c0: {  	[sflag:s5] =	ssyncset.done $0x0  }
0x1c1: {  	[sflag:s5] =	ssyncadd.s32 $0xFFFFE000  }
0x1c2: {  	[tilespmem:s13], [sflag:$0x3] =	stream.indirect.gather [hbm4b:s4+s6], $0x40, s16, s6, $0xb8;
	[tilespmem:$0x9820] =	vst v63  }
0x1c3: {  	_ =	swait.ge [sflag:s11], $0x2000  }
0x1c4: {  	[sflag:s11] =	ssyncset.done $0x0  }
0x1c5: {  	s25 =	rddreg [dreg:$0x14];
	[sflag:s11] =	ssyncadd.s32 $0xFFFFE000  }
0x1c6: {  	[hbm4b:s25+s2] =	stream.linear.scatter [tilespmem:s7], [sflag:$0x6], $0x2000, $0x38;
	[tilespmem:$0x9820] =	vst v63  }
0x1c7: {  	_ =	swait.ge [sflag:s3], $0x2000  }
0x1c8: {  	[sflag:s3] =	ssyncset.done $0x0  }
0x1c9: {  	[sflag:s3] =	ssyncadd.s32 $0xFFFFE000  }
0x1ca: {  	[tilespmem:s7], [sflag:$0x4] =	stream.indirect.gather [hbm4b:s4+s6], $0x40, s15, s6, $0xb8;
	[tilespmem:$0x9820] =	vst v63  }
0x1cb: {  	_ =	swait.ge [sflag:s14], $0x2000  }
0x1cc: {  	[sflag:s14] =	ssyncset.done $0x0  }
0x1cd: {  	s26 =	rddreg [dreg:$0x15];
	[sflag:s14] =	ssyncadd.s32 $0xFFFFE000  }
0x1ce: {  	[hbm4b:s26+s2] =	stream.linear.scatter [tilespmem:s13], [sflag:$0x7], $0x2000, $0x38;
	[tilespmem:$0x9820] =	vst v63  }
0x1cf: {  	_ =	swait.ge [sflag:s5], $0x2000  }
0x1d0: {  	[sflag:s5] =	ssyncset.done $0x0  }
0x1d1: {  	[sflag:s5] =	ssyncadd.s32 $0xFFFFE000  }
0x1d2: {  	_ =	swait.ge [sflag:s11], $0x2000  }
0x1d3: {  	[sflag:s11] =	ssyncset.done $0x0  }
0x1d4: {  	s28 =	rddreg [dreg:$0x16];
	[sflag:s11] =	ssyncadd.s32 $0xFFFFE000  }
0x1d5: {  	[hbm4b:s28+s2] =	stream.linear.scatter [tilespmem:s7], [sflag:$0x6], $0x2000, $0x38;
	[tilespmem:$0x9820] =	vst v63  }
0x1d6: {  	_ =	swait.ge [sflag:s3], $0x2000  }
0x1d7: {  	[sflag:s3] =	ssyncset.done $0x0  }
0x1d8: {  	s29 =	rddreg [dreg:$0x7];
	[sflag:s3] =	ssyncadd.s32 $0xFFFFE000  }
0x1d9: {  	[tilespmem:s10], [sflag:$0x6] =	stream.linear.gather [hbm4b:s29+s2], $0x20, $0x38;
	[tilespmem:$0x9820] =	vst v63  }
0x1da: {  	_ =	swait.ge [sflag:s3], $0x20  }
0x1db: {  	[sflag:s3] =	ssyncset.done $0x0  }
0x1dc: {  	[sflag:s3] =	ssyncadd.s32 $0xFFFFFFE0  }
0x1dd: {  	[tilespmem:s8], [sflag:$0x5] =	stream.indirect.gather [hbm4b:s4+s12], $0x40, s10, s12, $0xb8;
	[tilespmem:$0x9820] =	vst v63  }
0x1de: {  	_ =	swait.ge [sflag:s9], $0x800  }
0x1df: {  	[sflag:s9] =	ssyncset.done $0x0  }
0x1e0: {  	s30 =	rddreg [dreg:$0x8];
	[sflag:s9] =	ssyncadd.s32 $0xFFFFF800  }
0x1e1: {  	[hbm4b:s30+s2] =	stream.linear.scatter [tilespmem:s8], [sflag:$0x6], $0x800, $0x38;
	[tilespmem:$0x9820] =	vst v63  }
0x1e2: {  	_ =	swait.ge [sflag:s3], $0x800  }
0x1e3: {  	[sflag:s3] =	ssyncset.done $0x0  }
0x1e4: {  	[sflag:s3] =	ssyncadd.s32 $0xFFFFF800  }
0x1e5: {  	_ =	sfence.sel $0x180000  }
0x1e6: {  	[bflag:$0x0] =	sbarrier.arrive $0xFFFF  }
0x1e7: {  	_ =	strace $0x9000004A  }
0x1e8: {  	s31 =	stileid.u32;
	[bflag:$0x2] =	sbarrier.arrive $0xFFFF  }
0x1e9: {  	p0 =	sne.s32 s31, $0x0;
	s0 =	rddreg [dreg:$0x2]  }
0x1ea: {  	s0 =	sadd.s32 @!p0 $0x100000, s0  }
0x1eb: {  	[sflag:s0] =	ssyncadd.tile.s32 @!p0 $0x1;
	_ =	shalt  }
.Lfunc_end2:
_tile_overlayer_lowered:
.L_overlay_start_2:
0x1ec: {  	(tag) =	ssettag $0x2  }
0x1ed: {  	s0 =	rddreg [dreg:$0x0];
	s2 =	stileid.u32  }
0x1ee: {  	s1 =	rddreg [dreg:$0x1];
	p0 =	sne.s32 s2, $0x0  }
0x1ef: {  	s3 =	rddreg [dreg:$0x2];
	[bflag:$0x3] =	sbarrier.arrive $0xFFFF;
	s2 =	simm.s32 @!p0 $0x1C06  }
0x1f0: {  	[timem:s3], [sflag:s2] =	dma.local @!p0 [hbm:s0], s1  }
0x1f1: {  	s0 =	simm.s32 @!p0 $0x6  }
0x1f2: {  	_ =	swait.ge @!p0 [sflag:s0], s1  }
0x1f3: {  	s1 =	ssub.s32 @!p0 $0x0, s1;
	[sflag:s0] =	ssyncset.done @!p0 $0x0  }
0x1f4: {  	[sflag:s0] =	ssyncadd.s32 @!p0 s1  }
0x1f5: {  	[bflag:$0x3] =	sbarrier.arrive $0xFFFF  }
0x1f6: {  	_ =	shalt  }

// kernel: kernel.7.cloned.1.call-start
scs
__scs_entry_jumppad:
0x0: {  	(pc) =	sbr.rel $0x88, $3  }
0x1: {  	(tag) =	ssettag $0x0;
	lr =	simm.s32 $0x1  }
0x2: {  	[smem:$0x3F77] =	sst lr;
	_ =	strace $0xD0000000  }
0x3: {  	_ = 	snop  }
0x4: {  	_ = 	snop  }
0x5: {  	_ = 	snop  }
0x6: {  	_ = 	snop  }
0x7: {  	_ = 	snop  }
__scs_overlays_trampoline_lowered:
0x8: {  	[smem:$0x3F86] =	sst s0  }
0x9: {  	[smem:$0x3F87] =	sst s1  }
0xa: {  	[smem:$0x3F88] =	sst s2  }
0xb: {  	[smem:$0x3F89] =	sst s3  }
0xc: {  	[smem:$0x3F8A] =	sst s4  }
0xd: {  	[smem:$0x3F8B] =	sst s5  }
0xe: {  	[smem:$0x3F8C] =	sst s6  }
0xf: {  	[smem:$0x3F8D] =	sst s7  }
0x10: {  	[smem:$0x3F8E] =	sst s8  }
0x11: {  	[smem:$0x3F8F] =	sst s9;
	s0 =	simm.s32 @!p0 $0x0  }
0x12: {  	s1 =	sld [smem:$0x3F75];
	s0 =	simm.s32 @p0 $0x1  }
0x13: {  	[smem:$0x3F90] =	sst s0;
	s0 =	simm.s32 @!p1 $0x0  }
0x14: {  	s2 =	sld [smem:$0x3F74];
	s0 =	simm.s32 @p1 $0x1  }
0x15: {  	[smem:$0x3F91] =	sst s0;
	s0 =	simm.s32 @!p2 $0x0  }
0x16: {  	s3 =	sld [smem:$0x3FDB];
	s0 =	simm.s32 @p2 $0x1  }
0x17: {  	s4 =	simm.s32 $0x1BF5;
	[smem:$0x3F93] =	sst s0  }
0x18: {  	s0 =	sld [smem:$0x3F76];
	_ =	swait.ge [sflag:s4], $0x0  }
0x19: {  	s7 =	sld [smem:$0x3F77]  }
0x1a: {  	s8 =	sadd.s32 $0xFFFFE003, lr  }
0x1b: {  	s9 =	sadd.s32 $0xFFFFFEF7, lr;
	s5 =	simm.s32 $0xFFFFFFFF;
	p2 =	slt.u32 s8, $0xFFFFF086  }
0x1c: {  	p1 =	slt.u32 s9, $0xF7A;
	s5 =	simm.s32 @!p2 $0x0  }
0x1d: {  	s5 =	simm.s32 @p1 $0x1;
	p0 =	seq.s32 s7, s2  }
0x1e: {  	s7 =	smul.u32 @!p0 $0xF7A, s2;
	p2 =	seq.s32 @!p0 s5, $0x0  }
0x1f: {  	s9 =	smul.u32 $0xF7A, s1;
	s8 =	simm.s32 @!p0 $0x1BF5;
	p2 =	por !p2, p0  }
0x20: {  	[sflag:s8] =	ssyncset.s32 @!p0 $0xFFFFF086;
	s6 =	sadd.s32 @!p0 s3, s7;
	s7 =	simm.s32 @!p0 $0x108  }
0x21: {  	s3 =	sadd.s32 s3, s9;
	s6 =	sadd.s32 @!p0 $0x88, s6;
	s7 =	simm.s32 @p2 $0x1082  }
0x22: {  	[simem:s7], [sflag:s8] =	dma.local @!p0 [hbm:s6], $0xF7A  }
0x23: {  	s9 =	sor.u32 $0xD0000000, s2;
	s6 =	simm.s32 $0x108;
	_ =	swait.ge @!p0 [sflag:s8], $0x0  }
0x24: {  	s3 =	sadd.s32 $0x88, s3;
	s6 =	simm.s32 @!p1 $0x1082;
	[sflag:s4] =	ssyncset.s32 $0xFFFFF086  }
0x25: {  	[simem:s6], [sflag:s4] =	dma.local [hbm:s3], $0xF7A  }
0x26: {  	[smem:$0x3F77] =	sst s1;
	(tag) =	ssettag s2;
	_ =	strace s9  }
0x27: {  	s1 =	sld [smem:$0x3F87]  }
0x28: {  	s2 =	sld [smem:$0x3F88]  }
0x29: {  	s4 =	sld [smem:$0x3F8A]  }
0x2a: {  	p0 =	seq.s32 s5, $0x0;
	s5 =	sld [smem:$0x3F8B]  }
0x2b: {  	s6 =	sld [smem:$0x3F8C]  }
0x2c: {  	s7 =	sld [smem:$0x3F8D]  }
0x2d: {  	s3 =	simm.s32 $0x108;
	s8 =	sld [smem:$0x3F8E]  }
0x2e: {  	s3 =	simm.s32 @!p0 $0x1082;
	s9 =	sld [smem:$0x3F8F]  }
0x2f: {  	lr =	sadd.s32 s0, s3;
	s0 =	sld [smem:$0x3F86]  }
0x30: {  	s3 =	sld [smem:$0x3F89]  }
0x31: {  	[smem:$0x3F92] =	sst s10  }
0x32: {  	s10 =	sld [smem:$0x3F90];
	_ =	sdelay $0x3  }
0x33: {  	p0 =	seq.s32 s10, $0x1;
	s10 =	sld [smem:$0x3F92];
	_ =	sdelay $0x3  }
0x34: {  	[smem:$0x3F92] =	sst s10  }
0x35: {  	s10 =	sld [smem:$0x3F91];
	_ =	sdelay $0x3  }
0x36: {  	p1 =	seq.s32 s10, $0x1;
	s10 =	sld [smem:$0x3F92];
	_ =	sdelay $0x3  }
0x37: {  	[smem:$0x3F92] =	sst s10  }
0x38: {  	s10 =	sld [smem:$0x3F93]  }
0x39: {  	_ = 	snop;
	(pc) =	sbr.ind lr, $3  }
0x3a: {  	_ = 	snop  }
0x3b: {  	_ = 	snop  }
0x3c: {  	p2 =	seq.s32 s10, $0x1;
	s10 =	sld [smem:$0x3F92]  }
0x3d: {  	_ =	shalt  }
0x3e: {  	_ =	shalt  }
0x3f: {  	_ =	shalt  }
0x40: {  	_ =	shalt  }
0x41: {  	_ =	shalt  }
0x42: {  	_ =	shalt  }
0x43: {  	_ =	shalt  }
0x44: {  	_ =	shalt  }
0x45: {  	_ =	shalt  }
0x46: {  	_ =	shalt  }
0x47: {  	_ =	shalt  }
0x48: {  	_ =	shalt  }
0x49: {  	_ =	shalt  }
0x4a: {  	_ =	shalt  }
0x4b: {  	_ =	shalt  }
0x4c: {  	_ =	shalt  }
0x4d: {  	_ =	shalt  }
0x4e: {  	_ =	shalt  }
0x4f: {  	_ =	shalt  }
0x50: {  	_ =	shalt  }
0x51: {  	_ =	shalt  }
0x52: {  	_ =	shalt  }
0x53: {  	_ =	shalt  }
0x54: {  	_ =	shalt  }
0x55: {  	_ =	shalt  }
0x56: {  	_ =	shalt  }
0x57: {  	_ =	shalt  }
0x58: {  	_ =	shalt  }
0x59: {  	_ =	shalt  }
0x5a: {  	_ =	shalt  }
0x5b: {  	_ =	shalt  }
0x5c: {  	_ =	shalt  }
0x5d: {  	_ =	shalt  }
0x5e: {  	_ =	shalt  }
0x5f: {  	_ =	shalt  }
0x60: {  	_ =	shalt  }
0x61: {  	_ =	shalt  }
0x62: {  	_ =	shalt  }
0x63: {  	_ =	shalt  }
0x64: {  	_ =	shalt  }
0x65: {  	_ =	shalt  }
0x66: {  	_ =	shalt  }
0x67: {  	_ =	shalt  }
0x68: {  	_ =	shalt  }
0x69: {  	_ =	shalt  }
0x6a: {  	_ =	shalt  }
0x6b: {  	_ =	shalt  }
0x6c: {  	_ =	shalt  }
0x6d: {  	_ =	shalt  }
0x6e: {  	_ =	shalt  }
0x6f: {  	_ =	shalt  }
0x70: {  	_ =	shalt  }
0x71: {  	_ =	shalt  }
0x72: {  	_ =	shalt  }
0x73: {  	_ =	shalt  }
0x74: {  	_ =	shalt  }
0x75: {  	_ =	shalt  }
0x76: {  	_ =	shalt  }
0x77: {  	_ =	shalt  }
0x78: {  	_ =	shalt  }
0x79: {  	_ =	shalt  }
0x7a: {  	_ =	shalt  }
0x7b: {  	_ =	shalt  }
0x7c: {  	_ =	shalt  }
0x7d: {  	_ =	shalt  }
0x7e: {  	_ =	shalt  }
0x7f: {  	_ =	shalt  }
0x80: {  	_ =	shalt  }
0x81: {  	_ =	shalt  }
0x82: {  	_ =	shalt  }
0x83: {  	_ =	shalt  }
0x84: {  	_ =	shalt  }
0x85: {  	_ =	shalt  }
0x86: {  	_ =	shalt  }
0x87: {  	_ =	shalt  }
.Lfunc_end0:
.L_simem_size_0:
called_computation_lowered:
.L_overlay_start_0:
0x88: {  	s2 =	sld [smem:$0x3FD9]  }
0x89: {  	s3 =	sld [smem:$0x3FFE];
	_ =	sdelay $0x1  }
0x8a: {  	s1 =	srdreg.scid  }
0x8b: {  	s0 =	sand.u32 $0x1, s1  }
0x8c: {  	s17 =	sshll.u32 s0, $0xA;
	s2 =	sadd.s32 s3, s2  }
0x8d: {  	s2 =	sadd.s32 s2, s17  }
0x8e: {  	[smem:$0x3F9E] =	sst s2  }
0x8f: {  	_ = 	snop  }
0x90: {  	s2 =	sld [smem:$0x3FC9]  }
0x91: {  	s18 =	sld [smem:$0x3FC8];
	(tm) =	ssettm $0x1  }
0x92: {  	s4 =	sld [smem:$0x3FFB];
	_ =	sdelay $0x3  }
0x93: {  	_ =	strace s4  }
0x94: {  	s4 =	sld [smem:$0x3FFC];
	_ =	sdelay $0x3  }
0x95: {  	_ =	strace s4  }
0x96: {  	s4 =	sld [smem:$0x3FFD];
	_ =	sdelay $0x3  }
0x97: {  	_ =	strace s4  }
0x98: {  	_ =	strace $0x8FFFFFFF  }
0x99: {  	s19 =	sld [smem:$0x3FDB];
	_ =	sdelay $0x1  }
0x9a: {  	s5 =	simm.s32 $_scs_section_size  }
0x9b: {  	s6 =	simm.s32 $_size__tile_overlayer_lowered;
	s7 =	simm.s32 $_tile_overlayer_lowered  }
0x9c: {  	s22 =	simm.s32 $0x1BFF;
	s21 =	sshll.u32 s7, $0x1;
	s4 =	sadd.s32 s5, s19  }
0x9d: {  	s8 =	simm.s32 $0x0;
	s20 =	sshll.u32 s6, $0x1;
	s6 =	sadd.s32 s21, s4  }
0x9e: {  	[timem:s8], [sflag:s22] =	dma.local [hbm:s6], s20  }
0x9f: {  	_ =	swait.ge [sflag:s22], s20  }
0xa0: {  	s5 =	ssub.s32 $0x0, s20;
	[sflag:s22] =	ssyncset.done $0x0  }
0xa1: {  	[sflag:s22] =	ssyncadd.s32 s5;
	_ =	sdelay $0x1  }
0xa2: {  	s23 =	simm.s32 $0x1B8B  }
0xa3: {  	_ =	swait.ge [sflag:s23], $0x1  }
0xa4: {  	[sflag:s23] =	ssyncset.done $0x0  }
0xa5: {  	s25 =	simm.s32 $0x1B8E;
	s24 =	sld [smem:$0x3FFE];
	[sflag:s23] =	ssyncadd.s32 $0xFFFFFFFF  }
0xa6: {  	s26 =	simm.s32 $execute0_lowered;
	[smem:$0x3FD2] =	sst s25  }
0xa7: {  	s6 =	sshll.u32 s26, $0x1;
	_ =	strace $0x80000046;
	[dreg:$0x1] =	wrdreg $0xFFFFFFFF  }
0xa8: {  	s28 =	simm.s32 $_size_execute0_lowered;
	s4 =	sadd.s32 s4, s6;
	[dreg:$0x0] =	wrdreg $0x0  }
0xa9: {  	s6 =	sshll.u32 s28, $0x1;
	[dreg:$0x2] =	wrdreg s4  }
0xaa: {  	[dreg:$0x3] =	wrdreg s6  }
0xab: {  	[dreg:$0x4] =	wrdreg $0xC0  }
0xac: {  	_ =	task [dreg:s8], $0x5FFFF  }
0xad: {  	[dreg:$0x1] =	wrdreg $0xFFFFFFFF  }
0xae: {  	[dreg:$0x0] =	wrdreg $0x60  }
0xaf: {  	[dreg:$0x2] =	wrdreg s24  }
0xb0: {  	[dreg:$0x3] =	wrdreg s2  }
0xb1: {  	[dreg:$0x4] =	wrdreg s18  }
0xb2: {  	[dreg:$0x5] =	wrdreg $0x9  }
0xb3: {  	_ =	task.clear_ibuf [dreg:s8], $0x6FFFF;
	_ =	strace $0x90000046  }
0xb4: {  	s29 =	simm.s32 $0x9;
	_ =	strace $0x80000048  }
0xb5: {  	_ =	swait.ge [sflag:s29], $0x1  }
0xb6: {  	[sflag:s29] =	ssyncadd.s32 $0xFFFFFFFF  }
0xb7: {  	_ =	strace $0x90000048  }
0xb8: {  	_ =	sfence  }
0xb9: {  	s30 =	sld [smem:$0x0];
	_ =	sdelay $0x2  }
0xba: {  	s31 =	sshll.u32 s1, $0xD;
	s1 =	sshrl.u32 s1, $0x2  }
0xbb: {  	s3 =	sand.u32 $0x4000, s31;
	s1 =	sadd.s32 s1, s30  }
0xbc: {  	s0 =	sor.u32 s3, s0;
	s1 =	sshll.u32 s1, $0x11  }
0xbd: {  	s0 =	sor.u32 s1, s0  }
0xbe: {  	s0 =	sadd.s32 $0x8F2B, s0  }
0xbf: {  	[sflag:s0] =	ssyncadd.remote.s32 $0x1  }
0xc0: {  	_ =	sfence.sel $0xFFFF  }
0xc1: {  	[dreg:$0x0] =	wrdreg $0xFFFFFFFF;
	(pc) =	sbr.abs _section_cstart, $3  }
0xc2: {  	[dreg:$0x1] =	wrdreg $0xFFFFFFFF  }
0xc3: {  	_ =	task.clear_ibuf [dreg:s8], $0x2FFFF;
	_ =	strace $0x9FFFFFFF  }
0xc4: {  	(tm) =	ssettm $0x7FFFFFFF  }
0xc5: {  	_ =	shalt  }
tec
execute0_lowered:
.L_overlay_start_1:
0x0: {  	(tag) =	ssettag $0x1  }
0x1: {  	s0 =	rddreg [dreg:$0x0]  }
0x2: {  	s1 =	srdreg.scid;
	s4 =	rddreg [dreg:$0x1]  }
0x3: {  	s13 =	stileid.u32;
	s5 =	rddreg [dreg:$0x2];
	s28 =	simm.s32 $0x20  }
0x4: {  	s29 =	simm.s32 $0x4F30;
	s30 =	simm.s32 $0x3;
	s31 =	simm.s32 $0x5730  }
0x5: {  	s1 =	sand.u32 $0x1, s1;
	s2 =	sshll.u32 s13, $0x1;
	s8 =	sadd.s32 $0x74E00, s0  }
0x6: {  	s12 =	sadd.s32 $0x7EC00, s0;
	s14 =	sadd.s32 $0x88A00, s0;
	s19 =	smul.u32 $0x4E20, s13  }
0x7: {  	s15 =	sadd.s32 $0x9C400, s0;
	s16 =	sadd.s32 $0x27AC00, s0;
	s24 =	smul.u32 $0x27100, s13  }
0x8: {  	s6 =	sor.u32 s1, s2;
	s2 =	simm.s32 $0x0;
	s21 =	smul.u32 $0x2710, s1  }
0x9: {  	s10 =	ssub.s32 $0x2, s1;
	s1 =	smul.u32 $0x13880, s1;
	[smem:$0x7FF] =	sst s2  }
0xa: {  	s3 =	smul.u32 $0x2710, s6;
	_ =	strace $0x80000047;
	[dreg:$0x4] =	wrdreg s8  }
0xb: {  	s9 =	sshll.u32 s6, $0x7;
	s17 =	sshll.u32 s6, $0x8;
	[dreg:$0x5] =	wrdreg s12  }
0xc: {  	s11 =	sshrl.u32 s10, $0x1;
	s18 =	sshll.u32 s6, $0x2;
	[dreg:$0x6] =	wrdreg s14  }
0xd: {  	s6 =	smul.u32 $0x13880, s6;
	[dreg:$0x7] =	wrdreg s15;
	s12 =	sadd.s32 s9, s0  }
0xe: {  	s10 =	ssub.s32 s10, s11;
	s9 =	sadd.s32 s4, s18;
	s11 =	sadd.s32 s5, s18  }
0xf: {  	s4 =	sadd.s32 s21, s19;
	s19 =	simm.s32 $0x7;
	s21 =	simm.s32 $0x50  }
0x10: {  	s8 =	simm.s32 $0x6F90;
	s7 =	sshrl.u32 s3, $0x3;
	s3 =	sadd.s32 $0x9400, s0  }
0x11: {  	s20 =	sadd.s32 $0xB3E00, s12;
	s22 =	sadd.s32 $0xB4E00, s12;
	s25 =	smax.u32 s10, $0x1  }
0x12: {  	s4 =	sshll.u32 s4, $0x3;
	s26 =	sadd.s32 s16, s6;
	s6 =	simm.s32 $0x5  }
0x13: {  	s10 =	simm.s32 $0x6;
	s12 =	simm.s32 $0x0;
	[dreg:$0x9] =	wrdreg s20  }
0x14: {  	s7 =	sadd.s32 s7, s0;
	s0 =	sadd.s32 s17, s0;
	[dreg:$0xa] =	wrdreg s22  }
0x15: {  	[dreg:$0xd] =	wrdreg s25;
	s4 =	sadd.s32 s16, s4;
	s5 =	sadd.s32 $0x13600, s26  }
0x16: {  	s20 =	simm.s32 $0x2710;
	s22 =	simm.s32 $0x3B10;
	s25 =	simm.s32 $0x2  }
0x17: {  	s26 =	simm.s32 $0x4F10;
	s7 =	sadd.s32 $0x6B000, s7;
	[dreg:$0xe] =	wrdreg s5  }
0x18: {  	s23 =	sadd.s32 $0xAFE00, s0;
	s0 =	sadd.s32 $0xB1E00, s0;
	[dreg:$0x8] =	wrdreg s7  }
0x19: {  	s18 =	sadd.s32 $0x280, s4;
	s4 =	simm.s32 $0x5F50;
	[dreg:$0xb] =	wrdreg s23  }
0x1a: {  	s5 =	simm.s32 $0x5F70;
	[dreg:$0xc] =	wrdreg s0;
	s0 =	sadd.s32 s24, s16  }
0x1b: {  	s23 =	simm.s32 $0x1;
	s24 =	simm.s32 $0x8;
	s7 =	simm.s32 $0x6F70  }
0x1c: {  	s17 =	sadd.s32 s1, s0;
	s1 =	simm.s32 $0x5750;
	s0 =	simm.s32 $0x4  }
.LBB2_1:
0x1d: {  	s13 =	rddreg [dreg:$0x8]  }
0x1e: {  	[tilespmem:s2], [sflag:$0x7] =	stream.linear.gather [hbm4b:s13+s2], $0x2710, $0x38;
	[tilespmem:$0x7F90] =	vst v63  }
0x1f: {  	_ =	swait.ge [sflag:s19], $0x2710  }
0x20: {  	[sflag:s19] =	ssyncset.done $0x0  }
0x21: {  	[sflag:s19] =	ssyncadd.s32 $0xFFFFD8F0  }
0x22: {  	[tilespmem:s20], [sflag:$0x1] =	stream.indirect.gather [hbm4b:s3+s21], $0x40, s2, s21, $0xb8;
	[tilespmem:$0x7F90] =	vst v63  }
0x23: {  	_ = 	snop  }
0x24: {  	[tilespmem:s22], [sflag:$0x2] =	stream.indirect.gather [hbm4b:s3+s21], $0x40, s21, s21, $0xb8;
	[tilespmem:$0x7F90] =	vst v63  }
0x25: {  	_ =	swait.ge [sflag:s23], $0x1400  }
0x26: {  	[sflag:s23] =	ssyncset.done $0x0  }
0x27: {  	s14 =	sadd.s32 $0x0, s17;
	[sflag:s23] =	ssyncadd.s32 $0xFFFFEC00  }
0x28: {  	[hbm4b:s14+s2] =	stream.linear.scatter [tilespmem:s20], [sflag:$0x8], $0x1400, $0x38;
	[tilespmem:$0x7F90] =	vst v63  }
0x29: {  	_ =	swait.ge [sflag:s24], $0x1400  }
0x2a: {  	[sflag:s24] =	ssyncset.done $0x0  }
0x2b: {  	s15 =	simm.s32 $0xA0;
	[sflag:s24] =	ssyncadd.s32 $0xFFFFEC00  }
0x2c: {  	[tilespmem:s20], [sflag:$0x1] =	stream.indirect.gather [hbm4b:s3+s21], $0x40, s15, s21, $0xb8;
	[tilespmem:$0x7F90] =	vst v63  }
0x2d: {  	_ =	swait.ge [sflag:s25], $0x1400  }
0x2e: {  	[sflag:s25] =	ssyncset.done $0x0  }
0x2f: {  	s16 =	sadd.s32 $0x0, s18;
	[sflag:s25] =	ssyncadd.s32 $0xFFFFEC00  }
0x30: {  	[hbm4b:s16+s2] =	stream.linear.scatter [tilespmem:s22], [sflag:$0x7], $0x1400, $0x38;
	[tilespmem:$0x7F90] =	vst v63  }
0x31: {  	_ =	swait.ge [sflag:s19], $0x1400  }
0x32: {  	s13 =	simm.s32 $0x500;
	s14 =	simm.s32 $0x50;
	[sflag:s19] =	ssyncset.done $0x0  }
.LBB2_2:
0x33: {  	p0 =	sne.s32 s13, $0x13100;
	[sflag:s19] =	ssyncadd.s32 $0xFFFFEC00;
	s14 =	sadd.s32 $0xA0, s14  }
0x34: {  	[tilespmem:s22], [sflag:$0x2] =	stream.indirect.gather [hbm4b:s3+s21], $0x40, s14, s21, $0xb8;
	[tilespmem:$0x7F90] =	vst v63  }
0x35: {  	s15 =	smov.u32 s13;
	s13 =	sadd.s32 $0x500, s13;
	_ =	swait.ge [sflag:s23], $0x1400  }
0x36: {  	[sflag:s23] =	ssyncset.done $0x0  }
0x37: {  	s16 =	sadd.s32 s15, s17;
	[sflag:s23] =	ssyncadd.s32 $0xFFFFEC00  }
0x38: {  	[hbm4b:s16+s2] =	stream.linear.scatter [tilespmem:s20], [sflag:$0x8], $0x1400, $0x38;
	[tilespmem:$0x7F90] =	vst v63  }
0x39: {  	_ =	swait.ge [sflag:s24], $0x1400  }
0x3a: {  	[sflag:s24] =	ssyncset.done $0x0  }
0x3b: {  	s16 =	sadd.s32 $0x50, s14;
	[sflag:s24] =	ssyncadd.s32 $0xFFFFEC00  }
0x3c: {  	[tilespmem:s20], [sflag:$0x1] =	stream.indirect.gather [hbm4b:s3+s21], $0x40, s16, s21, $0xb8;
	[tilespmem:$0x7F90] =	vst v63  }
0x3d: {  	_ =	swait.ge [sflag:s25], $0x1400  }
.Ltmp0:
0x3e: {  	[sflag:s25] =	ssyncset.done $0x0;
	(pc) =	sbr.rel @p0 .LBB2_2-.Ltmp0, $4  }
0x3f: {  	s15 =	sadd.s32 s15, s18;
	[sflag:s25] =	ssyncadd.s32 $0xFFFFEC00  }
0x40: {  	[hbm4b:s15+s2] =	stream.linear.scatter [tilespmem:s22], [sflag:$0x7], $0x1400, $0x38;
	[tilespmem:$0x7F90] =	vst v63  }
0x41: {  	_ =	swait.ge [sflag:s19], $0x1400  }
0x42: {  	[sflag:s19] =	ssyncset.done $0x0  }
0x43: {  	[sflag:s19] =	ssyncadd.s32 $0xFFFFEC00  }
0x44: {  	_ =	swait.ge [sflag:s23], $0x1400  }
0x45: {  	[sflag:s23] =	ssyncset.done $0x0  }
0x46: {  	s13 =	rddreg [dreg:$0xe];
	[sflag:s23] =	ssyncadd.s32 $0xFFFFEC00  }
0x47: {  	[hbm4b:s13+s2] =	stream.linear.scatter [tilespmem:s20], [sflag:$0x8], $0x1400, $0x38;
	[tilespmem:$0x7F90] =	vst v63  }
0x48: {  	_ =	swait.ge [sflag:s24], $0x1400  }
0x49: {  	[sflag:s24] =	ssyncset.done $0x0  }
0x4a: {  	[sflag:s24] =	ssyncadd.s32 $0xFFFFEC00  }
0x4b: {  	[tilespmem:s26], [sflag:$0x7] =	stream.linear.gather [hbm4b:s9+s2], $0x20, $0x38;
	[tilespmem:$0x7F90] =	vst v63  }
0x4c: {  	_ =	swait.ge [sflag:s19], $0x20  }
0x4d: {  	[sflag:s19] =	ssyncset.done $0x0  }
0x4e: {  	s14 =	rddreg [dreg:$0x4];
	[sflag:s19] =	ssyncadd.s32 $0xFFFFFFE0  }
0x4f: {  	[tilespmem:s29], [sflag:$0x3] =	stream.indirect.gather [hbm4b:s14+s28], $0x20, s26, s28, $0xb8;
	[tilespmem:$0x7F90] =	vst v63  }
0x50: {  	_ =	swait.ge [sflag:s30], $0x400  }
0x51: {  	[sflag:s30] =	ssyncset.done $0x0  }
0x52: {  	s15 =	rddreg [dreg:$0x9];
	[sflag:s30] =	ssyncadd.s32 $0xFFFFFC00  }
0x53: {  	[hbm4b:s15+s2] =	stream.linear.scatter [tilespmem:s29], [sflag:$0x7], $0x400, $0x38;
	[tilespmem:$0x7F90] =	vst v63  }
0x54: {  	_ =	swait.ge [sflag:s19], $0x400  }
0x55: {  	[sflag:s19] =	ssyncset.done $0x0  }
0x56: {  	[sflag:s19] =	ssyncadd.s32 $0xFFFFFC00  }
0x57: {  	[tilespmem:s31], [sflag:$0x7] =	stream.linear.gather [hbm4b:s11+s2], $0x20, $0x38;
	[tilespmem:$0x7F90] =	vst v63  }
0x58: {  	_ =	swait.ge [sflag:s19], $0x20  }
0x59: {  	[sflag:s19] =	ssyncset.done $0x0  }
0x5a: {  	s16 =	rddreg [dreg:$0x5];
	[sflag:s19] =	ssyncadd.s32 $0xFFFFFFE0  }
0x5b: {  	[tilespmem:s1], [sflag:$0x4] =	stream.indirect.gather [hbm4b:s16+s28], $0x20, s31, s28, $0xb8;
	[tilespmem:$0x7F90] =	vst v63  }
0x5c: {  	_ =	swait.ge [sflag:s0], $0x400  }
0x5d: {  	[sflag:s0] =	ssyncset.done $0x0  }
0x5e: {  	s14 =	rddreg [dreg:$0xa];
	[sflag:s0] =	ssyncadd.s32 $0xFFFFFC00  }
0x5f: {  	[hbm4b:s14+s2] =	stream.linear.scatter [tilespmem:s1], [sflag:$0x7], $0x400, $0x38;
	[tilespmem:$0x7F90] =	vst v63  }
0x60: {  	_ =	swait.ge [sflag:s19], $0x400  }
0x61: {  	[sflag:s19] =	ssyncset.done $0x0  }
0x62: {  	[sflag:s19] =	ssyncadd.s32 $0xFFFFFC00  }
0x63: {  	[tilespmem:s4], [sflag:$0x7] =	stream.linear.gather [hbm4b:s9+s2], $0x20, $0x38;
	[tilespmem:$0x7F90] =	vst v63  }
0x64: {  	_ =	swait.ge [sflag:s19], $0x20  }
0x65: {  	[sflag:s19] =	ssyncset.done $0x0  }
0x66: {  	s15 =	rddreg [dreg:$0x6];
	[sflag:s19] =	ssyncadd.s32 $0xFFFFFFE0  }
0x67: {  	[tilespmem:s5], [sflag:$0x5] =	stream.indirect.gather [hbm4b:s15+s28], $0x40, s4, s28, $0xb8;
	[tilespmem:$0x7F90] =	vst v63  }
0x68: {  	_ =	swait.ge [sflag:s6], $0x800  }
0x69: {  	[sflag:s6] =	ssyncset.done $0x0  }
0x6a: {  	s16 =	rddreg [dreg:$0xb];
	[sflag:s6] =	ssyncadd.s32 $0xFFFFF800  }
0x6b: {  	[hbm4b:s16+s2] =	stream.linear.scatter [tilespmem:s5], [sflag:$0x7], $0x800, $0x38;
	[tilespmem:$0x7F90] =	vst v63  }
0x6c: {  	_ =	swait.ge [sflag:s19], $0x800  }
0x6d: {  	[sflag:s19] =	ssyncset.done $0x0  }
0x6e: {  	[sflag:s19] =	ssyncadd.s32 $0xFFFFF800  }
0x6f: {  	[tilespmem:s7], [sflag:$0x7] =	stream.linear.gather [hbm4b:s11+s2], $0x20, $0x38;
	[tilespmem:$0x7F90] =	vst v63  }
0x70: {  	_ =	swait.ge [sflag:s19], $0x20  }
0x71: {  	[sflag:s19] =	ssyncset.done $0x0  }
0x72: {  	s14 =	rddreg [dreg:$0x7];
	[sflag:s19] =	ssyncadd.s32 $0xFFFFFFE0  }
0x73: {  	[tilespmem:s8], [sflag:$0x6] =	stream.indirect.gather [hbm4b:s14+s28], $0x40, s7, s28, $0xb8;
	[tilespmem:$0x7F90] =	vst v63  }
0x74: {  	_ =	swait.ge [sflag:s10], $0x800  }
0x75: {  	[sflag:s10] =	ssyncset.done $0x0  }
0x76: {  	s15 =	rddreg [dreg:$0xc];
	[sflag:s10] =	ssyncadd.s32 $0xFFFFF800  }
0x77: {  	[hbm4b:s15+s2] =	stream.linear.scatter [tilespmem:s8], [sflag:$0x7], $0x800, $0x38;
	[tilespmem:$0x7F90] =	vst v63  }
0x78: {  	_ =	swait.ge [sflag:s19], $0x800  }
0x79: {  	s12 =	sadd.s32 $0x1, s12;
	s16 =	rddreg [dreg:$0xd]  }
0x7a: {  	p0 =	sne.s32 s12, s16  }
.Ltmp1:
0x7b: {  	_ = 	snop;
	(pc) =	sbr.rel @p0 .LBB2_1-.Ltmp1, $3  }
0x7c: {  	_ =	sdelay $0x1  }
0x7d: {  	[sflag:s19] =	ssyncset.done $0x0  }
0x7e: {  	[sflag:s19] =	ssyncadd.s32 $0xFFFFF800  }
0x7f: {  	_ =	sfence.sel $0x180000  }
0x80: {  	[bflag:$0x0] =	sbarrier.arrive $0xFFFF  }
0x81: {  	_ =	strace $0x90000047  }
0x82: {  	s0 =	stileid.u32;
	[bflag:$0x2] =	sbarrier.arrive $0xFFFF  }
0x83: {  	p0 =	sne.s32 s0, $0x0;
	s0 =	rddreg [dreg:$0x3]  }
0x84: {  	s0 =	sadd.s32 @!p0 $0x100000, s0  }
0x85: {  	[sflag:s0] =	ssyncadd.tile.s32 @!p0 $0x1;
	_ =	shalt  }
.Lfunc_end2:
_tile_overlayer_lowered:
.L_overlay_start_2:
0x86: {  	(tag) =	ssettag $0x2  }
0x87: {  	s0 =	rddreg [dreg:$0x0];
	s2 =	stileid.u32  }
0x88: {  	s1 =	rddreg [dreg:$0x1];
	p0 =	sne.s32 s2, $0x0  }
0x89: {  	s3 =	rddreg [dreg:$0x2];
	[bflag:$0x3] =	sbarrier.arrive $0xFFFF;
	s2 =	simm.s32 @!p0 $0x1C07  }
0x8a: {  	[timem:s3], [sflag:s2] =	dma.local @!p0 [hbm:s0], s1  }
0x8b: {  	s0 =	simm.s32 @!p0 $0x7  }
0x8c: {  	_ =	swait.ge @!p0 [sflag:s0], s1  }
0x8d: {  	s1 =	ssub.s32 @!p0 $0x0, s1;
	[sflag:s0] =	ssyncset.done @!p0 $0x0  }
0x8e: {  	[sflag:s0] =	ssyncadd.s32 @!p0 s1  }
0x8f: {  	[bflag:$0x3] =	sbarrier.arrive $0xFFFF  }
0x90: {  	_ =	shalt  }

</sc_bundles>
